<compile_context>
chip_gen: v7x
topology: tpu7x:2x2x1
jax: 0.10.2.dev20260603
libtpu: 0.0.44.dev20260713+nightly
codegen_flags: <defaults>
</compile_context>

<pallas_src>
import functools

import jax
import jax.numpy as jnp
from jax.experimental import pallas as pl
from jax.experimental.pallas import tpu as pltpu
from jax.experimental.pallas import tpu_sc as plsc

DIM = 1024
INTER = 512
NE = 16
TOPK = 2
NG = 18
M = 256
MSH = M.bit_length() - 1
CH = 128
CHC = 512
NMETA = 8


def _router_body(x_ref, gw_ref, pos_ref, wts_ref, meta_ref, cum_ref, oh_ref):
    nt = x_ref.shape[0]
    s = jax.lax.dot_general(x_ref[...], gw_ref[...], (((1,), (1,)), ((), ())),
                            preferred_element_type=jnp.float32)
    m = jnp.max(s, axis=1, keepdims=True)
    p = jnp.exp(s - m)
    sm = p / jnp.sum(p, axis=1, keepdims=True)
    lane = jax.lax.broadcasted_iota(jnp.int32, (nt, NE), 1)
    m1 = jnp.max(sm, axis=1, keepdims=True)
    i1 = jnp.min(jnp.where(sm == m1, lane, NE), axis=1, keepdims=True)
    sm2 = jnp.where(lane == i1, -1.0, sm)
    m2 = jnp.max(sm2, axis=1, keepdims=True)
    i2 = jnp.min(jnp.where(sm2 == m2, lane, NE), axis=1, keepdims=True)
    oh_ref[...] = ((lane == i1) | (lane == i2)).astype(jnp.float32)

    r = jax.lax.broadcasted_iota(jnp.int32, (CHC, CHC), 0)
    c = jax.lax.broadcasted_iota(jnp.int32, (CHC, CHC), 1)
    tri = (r >= c).astype(jnp.float32)

    def step(i, carry):
        ch = oh_ref[pl.ds(i * CHC, CHC), :]
        incl = jax.lax.dot_general(tri, ch, (((1,), (0,)), ((), ())),
                                   preferred_element_type=jnp.float32)
        cum_ref[pl.ds(i * CHC, CHC), :] = incl - ch + carry
        return carry + incl[CHC - 1:CHC, :]

    counts = jax.lax.fori_loop(0, nt // CHC, step, jnp.zeros((1, NE), jnp.float32))

    lane1 = lane[0:1, :]
    off = jnp.zeros((1, NE), jnp.float32)
    for k in range(NE):
        ck = jnp.sum(jnp.where(lane1 == k, counts, 0.0), axis=1, keepdims=True)
        off = off + jnp.where(lane1 > k, ck, 0.0)

    cum = cum_ref[...]
    offb = jnp.broadcast_to(off, (nt, NE))
    pos1 = jnp.sum(jnp.where(lane == i1, cum + offb, 0.0), axis=1, keepdims=True)
    pos2 = jnp.sum(jnp.where(lane == i2, cum + offb, 0.0), axis=1, keepdims=True)
    pos_ref[...] = jnp.concatenate([pos1, pos2], axis=1).astype(jnp.int32)
    wts_ref[...] = jnp.concatenate([m1, m2], axis=1)

    nr = nt * TOPK
    nb_r = nr // M
    nb_x = nt // M
    nb = (nr + nt) // M
    steps = nb_r + (NE - 1) + nb_x
    ngr = NE + 1
    gl = jax.lax.broadcasted_iota(jnp.int32, (1, 32), 1)
    cnt_i = jnp.zeros((1, 32), jnp.int32)
    for k in range(NE):
        ck = jnp.sum(jnp.where(lane1 == k, counts, 0.0), axis=1, keepdims=True)
        cnt_i = cnt_i + jnp.where(gl == k, ck.astype(jnp.int32), 0)
    sizes = jnp.where(gl < NE, cnt_i,
                      jnp.where(gl < ngr, nt, 0))
    offg = jnp.zeros((1, 32), jnp.int32)
    for k in range(ngr):
        ck = jnp.sum(jnp.where(gl == k, sizes, 0), axis=1, keepdims=True)
        offg = offg + jnp.where(gl > k, ck, 0)
    endg = offg + sizes
    fblk = offg >> MSH
    lblk = (endg - 1) >> MSH
    tiles = jnp.where((sizes > 0) & (gl < ngr), lblk - fblk + 1, 0)
    ctiles = jnp.zeros((1, 32), jnp.int32)
    for k in range(ngr):
        ck = jnp.sum(jnp.where(gl == k, tiles, 0), axis=1, keepdims=True)
        ctiles = ctiles + jnp.where(gl >= k, ck, 0)
    sstart = ctiles - tiles

    tcol = jax.lax.broadcasted_iota(jnp.int32, (CH, 1), 0)
    big = jnp.broadcast_to(jnp.where(gl < ngr, ctiles, 10 ** 9), (CH, 32))
    e_arr = jnp.sum((big <= tcol).astype(jnp.int32), axis=1, keepdims=True)

    def glut(v):
        return jnp.sum(jnp.where(
            jax.lax.broadcasted_iota(jnp.int32, (CH, 32), 1) == e_arr,
            jnp.broadcast_to(v, (CH, 32)), 0), axis=1, keepdims=True)

    valid = (e_arr < ngr) & (tcol < steps)
    j = tcol - glut(sstart)
    m_glob = jnp.where(valid, glut(fblk) + j, nb - 1)
    ms = jnp.minimum(m_glob, nb_r - 1)
    mx = jnp.where(valid & (e_arr == NE), m_glob - nb_r,
                   jnp.where(e_arr > NE, nb_x - 1, 0))
    ew = jnp.minimum(e_arr, NE - 1)
    lo = jnp.where(valid, glut(offg), 0)
    hi = jnp.where(valid, glut(endg), 0)
    sh = (e_arr >= NE).astype(jnp.int32)
    fi = (valid & ((j > 0) | ((glut(offg) & (M - 1)) == 0))).astype(jnp.int32)

    mcol = jax.lax.broadcasted_iota(jnp.int32, (CH, NMETA), 1)
    meta = jnp.where(mcol == 0, ms, 0)
    for k, v in enumerate([mx, m_glob, ew, lo, hi, jnp.zeros_like(fi), fi]):
        meta = meta + jnp.where(mcol == k + 1, v, 0)
    meta_ref[...] = jnp.where(mcol == 7, jnp.where(sh == 1, fi + 2, fi), meta)


_SC_NC = 2
_SC_NS = 16
_NW = _SC_NC * _SC_NS


def _dispatch_body(x_hbm, p0_hbm, p1_hbm, a_hbm,
                   xr_a, xr_b, i0_a, i0_b, i1_a, i1_b,
                   stg_a, stg_b, sca_a, sca_b):
    w = jax.lax.axis_index("s") * _SC_NC + jax.lax.axis_index("c")
    nt = x_hbm.shape[0]
    tpw = nt // _NW
    tc = 32
    nch = tpw // tc
    base = w * tpw
    bufs = [(xr_a, i0_a, i1_a, stg_a, sca_a),
            (xr_b, i0_b, i1_b, stg_b, sca_b)]

    def stage(c, b):
        xr, i0, i1, stg, _ = b
        tb = base + c * tc
        return [pltpu.async_copy(x_hbm.at[pl.ds(tb, tc)], xr, stg),
                pltpu.async_copy(p0_hbm.at[pl.ds(tb, tc)], i0, stg),
                pltpu.async_copy(p1_hbm.at[pl.ds(tb, tc)], i1, stg)]

    def scatter(b):
        xr, i0, i1, _, sca = b
        return [pltpu.async_copy(xr, a_hbm.at[i0], sca),
                pltpu.async_copy(xr, a_hbm.at[i1], sca)]

    sc_pend = [[], []]
    st_pend = {0: stage(0, bufs[0])}
    for c in range(nch):
        p = c % 2
        if c + 1 < nch:
            for h in sc_pend[1 - p]:
                h.wait()
            sc_pend[1 - p] = []
            st_pend[c + 1] = stage(c + 1, bufs[1 - p])
        for h in st_pend.pop(c):
            h.wait()
        sc_pend[p] = scatter(bufs[p])
    for lst in sc_pend:
        for h in lst:
            h.wait()


def _gmm_body(meta_ref, a_ref, x_ref, gw_ref, up_ref, dw_ref,
              gws_ref, ups_ref, dws_ref, out_ref):
    t = pl.program_id(0)
    rows = meta_ref[t, 2] * M + jax.lax.broadcasted_iota(jnp.int32, (M, 1), 0)
    inb = (rows >= meta_ref[t, 4]) & (rows < meta_ref[t, 5])
    mask = inb.astype(jnp.float32)
    code = meta_ref[t, 7]

    def ffn(a, gw, up, dw, scale):
        hg = jax.lax.dot_general(a, gw, (((1,), (1,)), ((), ())),
                                 preferred_element_type=jnp.float32)
        hu = jax.lax.dot_general(a, up, (((1,), (1,)), ((), ())),
                                 preferred_element_type=jnp.float32)
        h = hg * jax.lax.logistic(hg) * hu * scale
        return jax.lax.dot_general(h, dw, (((1,), (1,)), ((), ())),
                                   preferred_element_type=jnp.float32)

    def routed_ffn():
        return ffn(a_ref[...], gw_ref[0], up_ref[0], dw_ref[0], mask)

    @pl.when(code == 0)
    def _():
        out_ref[...] += routed_ffn()

    @pl.when(code == 1)
    def _():
        out_ref[...] = routed_ffn()

    def shared_ffn():
        a = x_ref[...]
        return (ffn(a, gws_ref[0], ups_ref[0], dws_ref[0], mask)
                + ffn(a, gws_ref[1], ups_ref[1], dws_ref[1], mask))

    @pl.when(code == 2)
    def _():
        out_ref[...] += shared_ffn()

    @pl.when(code == 3)
    def _():
        out_ref[...] = shared_ffn()


def kernel(x, gate_w, expert_gate_w, expert_up_w, expert_down_w,
           shared_gate_w, shared_up_w, shared_down_w):
    shape = x.shape
    xf = x.reshape(-1, DIM).astype(jnp.float32)
    nt = xf.shape[0]
    nr = nt * TOPK
    rtot = nr + nt
    nb_r = nr // M
    nb_x = nt // M
    steps = nb_r + (NE - 1) + nb_x

    pos, wts, meta = pl.pallas_call(
        _router_body,
        out_shape=(
            jax.ShapeDtypeStruct((nt, TOPK), jnp.int32),
            jax.ShapeDtypeStruct((nt, TOPK), jnp.float32),
            jax.ShapeDtypeStruct((CH, NMETA), jnp.int32),
        ),
        scratch_shapes=[pltpu.VMEM((nt, NE), jnp.float32),
                        pltpu.VMEM((nt, NE), jnp.float32)],
    )(xf, gate_w.astype(jnp.float32))

    pos0 = pos[:, 0]
    pos1 = pos[:, 1]
    dispatch = pl.kernel(
        _dispatch_body,
        out_type=jax.ShapeDtypeStruct((nr, DIM), jnp.float32),
        mesh=plsc.VectorSubcoreMesh(core_axis_name="c", subcore_axis_name="s"),
        scratch_types=(
            [pltpu.VMEM((32, DIM), jnp.float32)] * 2
            + [pltpu.VMEM((32,), jnp.int32)] * 4
            + [pltpu.SemaphoreType.DMA] * 4
        ),
    )
    a_sorted = dispatch(xf, pos0, pos1)

    gws = shared_gate_w.reshape(2, INTER, DIM)
    ups = shared_up_w.reshape(2, INTER, DIM)
    dws = shared_down_w.reshape(DIM, 2, INTER).transpose(1, 0, 2)

    grid_spec = pltpu.PrefetchScalarGridSpec(
        num_scalar_prefetch=1,
        grid=(steps,),
        in_specs=[
            pl.BlockSpec((M, DIM), lambda t, mt: (mt[t, 0], 0)),
            pl.BlockSpec((M, DIM), lambda t, mt: (mt[t, 1], 0)),
            pl.BlockSpec((1, INTER, DIM), lambda t, mt: (mt[t, 3], 0, 0)),
            pl.BlockSpec((1, INTER, DIM), lambda t, mt: (mt[t, 3], 0, 0)),
            pl.BlockSpec((1, DIM, INTER), lambda t, mt: (mt[t, 3], 0, 0)),
            pl.BlockSpec((2, INTER, DIM), lambda t, mt: (0, 0, 0)),
            pl.BlockSpec((2, INTER, DIM), lambda t, mt: (0, 0, 0)),
            pl.BlockSpec((2, DIM, INTER), lambda t, mt: (0, 0, 0)),
        ],
        out_specs=pl.BlockSpec((M, DIM), lambda t, mt: (mt[t, 2], 0)),
    )
    out = pl.pallas_call(
        _gmm_body,
        grid_spec=grid_spec,
        out_shape=jax.ShapeDtypeStruct((rtot, DIM), jnp.float32),
        compiler_params=pltpu.CompilerParams(
            dimension_semantics=("arbitrary",)),
    )(meta, a_sorted, xf,
      expert_gate_w, expert_up_w, expert_down_w, gws, ups, dws)

    y = (wts[:, 0:1] * jnp.take(out, pos0, axis=0)
         + wts[:, 1:2] * jnp.take(out, pos1, axis=0)
         + out[nr:])
    return y.astype(x.dtype).reshape(shape)

# --- scband reference (transcript-rebuilt; emitter-appended) ---
"""Pipeline reference for scband-mo-e-25443386262322 (READ-ONLY COPY).

The authoritative reference and input builder live on the scoring server;
editing this copy changes nothing except your own understanding.
"""

import jax, jax.numpy as jnp
import numpy as np

DIM = 1024
INTER = 512
E = 16
TOPK = 2
N_SHARED = 2
SHARED_INTER = N_SHARED * INTER
ROUTE_SCALE = 1.0
B, S = 2, 2048


def setup_inputs(seed: int = 0) -> dict:
    key = jax.random.key(seed)
    ks = jax.random.split(key, 8)
    x = jax.random.normal(ks[0], (B, S, DIM), dtype=jnp.float32)
    gate_w = jax.random.normal(ks[1], (E, DIM), dtype=jnp.float32) * 0.02
    expert_gate_w = jax.random.normal(ks[2], (E, INTER, DIM), dtype=jnp.float32) * 0.02
    expert_up_w = jax.random.normal(ks[3], (E, INTER, DIM), dtype=jnp.float32) * 0.02
    expert_down_w = jax.random.normal(ks[4], (E, DIM, INTER), dtype=jnp.float32) * 0.02
    shared_gate_w = jax.random.normal(ks[5], (SHARED_INTER, DIM), dtype=jnp.float32) * 0.02
    shared_up_w = jax.random.normal(ks[6], (SHARED_INTER, DIM), dtype=jnp.float32) * 0.02
    shared_down_w = jax.random.normal(ks[7], (DIM, SHARED_INTER), dtype=jnp.float32) * 0.02
    return {
        "x": x,
        "gate_w": gate_w,
        "expert_gate_w": expert_gate_w,
        "expert_up_w": expert_up_w,
        "expert_down_w": expert_down_w,
        "shared_gate_w": shared_gate_w,
        "shared_up_w": shared_up_w,
        "shared_down_w": shared_down_w,
    }


def reference(x, gate_w, expert_gate_w, expert_up_w, expert_down_w, shared_gate_w, shared_up_w, shared_down_w):
    shape = x.shape
    xf = x.reshape(-1, DIM)
    # Gate: softmax scoring, n_groups == 1 so group routing is skipped, no bias (dim != 7168)
    scores = xf.astype(jnp.float32) @ gate_w.astype(jnp.float32).T
    scores = jax.nn.softmax(scores, axis=-1)
    original_scores = scores
    _, indices = jax.lax.top_k(scores, TOPK)
    weights = jnp.take_along_axis(original_scores, indices, axis=1)
    weights = weights * ROUTE_SCALE
    # Expert dispatch via fixed-shape masked accumulation
    y = jnp.zeros_like(xf, dtype=jnp.float32)
    for i in range(E):
        mask = (indices == i)
        w_i = jnp.sum(jnp.where(mask, weights, 0.0), axis=1)
        h = jax.nn.silu(xf @ expert_gate_w[i].T) * (xf @ expert_up_w[i].T)
        out = h @ expert_down_w[i].T
        y = y + out * w_i[:, None]
    # Shared experts (MLP with inter = n_shared_experts * moe_inter_dim)
    hs = jax.nn.silu(xf @ shared_gate_w.T) * (xf @ shared_up_w.T)
    y = y + hs @ shared_down_w.T
    return y.astype(x.dtype).reshape(shape)

if __name__ == "__main__":
    import jax
    _d = setup_inputs()
    print(jax.jit(kernel)(*tuple(_d.values())))

</pallas_src>

<mosaic_0001>
#map = affine_map<(d0, d1) -> (0, 0)>
#map1 = affine_map<(d0, d1) -> (0)>
module attributes {stable_mosaic.version = 14 : i64} {
  func.func @_dispatch_body(%arg0: i32, %arg1: i32, %arg2: memref<4096x1024xf32, #tpu.memory_space<hbm>>, %arg3: memref<4096xi32, #tpu.memory_space<hbm>>, %arg4: memref<4096xi32, #tpu.memory_space<hbm>>, %arg5: memref<8192x1024xf32, #tpu.memory_space<hbm>>, %arg6: memref<32x1024xf32, #tpu.memory_space<vmem>>, %arg7: memref<32x1024xf32, #tpu.memory_space<vmem>>, %arg8: memref<32xi32, #tpu.memory_space<vmem>>, %arg9: memref<32xi32, #tpu.memory_space<vmem>>, %arg10: memref<32xi32, #tpu.memory_space<vmem>>, %arg11: memref<32xi32, #tpu.memory_space<vmem>>, %arg12: memref<!tpu.dma_semaphore, #tpu.memory_space<semaphore_mem>>, %arg13: memref<!tpu.dma_semaphore, #tpu.memory_space<semaphore_mem>>, %arg14: memref<!tpu.dma_semaphore, #tpu.memory_space<semaphore_mem>>, %arg15: memref<!tpu.dma_semaphore, #tpu.memory_space<semaphore_mem>>) attributes {dimension_semantics = [#tpu.dimension_semantics<core_parallel>, #tpu.dimension_semantics<subcore_parallel>], iteration_bounds = array<i64: 2, 16>, scalar_prefetch = 0 : i64, scratch_operands = 10 : i64, tpu.core_type = #tpu.core_type<sc_vector_subcore>, window_params = [{transform_indices = #map}, {transform_indices = #map1}, {transform_indices = #map1}, {transform_indices = #map}]} {
    %mul3A = arith.constant 2 : i32
    %mul3A_0 = arith.muli %arg1, %mul3A : i32
    %add3A = arith.addi %mul3A_0, %arg0 : i32
    %mul3A_1 = arith.constant 128 : i32
    %mul3A_2 = arith.muli %add3A, %mul3A_1 : i32
    %add3A_3 = arith.constant 0 : i32
    %add3A_4 = arith.addi %mul3A_2, %add3A_3 : i32
    %dma_start3A = arith.constant 0 : i32
    %dma_start3A_5 = tpu.memref_slice %arg2[%add3A_4, %dma_start3A] : memref<4096x1024xf32, #tpu.memory_space<hbm>> -> memref<32x1024xf32, #tpu.memory_space<hbm>>
    %dma_start3A_6 = arith.constant 0 : i32
    %dma_start3A_7 = tpu.memref_slice %arg2[%add3A_4, %dma_start3A_6] : memref<4096x1024xf32, #tpu.memory_space<hbm>> -> memref<32x1024xf32, #tpu.memory_space<hbm>>
    tpu.enqueue_dma source(%dma_start3A_7 : memref<32x1024xf32, #tpu.memory_space<hbm>>) target(%arg6 : memref<32x1024xf32, #tpu.memory_space<vmem>>) target_semaphore(%arg12 : memref<!tpu.dma_semaphore, #tpu.memory_space<semaphore_mem>>)
    %dma_start3A_8 = tpu.memref_slice %arg3[%add3A_4] : memref<4096xi32, #tpu.memory_space<hbm>> -> memref<32xi32, #tpu.memory_space<hbm>>
    %dma_start3A_9 = tpu.memref_slice %arg3[%add3A_4] : memref<4096xi32, #tpu.memory_space<hbm>> -> memref<32xi32, #tpu.memory_space<hbm>>
    tpu.enqueue_dma source(%dma_start3A_9 : memref<32xi32, #tpu.memory_space<hbm>>) target(%arg8 : memref<32xi32, #tpu.memory_space<vmem>>) target_semaphore(%arg12 : memref<!tpu.dma_semaphore, #tpu.memory_space<semaphore_mem>>)
    %dma_start3A_10 = tpu.memref_slice %arg4[%add3A_4] : memref<4096xi32, #tpu.memory_space<hbm>> -> memref<32xi32, #tpu.memory_space<hbm>>
    %dma_start3A_11 = tpu.memref_slice %arg4[%add3A_4] : memref<4096xi32, #tpu.memory_space<hbm>> -> memref<32xi32, #tpu.memory_space<hbm>>
    tpu.enqueue_dma source(%dma_start3A_11 : memref<32xi32, #tpu.memory_space<hbm>>) target(%arg10 : memref<32xi32, #tpu.memory_space<vmem>>) target_semaphore(%arg12 : memref<!tpu.dma_semaphore, #tpu.memory_space<semaphore_mem>>)
    %add3A_12 = arith.constant 32 : i32
    %add3A_13 = arith.addi %mul3A_2, %add3A_12 : i32
    %dma_start3A_14 = arith.constant 0 : i32
    %dma_start3A_15 = tpu.memref_slice %arg2[%add3A_13, %dma_start3A_14] : memref<4096x1024xf32, #tpu.memory_space<hbm>> -> memref<32x1024xf32, #tpu.memory_space<hbm>>
    %dma_start3A_16 = arith.constant 0 : i32
    %dma_start3A_17 = tpu.memref_slice %arg2[%add3A_13, %dma_start3A_16] : memref<4096x1024xf32, #tpu.memory_space<hbm>> -> memref<32x1024xf32, #tpu.memory_space<hbm>>
    tpu.enqueue_dma source(%dma_start3A_17 : memref<32x1024xf32, #tpu.memory_space<hbm>>) target(%arg7 : memref<32x1024xf32, #tpu.memory_space<vmem>>) target_semaphore(%arg13 : memref<!tpu.dma_semaphore, #tpu.memory_space<semaphore_mem>>)
    %dma_start3A_18 = tpu.memref_slice %arg3[%add3A_13] : memref<4096xi32, #tpu.memory_space<hbm>> -> memref<32xi32, #tpu.memory_space<hbm>>
    %dma_start3A_19 = tpu.memref_slice %arg3[%add3A_13] : memref<4096xi32, #tpu.memory_space<hbm>> -> memref<32xi32, #tpu.memory_space<hbm>>
    tpu.enqueue_dma source(%dma_start3A_19 : memref<32xi32, #tpu.memory_space<hbm>>) target(%arg9 : memref<32xi32, #tpu.memory_space<vmem>>) target_semaphore(%arg13 : memref<!tpu.dma_semaphore, #tpu.memory_space<semaphore_mem>>)
    %dma_start3A_20 = tpu.memref_slice %arg4[%add3A_13] : memref<4096xi32, #tpu.memory_space<hbm>> -> memref<32xi32, #tpu.memory_space<hbm>>
    %dma_start3A_21 = tpu.memref_slice %arg4[%add3A_13] : memref<4096xi32, #tpu.memory_space<hbm>> -> memref<32xi32, #tpu.memory_space<hbm>>
    tpu.enqueue_dma source(%dma_start3A_21 : memref<32xi32, #tpu.memory_space<hbm>>) target(%arg11 : memref<32xi32, #tpu.memory_space<vmem>>) target_semaphore(%arg13 : memref<!tpu.dma_semaphore, #tpu.memory_space<semaphore_mem>>)
    %dma_wait3A = arith.constant 0 : i32
    %dma_wait3A_22 = tpu.memref_slice %arg2[%add3A_4, %dma_wait3A] : memref<4096x1024xf32, #tpu.memory_space<hbm>> -> memref<32x1024xf32, #tpu.memory_space<hbm>>
    %dma_wait3A_23 = arith.constant 0 : i32
    %dma_wait3A_24 = tpu.memref_slice %arg2[%add3A_4, %dma_wait3A_23] : memref<4096x1024xf32, #tpu.memory_space<hbm>> -> memref<32x1024xf32, #tpu.memory_space<hbm>>
    tpu.wait_dma2 semaphore(%arg12 : memref<!tpu.dma_semaphore, #tpu.memory_space<semaphore_mem>>) src(%dma_wait3A_24 : memref<32x1024xf32, #tpu.memory_space<hbm>>) dst(%arg6 : memref<32x1024xf32, #tpu.memory_space<vmem>>)
    %dma_wait3A_25 = tpu.memref_slice %arg3[%add3A_4] : memref<4096xi32, #tpu.memory_space<hbm>> -> memref<32xi32, #tpu.memory_space<hbm>>
    %dma_wait3A_26 = tpu.memref_slice %arg3[%add3A_4] : memref<4096xi32, #tpu.memory_space<hbm>> -> memref<32xi32, #tpu.memory_space<hbm>>
    tpu.wait_dma2 semaphore(%arg12 : memref<!tpu.dma_semaphore, #tpu.memory_space<semaphore_mem>>) src(%dma_wait3A_26 : memref<32xi32, #tpu.memory_space<hbm>>) dst(%arg8 : memref<32xi32, #tpu.memory_space<vmem>>)
    %dma_wait3A_27 = tpu.memref_slice %arg4[%add3A_4] : memref<4096xi32, #tpu.memory_space<hbm>> -> memref<32xi32, #tpu.memory_space<hbm>>
    %dma_wait3A_28 = tpu.memref_slice %arg4[%add3A_4] : memref<4096xi32, #tpu.memory_space<hbm>> -> memref<32xi32, #tpu.memory_space<hbm>>
    tpu.wait_dma2 semaphore(%arg12 : memref<!tpu.dma_semaphore, #tpu.memory_space<semaphore_mem>>) src(%dma_wait3A_28 : memref<32xi32, #tpu.memory_space<hbm>>) dst(%arg10 : memref<32xi32, #tpu.memory_space<vmem>>)
    %dma_start3A_29 = arith.constant 0 : i32
    %dma_start3A_30 = arith.constant 0 : i32
    %dma_start3A_31 = tpu.memref_slice %arg5[%dma_start3A_29, %dma_start3A_30] : memref<8192x1024xf32, #tpu.memory_space<hbm>> -> memref<8192x1024xf32, #tpu.memory_space<hbm>>
    tpu.enqueue_indirect_dma source(%arg6 : memref<32x1024xf32, #tpu.memory_space<vmem>>) target(%dma_start3A_31 : memref<8192x1024xf32, #tpu.memory_space<hbm>>) offsets(%arg8 : memref<32xi32, #tpu.memory_space<vmem>>) semaphore(%arg14 : memref<!tpu.dma_semaphore, #tpu.memory_space<semaphore_mem>>)
    %dma_start3A_32 = arith.constant 0 : i32
    %dma_start3A_33 = arith.constant 0 : i32
    %dma_start3A_34 = tpu.memref_slice %arg5[%dma_start3A_32, %dma_start3A_33] : memref<8192x1024xf32, #tpu.memory_space<hbm>> -> memref<8192x1024xf32, #tpu.memory_space<hbm>>
    tpu.enqueue_indirect_dma source(%arg6 : memref<32x1024xf32, #tpu.memory_space<vmem>>) target(%dma_start3A_34 : memref<8192x1024xf32, #tpu.memory_space<hbm>>) offsets(%arg10 : memref<32xi32, #tpu.memory_space<vmem>>) semaphore(%arg14 : memref<!tpu.dma_semaphore, #tpu.memory_space<semaphore_mem>>)
    %dma_wait3A_35 = arith.constant 0 : i32
    %dma_wait3A_36 = arith.constant 0 : i32
    %dma_wait3A_37 = tpu.memref_slice %arg5[%dma_wait3A_35, %dma_wait3A_36] : memref<8192x1024xf32, #tpu.memory_space<hbm>> -> memref<8192x1024xf32, #tpu.memory_space<hbm>>
    tpu.wait_indirect_dma semaphore(%arg14 : memref<!tpu.dma_semaphore, #tpu.memory_space<semaphore_mem>>) src(%arg6 : memref<32x1024xf32, #tpu.memory_space<vmem>>) dst(%dma_wait3A_37 : memref<8192x1024xf32, #tpu.memory_space<hbm>>)
    %dma_wait3A_38 = arith.constant 0 : i32
    %dma_wait3A_39 = arith.constant 0 : i32
    %dma_wait3A_40 = tpu.memref_slice %arg5[%dma_wait3A_38, %dma_wait3A_39] : memref<8192x1024xf32, #tpu.memory_space<hbm>> -> memref<8192x1024xf32, #tpu.memory_space<hbm>>
    tpu.wait_indirect_dma semaphore(%arg14 : memref<!tpu.dma_semaphore, #tpu.memory_space<semaphore_mem>>) src(%arg6 : memref<32x1024xf32, #tpu.memory_space<vmem>>) dst(%dma_wait3A_40 : memref<8192x1024xf32, #tpu.memory_space<hbm>>)
    %add3A_41 = arith.constant 64 : i32
    %add3A_42 = arith.addi %mul3A_2, %add3A_41 : i32
    %dma_start3A_43 = arith.constant 0 : i32
    %dma_start3A_44 = tpu.memref_slice %arg2[%add3A_42, %dma_start3A_43] : memref<4096x1024xf32, #tpu.memory_space<hbm>> -> memref<32x1024xf32, #tpu.memory_space<hbm>>
    %dma_start3A_45 = arith.constant 0 : i32
    %dma_start3A_46 = tpu.memref_slice %arg2[%add3A_42, %dma_start3A_45] : memref<4096x1024xf32, #tpu.memory_space<hbm>> -> memref<32x1024xf32, #tpu.memory_space<hbm>>
    tpu.enqueue_dma source(%dma_start3A_46 : memref<32x1024xf32, #tpu.memory_space<hbm>>) target(%arg6 : memref<32x1024xf32, #tpu.memory_space<vmem>>) target_semaphore(%arg12 : memref<!tpu.dma_semaphore, #tpu.memory_space<semaphore_mem>>)
    %dma_start3A_47 = tpu.memref_slice %arg3[%add3A_42] : memref<4096xi32, #tpu.memory_space<hbm>> -> memref<32xi32, #tpu.memory_space<hbm>>
    %dma_start3A_48 = tpu.memref_slice %arg3[%add3A_42] : memref<4096xi32, #tpu.memory_space<hbm>> -> memref<32xi32, #tpu.memory_space<hbm>>
    tpu.enqueue_dma source(%dma_start3A_48 : memref<32xi32, #tpu.memory_space<hbm>>) target(%arg8 : memref<32xi32, #tpu.memory_space<vmem>>) target_semaphore(%arg12 : memref<!tpu.dma_semaphore, #tpu.memory_space<semaphore_mem>>)
    %dma_start3A_49 = tpu.memref_slice %arg4[%add3A_42] : memref<4096xi32, #tpu.memory_space<hbm>> -> memref<32xi32, #tpu.memory_space<hbm>>
    %dma_start3A_50 = tpu.memref_slice %arg4[%add3A_42] : memref<4096xi32, #tpu.memory_space<hbm>> -> memref<32xi32, #tpu.memory_space<hbm>>
    tpu.enqueue_dma source(%dma_start3A_50 : memref<32xi32, #tpu.memory_space<hbm>>) target(%arg10 : memref<32xi32, #tpu.memory_space<vmem>>) target_semaphore(%arg12 : memref<!tpu.dma_semaphore, #tpu.memory_space<semaphore_mem>>)
    %dma_wait3A_51 = arith.constant 0 : i32
    %dma_wait3A_52 = tpu.memref_slice %arg2[%add3A_13, %dma_wait3A_51] : memref<4096x1024xf32, #tpu.memory_space<hbm>> -> memref<32x1024xf32, #tpu.memory_space<hbm>>
    %dma_wait3A_53 = arith.constant 0 : i32
    %dma_wait3A_54 = tpu.memref_slice %arg2[%add3A_13, %dma_wait3A_53] : memref<4096x1024xf32, #tpu.memory_space<hbm>> -> memref<32x1024xf32, #tpu.memory_space<hbm>>
    tpu.wait_dma2 semaphore(%arg13 : memref<!tpu.dma_semaphore, #tpu.memory_space<semaphore_mem>>) src(%dma_wait3A_54 : memref<32x1024xf32, #tpu.memory_space<hbm>>) dst(%arg7 : memref<32x1024xf32, #tpu.memory_space<vmem>>)
    %dma_wait3A_55 = tpu.memref_slice %arg3[%add3A_13] : memref<4096xi32, #tpu.memory_space<hbm>> -> memref<32xi32, #tpu.memory_space<hbm>>
    %dma_wait3A_56 = tpu.memref_slice %arg3[%add3A_13] : memref<4096xi32, #tpu.memory_space<hbm>> -> memref<32xi32, #tpu.memory_space<hbm>>
    tpu.wait_dma2 semaphore(%arg13 : memref<!tpu.dma_semaphore, #tpu.memory_space<semaphore_mem>>) src(%dma_wait3A_56 : memref<32xi32, #tpu.memory_space<hbm>>) dst(%arg9 : memref<32xi32, #tpu.memory_space<vmem>>)
    %dma_wait3A_57 = tpu.memref_slice %arg4[%add3A_13] : memref<4096xi32, #tpu.memory_space<hbm>> -> memref<32xi32, #tpu.memory_space<hbm>>
    %dma_wait3A_58 = tpu.memref_slice %arg4[%add3A_13] : memref<4096xi32, #tpu.memory_space<hbm>> -> memref<32xi32, #tpu.memory_space<hbm>>
    tpu.wait_dma2 semaphore(%arg13 : memref<!tpu.dma_semaphore, #tpu.memory_space<semaphore_mem>>) src(%dma_wait3A_58 : memref<32xi32, #tpu.memory_space<hbm>>) dst(%arg11 : memref<32xi32, #tpu.memory_space<vmem>>)
    %dma_start3A_59 = arith.constant 0 : i32
    %dma_start3A_60 = arith.constant 0 : i32
    %dma_start3A_61 = tpu.memref_slice %arg5[%dma_start3A_59, %dma_start3A_60] : memref<8192x1024xf32, #tpu.memory_space<hbm>> -> memref<8192x1024xf32, #tpu.memory_space<hbm>>
    tpu.enqueue_indirect_dma source(%arg7 : memref<32x1024xf32, #tpu.memory_space<vmem>>) target(%dma_start3A_61 : memref<8192x1024xf32, #tpu.memory_space<hbm>>) offsets(%arg9 : memref<32xi32, #tpu.memory_space<vmem>>) semaphore(%arg15 : memref<!tpu.dma_semaphore, #tpu.memory_space<semaphore_mem>>)
    %dma_start3A_62 = arith.constant 0 : i32
    %dma_start3A_63 = arith.constant 0 : i32
    %dma_start3A_64 = tpu.memref_slice %arg5[%dma_start3A_62, %dma_start3A_63] : memref<8192x1024xf32, #tpu.memory_space<hbm>> -> memref<8192x1024xf32, #tpu.memory_space<hbm>>
    tpu.enqueue_indirect_dma source(%arg7 : memref<32x1024xf32, #tpu.memory_space<vmem>>) target(%dma_start3A_64 : memref<8192x1024xf32, #tpu.memory_space<hbm>>) offsets(%arg11 : memref<32xi32, #tpu.memory_space<vmem>>) semaphore(%arg15 : memref<!tpu.dma_semaphore, #tpu.memory_space<semaphore_mem>>)
    %dma_wait3A_65 = arith.constant 0 : i32
    %dma_wait3A_66 = arith.constant 0 : i32
    %dma_wait3A_67 = tpu.memref_slice %arg5[%dma_wait3A_65, %dma_wait3A_66] : memref<8192x1024xf32, #tpu.memory_space<hbm>> -> memref<8192x1024xf32, #tpu.memory_space<hbm>>
    tpu.wait_indirect_dma semaphore(%arg15 : memref<!tpu.dma_semaphore, #tpu.memory_space<semaphore_mem>>) src(%arg7 : memref<32x1024xf32, #tpu.memory_space<vmem>>) dst(%dma_wait3A_67 : memref<8192x1024xf32, #tpu.memory_space<hbm>>)
    %dma_wait3A_68 = arith.constant 0 : i32
    %dma_wait3A_69 = arith.constant 0 : i32
    %dma_wait3A_70 = tpu.memref_slice %arg5[%dma_wait3A_68, %dma_wait3A_69] : memref<8192x1024xf32, #tpu.memory_space<hbm>> -> memref<8192x1024xf32, #tpu.memory_space<hbm>>
    tpu.wait_indirect_dma semaphore(%arg15 : memref<!tpu.dma_semaphore, #tpu.memory_space<semaphore_mem>>) src(%arg7 : memref<32x1024xf32, #tpu.memory_space<vmem>>) dst(%dma_wait3A_70 : memref<8192x1024xf32, #tpu.memory_space<hbm>>)
    %add3A_71 = arith.constant 96 : i32
    %add3A_72 = arith.addi %mul3A_2, %add3A_71 : i32
    %dma_start3A_73 = arith.constant 0 : i32
    %dma_start3A_74 = tpu.memref_slice %arg2[%add3A_72, %dma_start3A_73] : memref<4096x1024xf32, #tpu.memory_space<hbm>> -> memref<32x1024xf32, #tpu.memory_space<hbm>>
    %dma_start3A_75 = arith.constant 0 : i32
    %dma_start3A_76 = tpu.memref_slice %arg2[%add3A_72, %dma_start3A_75] : memref<4096x1024xf32, #tpu.memory_space<hbm>> -> memref<32x1024xf32, #tpu.memory_space<hbm>>
    tpu.enqueue_dma source(%dma_start3A_76 : memref<32x1024xf32, #tpu.memory_space<hbm>>) target(%arg7 : memref<32x1024xf32, #tpu.memory_space<vmem>>) target_semaphore(%arg13 : memref<!tpu.dma_semaphore, #tpu.memory_space<semaphore_mem>>)
    %dma_start3A_77 = tpu.memref_slice %arg3[%add3A_72] : memref<4096xi32, #tpu.memory_space<hbm>> -> memref<32xi32, #tpu.memory_space<hbm>>
    %dma_start3A_78 = tpu.memref_slice %arg3[%add3A_72] : memref<4096xi32, #tpu.memory_space<hbm>> -> memref<32xi32, #tpu.memory_space<hbm>>
    tpu.enqueue_dma source(%dma_start3A_78 : memref<32xi32, #tpu.memory_space<hbm>>) target(%arg9 : memref<32xi32, #tpu.memory_space<vmem>>) target_semaphore(%arg13 : memref<!tpu.dma_semaphore, #tpu.memory_space<semaphore_mem>>)
    %dma_start3A_79 = tpu.memref_slice %arg4[%add3A_72] : memref<4096xi32, #tpu.memory_space<hbm>> -> memref<32xi32, #tpu.memory_space<hbm>>
    %dma_start3A_80 = tpu.memref_slice %arg4[%add3A_72] : memref<4096xi32, #tpu.memory_space<hbm>> -> memref<32xi32, #tpu.memory_space<hbm>>
    tpu.enqueue_dma source(%dma_start3A_80 : memref<32xi32, #tpu.memory_space<hbm>>) target(%arg11 : memref<32xi32, #tpu.memory_space<vmem>>) target_semaphore(%arg13 : memref<!tpu.dma_semaphore, #tpu.memory_space<semaphore_mem>>)
    %dma_wait3A_81 = arith.constant 0 : i32
    %dma_wait3A_82 = tpu.memref_slice %arg2[%add3A_42, %dma_wait3A_81] : memref<4096x1024xf32, #tpu.memory_space<hbm>> -> memref<32x1024xf32, #tpu.memory_space<hbm>>
    %dma_wait3A_83 = arith.constant 0 : i32
    %dma_wait3A_84 = tpu.memref_slice %arg2[%add3A_42, %dma_wait3A_83] : memref<4096x1024xf32, #tpu.memory_space<hbm>> -> memref<32x1024xf32, #tpu.memory_space<hbm>>
    tpu.wait_dma2 semaphore(%arg12 : memref<!tpu.dma_semaphore, #tpu.memory_space<semaphore_mem>>) src(%dma_wait3A_84 : memref<32x1024xf32, #tpu.memory_space<hbm>>) dst(%arg6 : memref<32x1024xf32, #tpu.memory_space<vmem>>)
    %dma_wait3A_85 = tpu.memref_slice %arg3[%add3A_42] : memref<4096xi32, #tpu.memory_space<hbm>> -> memref<32xi32, #tpu.memory_space<hbm>>
    %dma_wait3A_86 = tpu.memref_slice %arg3[%add3A_42] : memref<4096xi32, #tpu.memory_space<hbm>> -> memref<32xi32, #tpu.memory_space<hbm>>
    tpu.wait_dma2 semaphore(%arg12 : memref<!tpu.dma_semaphore, #tpu.memory_space<semaphore_mem>>) src(%dma_wait3A_86 : memref<32xi32, #tpu.memory_space<hbm>>) dst(%arg8 : memref<32xi32, #tpu.memory_space<vmem>>)
    %dma_wait3A_87 = tpu.memref_slice %arg4[%add3A_42] : memref<4096xi32, #tpu.memory_space<hbm>> -> memref<32xi32, #tpu.memory_space<hbm>>
    %dma_wait3A_88 = tpu.memref_slice %arg4[%add3A_42] : memref<4096xi32, #tpu.memory_space<hbm>> -> memref<32xi32, #tpu.memory_space<hbm>>
    tpu.wait_dma2 semaphore(%arg12 : memref<!tpu.dma_semaphore, #tpu.memory_space<semaphore_mem>>) src(%dma_wait3A_88 : memref<32xi32, #tpu.memory_space<hbm>>) dst(%arg10 : memref<32xi32, #tpu.memory_space<vmem>>)
    %dma_start3A_89 = arith.constant 0 : i32
    %dma_start3A_90 = arith.constant 0 : i32
    %dma_start3A_91 = tpu.memref_slice %arg5[%dma_start3A_89, %dma_start3A_90] : memref<8192x1024xf32, #tpu.memory_space<hbm>> -> memref<8192x1024xf32, #tpu.memory_space<hbm>>
    tpu.enqueue_indirect_dma source(%arg6 : memref<32x1024xf32, #tpu.memory_space<vmem>>) target(%dma_start3A_91 : memref<8192x1024xf32, #tpu.memory_space<hbm>>) offsets(%arg8 : memref<32xi32, #tpu.memory_space<vmem>>) semaphore(%arg14 : memref<!tpu.dma_semaphore, #tpu.memory_space<semaphore_mem>>)
    %dma_start3A_92 = arith.constant 0 : i32
    %dma_start3A_93 = arith.constant 0 : i32
    %dma_start3A_94 = tpu.memref_slice %arg5[%dma_start3A_92, %dma_start3A_93] : memref<8192x1024xf32, #tpu.memory_space<hbm>> -> memref<8192x1024xf32, #tpu.memory_space<hbm>>
    tpu.enqueue_indirect_dma source(%arg6 : memref<32x1024xf32, #tpu.memory_space<vmem>>) target(%dma_start3A_94 : memref<8192x1024xf32, #tpu.memory_space<hbm>>) offsets(%arg10 : memref<32xi32, #tpu.memory_space<vmem>>) semaphore(%arg14 : memref<!tpu.dma_semaphore, #tpu.memory_space<semaphore_mem>>)
    %dma_wait3A_95 = arith.constant 0 : i32
    %dma_wait3A_96 = tpu.memref_slice %arg2[%add3A_72, %dma_wait3A_95] : memref<4096x1024xf32, #tpu.memory_space<hbm>> -> memref<32x1024xf32, #tpu.memory_space<hbm>>
    %dma_wait3A_97 = arith.constant 0 : i32
    %dma_wait3A_98 = tpu.memref_slice %arg2[%add3A_72, %dma_wait3A_97] : memref<4096x1024xf32, #tpu.memory_space<hbm>> -> memref<32x1024xf32, #tpu.memory_space<hbm>>
    tpu.wait_dma2 semaphore(%arg13 : memref<!tpu.dma_semaphore, #tpu.memory_space<semaphore_mem>>) src(%dma_wait3A_98 : memref<32x1024xf32, #tpu.memory_space<hbm>>) dst(%arg7 : memref<32x1024xf32, #tpu.memory_space<vmem>>)
    %dma_wait3A_99 = tpu.memref_slice %arg3[%add3A_72] : memref<4096xi32, #tpu.memory_space<hbm>> -> memref<32xi32, #tpu.memory_space<hbm>>
    %dma_wait3A_100 = tpu.memref_slice %arg3[%add3A_72] : memref<4096xi32, #tpu.memory_space<hbm>> -> memref<32xi32, #tpu.memory_space<hbm>>
    tpu.wait_dma2 semaphore(%arg13 : memref<!tpu.dma_semaphore, #tpu.memory_space<semaphore_mem>>) src(%dma_wait3A_100 : memref<32xi32, #tpu.memory_space<hbm>>) dst(%arg9 : memref<32xi32, #tpu.memory_space<vmem>>)
    %dma_wait3A_101 = tpu.memref_slice %arg4[%add3A_72] : memref<4096xi32, #tpu.memory_space<hbm>> -> memref<32xi32, #tpu.memory_space<hbm>>
    %dma_wait3A_102 = tpu.memref_slice %arg4[%add3A_72] : memref<4096xi32, #tpu.memory_space<hbm>> -> memref<32xi32, #tpu.memory_space<hbm>>
    tpu.wait_dma2 semaphore(%arg13 : memref<!tpu.dma_semaphore, #tpu.memory_space<semaphore_mem>>) src(%dma_wait3A_102 : memref<32xi32, #tpu.memory_space<hbm>>) dst(%arg11 : memref<32xi32, #tpu.memory_space<vmem>>)
    %dma_start3A_103 = arith.constant 0 : i32
    %dma_start3A_104 = arith.constant 0 : i32
    %dma_start3A_105 = tpu.memref_slice %arg5[%dma_start3A_103, %dma_start3A_104] : memref<8192x1024xf32, #tpu.memory_space<hbm>> -> memref<8192x1024xf32, #tpu.memory_space<hbm>>
    tpu.enqueue_indirect_dma source(%arg7 : memref<32x1024xf32, #tpu.memory_space<vmem>>) target(%dma_start3A_105 : memref<8192x1024xf32, #tpu.memory_space<hbm>>) offsets(%arg9 : memref<32xi32, #tpu.memory_space<vmem>>) semaphore(%arg15 : memref<!tpu.dma_semaphore, #tpu.memory_space<semaphore_mem>>)
    %dma_start3A_106 = arith.constant 0 : i32
    %dma_start3A_107 = arith.constant 0 : i32
    %dma_start3A_108 = tpu.memref_slice %arg5[%dma_start3A_106, %dma_start3A_107] : memref<8192x1024xf32, #tpu.memory_space<hbm>> -> memref<8192x1024xf32, #tpu.memory_space<hbm>>
    tpu.enqueue_indirect_dma source(%arg7 : memref<32x1024xf32, #tpu.memory_space<vmem>>) target(%dma_start3A_108 : memref<8192x1024xf32, #tpu.memory_space<hbm>>) offsets(%arg11 : memref<32xi32, #tpu.memory_space<vmem>>) semaphore(%arg15 : memref<!tpu.dma_semaphore, #tpu.memory_space<semaphore_mem>>)
    %dma_wait3A_109 = arith.constant 0 : i32
    %dma_wait3A_110 = arith.constant 0 : i32
    %dma_wait3A_111 = tpu.memref_slice %arg5[%dma_wait3A_109, %dma_wait3A_110] : memref<8192x1024xf32, #tpu.memory_space<hbm>> -> memref<8192x1024xf32, #tpu.memory_space<hbm>>
    tpu.wait_indirect_dma semaphore(%arg14 : memref<!tpu.dma_semaphore, #tpu.memory_space<semaphore_mem>>) src(%arg6 : memref<32x1024xf32, #tpu.memory_space<vmem>>) dst(%dma_wait3A_111 : memref<8192x1024xf32, #tpu.memory_space<hbm>>)
    %dma_wait3A_112 = arith.constant 0 : i32
    %dma_wait3A_113 = arith.constant 0 : i32
    %dma_wait3A_114 = tpu.memref_slice %arg5[%dma_wait3A_112, %dma_wait3A_113] : memref<8192x1024xf32, #tpu.memory_space<hbm>> -> memref<8192x1024xf32, #tpu.memory_space<hbm>>
    tpu.wait_indirect_dma semaphore(%arg14 : memref<!tpu.dma_semaphore, #tpu.memory_space<semaphore_mem>>) src(%arg6 : memref<32x1024xf32, #tpu.memory_space<vmem>>) dst(%dma_wait3A_114 : memref<8192x1024xf32, #tpu.memory_space<hbm>>)
    %dma_wait3A_115 = arith.constant 0 : i32
    %dma_wait3A_116 = arith.constant 0 : i32
    %dma_wait3A_117 = tpu.memref_slice %arg5[%dma_wait3A_115, %dma_wait3A_116] : memref<8192x1024xf32, #tpu.memory_space<hbm>> -> memref<8192x1024xf32, #tpu.memory_space<hbm>>
    tpu.wait_indirect_dma semaphore(%arg15 : memref<!tpu.dma_semaphore, #tpu.memory_space<semaphore_mem>>) src(%arg7 : memref<32x1024xf32, #tpu.memory_space<vmem>>) dst(%dma_wait3A_117 : memref<8192x1024xf32, #tpu.memory_space<hbm>>)
    %dma_wait3A_118 = arith.constant 0 : i32
    %dma_wait3A_119 = arith.constant 0 : i32
    %dma_wait3A_120 = tpu.memref_slice %arg5[%dma_wait3A_118, %dma_wait3A_119] : memref<8192x1024xf32, #tpu.memory_space<hbm>> -> memref<8192x1024xf32, #tpu.memory_space<hbm>>
    tpu.wait_indirect_dma semaphore(%arg15 : memref<!tpu.dma_semaphore, #tpu.memory_space<semaphore_mem>>) src(%arg7 : memref<32x1024xf32, #tpu.memory_space<vmem>>) dst(%dma_wait3A_120 : memref<8192x1024xf32, #tpu.memory_space<hbm>>)
    return
  }
}

module attributes {stable_mosaic.version = 14 : i64} {
  func.func @_router_body(%arg0: memref<4096x1024xf32, #tpu.memory_space<vmem>>, %arg1: memref<16x1024xf32, #tpu.memory_space<vmem>>, %arg2: memref<4096x2xi32, #tpu.memory_space<vmem>>, %arg3: memref<4096x2xf32, #tpu.memory_space<vmem>>, %arg4: memref<128x8xi32, #tpu.memory_space<vmem>>, %arg5: memref<4096x16xf32, #tpu.memory_space<vmem>>, %arg6: memref<4096x16xf32, #tpu.memory_space<vmem>>) attributes {dimension_semantics = [], scalar_prefetch = 0 : i64, scratch_operands = 2 : i64, tpu.core_type = #tpu.core_type<tc>} {
    %get3A = arith.constant 0 : index
    %get3A_0 = arith.constant 0 : index
    %get3A_1 = vector.load %arg0[%get3A, %get3A_0] : memref<4096x1024xf32, #tpu.memory_space<vmem>>, vector<4096x1024xf32>
    %get3A_2 = arith.constant 0 : index
    %get3A_3 = arith.constant 0 : index
    %get3A_4 = vector.load %arg1[%get3A_2, %get3A_3] : memref<16x1024xf32, #tpu.memory_space<vmem>>, vector<16x1024xf32>
    %dot_general3A = arith.constant dense<0.000000e+00> : vector<4096x16xf32>
    %dot_general3A_5 = tpu.matmul %get3A_1, %get3A_4, %dot_general3A {dimension_numbers = #tpu.dot_dimension_numbers<[1], [1], [0], [0], [0, 0, 1, 0], [], []>, transpose_lhs_hint = false} : vector<4096x1024xf32>, vector<16x1024xf32>, vector<4096x16xf32> -> vector<4096x16xf32>
    %reduce_max3A = arith.constant dense<0xFF800000> : vector<4096xf32>
    %reduce_max3A_6 = vector.multi_reduction <maximumf>, %dot_general3A_5, %reduce_max3A [1] : vector<4096x16xf32> to vector<4096xf32>
    %broadcast_in_dim3A = vector.shape_cast %reduce_max3A_6 : vector<4096xf32> to vector<4096x1xf32>
    %sub3A = vector.broadcast %broadcast_in_dim3A : vector<4096x1xf32> to vector<4096x16xf32>
    %sub3A_7 = arith.subf %dot_general3A_5, %sub3A : vector<4096x16xf32>
    %exp3A = math.exp %sub3A_7 : vector<4096x16xf32>
    %reduce_sum3A = arith.constant dense<0.000000e+00> : vector<4096xf32>
    %reduce_sum3A_8 = vector.multi_reduction <add>, %exp3A, %reduce_sum3A [1] : vector<4096x16xf32> to vector<4096xf32>
    %broadcast_in_dim3A_9 = vector.shape_cast %reduce_sum3A_8 : vector<4096xf32> to vector<4096x1xf32>
    %div3A = vector.broadcast %broadcast_in_dim3A_9 : vector<4096x1xf32> to vector<4096x16xf32>
    %div3A_10 = arith.divf %exp3A, %div3A : vector<4096x16xf32>
    %iota3A = tpu.iota {dimensions = array<i32: 1>} : vector<4096x16xi32>
    %reduce_max3A_11 = arith.constant dense<0xFF800000> : vector<4096xf32>
    %reduce_max3A_12 = vector.multi_reduction <maximumf>, %div3A_10, %reduce_max3A_11 [1] : vector<4096x16xf32> to vector<4096xf32>
    %broadcast_in_dim3A_13 = vector.shape_cast %reduce_max3A_12 : vector<4096xf32> to vector<4096x1xf32>
    %eq3A = vector.broadcast %broadcast_in_dim3A_13 : vector<4096x1xf32> to vector<4096x16xf32>
    %eq3A_14 = arith.cmpf oeq, %div3A_10, %eq3A : vector<4096x16xf32>
    %jit3A = arith.constant 16 : i32
    %broadcast_in_dim3A_15 = vector.broadcast %jit3A : i32 to vector<4096x16xi32>
    %select_n3A = arith.select %eq3A_14, %iota3A, %broadcast_in_dim3A_15 : vector<4096x16xi1>, vector<4096x16xi32>
    %reduce_min3A = arith.constant dense<2147483647> : vector<4096xi32>
    %reduce_min3A_16 = vector.multi_reduction <minsi>, %select_n3A, %reduce_min3A [1] : vector<4096x16xi32> to vector<4096xi32>
    %broadcast_in_dim3A_17 = vector.shape_cast %reduce_min3A_16 : vector<4096xi32> to vector<4096x1xi32>
    %eq3A_18 = vector.broadcast %broadcast_in_dim3A_17 : vector<4096x1xi32> to vector<4096x16xi32>
    %eq3A_19 = arith.cmpi eq, %iota3A, %eq3A_18 : vector<4096x16xi32>
    %jit3A_20 = arith.constant -1.000000e+00 : f32
    %broadcast_in_dim3A_21 = vector.broadcast %jit3A_20 : f32 to vector<4096x16xf32>
    %select_n3A_22 = arith.select %eq3A_19, %broadcast_in_dim3A_21, %div3A_10 : vector<4096x16xi1>, vector<4096x16xf32>
    %reduce_max3A_23 = arith.constant dense<0xFF800000> : vector<4096xf32>
    %reduce_max3A_24 = vector.multi_reduction <maximumf>, %select_n3A_22, %reduce_max3A_23 [1] : vector<4096x16xf32> to vector<4096xf32>
    %broadcast_in_dim3A_25 = vector.shape_cast %reduce_max3A_24 : vector<4096xf32> to vector<4096x1xf32>
    %eq3A_26 = vector.broadcast %broadcast_in_dim3A_25 : vector<4096x1xf32> to vector<4096x16xf32>
    %eq3A_27 = arith.cmpf oeq, %select_n3A_22, %eq3A_26 : vector<4096x16xf32>
    %jit3A_28 = arith.constant 16 : i32
    %broadcast_in_dim3A_29 = vector.broadcast %jit3A_28 : i32 to vector<4096x16xi32>
    %select_n3A_30 = arith.select %eq3A_27, %iota3A, %broadcast_in_dim3A_29 : vector<4096x16xi1>, vector<4096x16xi32>
    %reduce_min3A_31 = arith.constant dense<2147483647> : vector<4096xi32>
    %reduce_min3A_32 = vector.multi_reduction <minsi>, %select_n3A_30, %reduce_min3A_31 [1] : vector<4096x16xi32> to vector<4096xi32>
    %broadcast_in_dim3A_33 = vector.shape_cast %reduce_min3A_32 : vector<4096xi32> to vector<4096x1xi32>
    %eq3A_34 = vector.broadcast %broadcast_in_dim3A_17 : vector<4096x1xi32> to vector<4096x16xi32>
    %eq3A_35 = arith.cmpi eq, %iota3A, %eq3A_34 : vector<4096x16xi32>
    %eq3A_36 = vector.broadcast %broadcast_in_dim3A_33 : vector<4096x1xi32> to vector<4096x16xi32>
    %eq3A_37 = arith.cmpi eq, %iota3A, %eq3A_36 : vector<4096x16xi32>
    %or3A = arith.ori %eq3A_35, %eq3A_37 : vector<4096x16xi1>
    %convert_element_type3A = arith.extui %or3A : vector<4096x16xi1> to vector<4096x16xi32>
    %convert_element_type3A_38 = arith.sitofp %convert_element_type3A : vector<4096x16xi32> to vector<4096x16xf32>
    %swap3A = arith.constant 0 : index
    %swap3A_39 = arith.constant 0 : index
    %swap3A_40 = vector.load %arg6[%swap3A, %swap3A_39] : memref<4096x16xf32, #tpu.memory_space<vmem>>, vector<4096x16xf32>
    tpu.vector_store %arg6[%swap3A, %swap3A_39], %convert_element_type3A_38 {strides = array<i32>} : memref<4096x16xf32, #tpu.memory_space<vmem>>, vector<4096x16xf32>,
    %iota3A_41 = tpu.iota {dimensions = array<i32: 0>} : vector<512x512xi32>
    %iota3A_42 = tpu.iota {dimensions = array<i32: 1>} : vector<512x512xi32>
    %ge3A = arith.cmpi sge, %iota3A_41, %iota3A_42 : vector<512x512xi32>
    %convert_element_type3A_43 = arith.extui %ge3A : vector<512x512xi1> to vector<512x512xi32>
    %convert_element_type3A_44 = arith.sitofp %convert_element_type3A_43 : vector<512x512xi32> to vector<512x512xf32>
    %broadcast_in_dim3A_45 = arith.constant 0.000000e+00 : f32
    %broadcast_in_dim3A_46 = vector.broadcast %broadcast_in_dim3A_45 : f32 to vector<1x16xf32>
    %scan3A = arith.constant 0 : i32
    %scan3A_47 = arith.constant 8 : i32
    %scan3A_48 = arith.addi %scan3A, %scan3A_47 : i32
    %scan3A_49 = arith.constant 1 : i32
    %scan3A_50 = scf.for %scan3A_1542 = %scan3A to %scan3A_48 step %scan3A_49 iter_args(%scan3A_1543 = %broadcast_in_dim3A_46) -> (vector<1x16xf32>)  : i32 {
      %mul3A = arith.constant 512 : i32
      %mul3A_1544 = arith.muli %scan3A_1542, %mul3A : i32
      %get3A_1545 = arith.index_cast %mul3A_1544 : i32 to index
      %get3A_1546 = arith.constant 0 : index
      %get3A_1547 = vector.load %arg6[%get3A_1545, %get3A_1546] : memref<4096x16xf32, #tpu.memory_space<vmem>>, vector<512x16xf32>
      %dot_general3A_1548 = arith.constant dense<0.000000e+00> : vector<512x16xf32>
      %dot_general3A_1549 = tpu.matmul %convert_element_type3A_44, %get3A_1547, %dot_general3A_1548 {dimension_numbers = #tpu.dot_dimension_numbers<[1], [0], [0], [1], [0, 0, 1, 1], [], []>, transpose_lhs_hint = false} : vector<512x512xf32>, vector<512x16xf32>, vector<512x16xf32> -> vector<512x16xf32>
      %sub3A_1550 = arith.subf %dot_general3A_1549, %get3A_1547 : vector<512x16xf32>
      %add3A_1551 = vector.broadcast %scan3A_1543 : vector<1x16xf32> to vector<512x16xf32>
      %add3A_1552 = arith.addf %sub3A_1550, %add3A_1551 : vector<512x16xf32>
      %mul3A_1553 = arith.constant 512 : i32
      %mul3A_1554 = arith.muli %scan3A_1542, %mul3A_1553 : i32
      %swap3A_1555 = arith.index_cast %mul3A_1554 : i32 to index
      %swap3A_1556 = arith.constant 0 : index
      %swap3A_1557 = vector.load %arg5[%swap3A_1555, %swap3A_1556] : memref<4096x16xf32, #tpu.memory_space<vmem>>, vector<512x16xf32>
      tpu.vector_store %arg5[%swap3A_1555, %swap3A_1556], %add3A_1552 {strides = array<i32>} : memref<4096x16xf32, #tpu.memory_space<vmem>>, vector<512x16xf32>,
      %slice3A_1558 = vector.extract_strided_slice %dot_general3A_1549 {offsets = [511, 0], sizes = [1, 16], strides = [1, 1]} : vector<512x16xf32> to vector<1x16xf32>
      %add3A_1559 = arith.addf %scan3A_1543, %slice3A_1558 : vector<1x16xf32>
      scf.yield %add3A_1559 : vector<1x16xf32>
    }
    %scan3A_51 = arith.constant 8 : i32
    %slice3A = vector.extract_strided_slice %iota3A {offsets = [0, 0], sizes = [1, 16], strides = [1, 1]} : vector<4096x16xi32> to vector<1x16xi32>
    %broadcast_in_dim3A_52 = arith.constant 0.000000e+00 : f32
    %broadcast_in_dim3A_53 = vector.broadcast %broadcast_in_dim3A_52 : f32 to vector<1x16xf32>
    %eq3A_54 = arith.constant 0 : i32
    %eq3A_55 = vector.broadcast %eq3A_54 : i32 to vector<1x16xi32>
    %eq3A_56 = arith.cmpi eq, %slice3A, %eq3A_55 : vector<1x16xi32>
    %jit3A_57 = arith.constant 0.000000e+00 : f32
    %broadcast_in_dim3A_58 = vector.broadcast %jit3A_57 : f32 to vector<1x16xf32>
    %select_n3A_59 = arith.select %eq3A_56, %scan3A_50, %broadcast_in_dim3A_58 : vector<1x16xi1>, vector<1x16xf32>
    %reduce_sum3A_60 = arith.constant dense<0.000000e+00> : vector<1xf32>
    %reduce_sum3A_61 = vector.multi_reduction <add>, %select_n3A_59, %reduce_sum3A_60 [1] : vector<1x16xf32> to vector<1xf32>
    %broadcast_in_dim3A_62 = vector.shape_cast %reduce_sum3A_61 : vector<1xf32> to vector<1x1xf32>
    %gt3A = arith.constant 0 : i32
    %gt3A_63 = vector.broadcast %gt3A : i32 to vector<1x16xi32>
    %gt3A_64 = arith.cmpi sgt, %slice3A, %gt3A_63 : vector<1x16xi32>
    %jit3A_65 = arith.constant 0.000000e+00 : f32
    %broadcast_in_dim3A_66 = vector.shape_cast %broadcast_in_dim3A_62 : vector<1x1xf32> to vector<1x1xf32>
    %broadcast_in_dim3A_67 = vector.broadcast %broadcast_in_dim3A_66 : vector<1x1xf32> to vector<1x16xf32>
    %broadcast_in_dim3A_68 = vector.broadcast %jit3A_65 : f32 to vector<1x16xf32>
    %select_n3A_69 = arith.select %gt3A_64, %broadcast_in_dim3A_67, %broadcast_in_dim3A_68 : vector<1x16xi1>, vector<1x16xf32>
    %add3A = arith.addf %broadcast_in_dim3A_53, %select_n3A_69 : vector<1x16xf32>
    %eq3A_70 = arith.constant 1 : i32
    %eq3A_71 = vector.broadcast %eq3A_70 : i32 to vector<1x16xi32>
    %eq3A_72 = arith.cmpi eq, %slice3A, %eq3A_71 : vector<1x16xi32>
    %jit3A_73 = arith.constant 0.000000e+00 : f32
    %broadcast_in_dim3A_74 = vector.broadcast %jit3A_73 : f32 to vector<1x16xf32>
    %select_n3A_75 = arith.select %eq3A_72, %scan3A_50, %broadcast_in_dim3A_74 : vector<1x16xi1>, vector<1x16xf32>
    %reduce_sum3A_76 = arith.constant dense<0.000000e+00> : vector<1xf32>
    %reduce_sum3A_77 = vector.multi_reduction <add>, %select_n3A_75, %reduce_sum3A_76 [1] : vector<1x16xf32> to vector<1xf32>
    %broadcast_in_dim3A_78 = vector.shape_cast %reduce_sum3A_77 : vector<1xf32> to vector<1x1xf32>
    %gt3A_79 = arith.constant 1 : i32
    %gt3A_80 = vector.broadcast %gt3A_79 : i32 to vector<1x16xi32>
    %gt3A_81 = arith.cmpi sgt, %slice3A, %gt3A_80 : vector<1x16xi32>
    %jit3A_82 = arith.constant 0.000000e+00 : f32
    %broadcast_in_dim3A_83 = vector.shape_cast %broadcast_in_dim3A_78 : vector<1x1xf32> to vector<1x1xf32>
    %broadcast_in_dim3A_84 = vector.broadcast %broadcast_in_dim3A_83 : vector<1x1xf32> to vector<1x16xf32>
    %broadcast_in_dim3A_85 = vector.broadcast %jit3A_82 : f32 to vector<1x16xf32>
    %select_n3A_86 = arith.select %gt3A_81, %broadcast_in_dim3A_84, %broadcast_in_dim3A_85 : vector<1x16xi1>, vector<1x16xf32>
    %add3A_87 = arith.addf %add3A, %select_n3A_86 : vector<1x16xf32>
    %eq3A_88 = arith.constant 2 : i32
    %eq3A_89 = vector.broadcast %eq3A_88 : i32 to vector<1x16xi32>
    %eq3A_90 = arith.cmpi eq, %slice3A, %eq3A_89 : vector<1x16xi32>
    %jit3A_91 = arith.constant 0.000000e+00 : f32
    %broadcast_in_dim3A_92 = vector.broadcast %jit3A_91 : f32 to vector<1x16xf32>
    %select_n3A_93 = arith.select %eq3A_90, %scan3A_50, %broadcast_in_dim3A_92 : vector<1x16xi1>, vector<1x16xf32>
    %reduce_sum3A_94 = arith.constant dense<0.000000e+00> : vector<1xf32>
    %reduce_sum3A_95 = vector.multi_reduction <add>, %select_n3A_93, %reduce_sum3A_94 [1] : vector<1x16xf32> to vector<1xf32>
    %broadcast_in_dim3A_96 = vector.shape_cast %reduce_sum3A_95 : vector<1xf32> to vector<1x1xf32>
    %gt3A_97 = arith.constant 2 : i32
    %gt3A_98 = vector.broadcast %gt3A_97 : i32 to vector<1x16xi32>
    %gt3A_99 = arith.cmpi sgt, %slice3A, %gt3A_98 : vector<1x16xi32>
    %jit3A_100 = arith.constant 0.000000e+00 : f32
    %broadcast_in_dim3A_101 = vector.shape_cast %broadcast_in_dim3A_96 : vector<1x1xf32> to vector<1x1xf32>
    %broadcast_in_dim3A_102 = vector.broadcast %broadcast_in_dim3A_101 : vector<1x1xf32> to vector<1x16xf32>
    %broadcast_in_dim3A_103 = vector.broadcast %jit3A_100 : f32 to vector<1x16xf32>
    %select_n3A_104 = arith.select %gt3A_99, %broadcast_in_dim3A_102, %broadcast_in_dim3A_103 : vector<1x16xi1>, vector<1x16xf32>
    %add3A_105 = arith.addf %add3A_87, %select_n3A_104 : vector<1x16xf32>
    %eq3A_106 = arith.constant 3 : i32
    %eq3A_107 = vector.broadcast %eq3A_106 : i32 to vector<1x16xi32>
    %eq3A_108 = arith.cmpi eq, %slice3A, %eq3A_107 : vector<1x16xi32>
    %jit3A_109 = arith.constant 0.000000e+00 : f32
    %broadcast_in_dim3A_110 = vector.broadcast %jit3A_109 : f32 to vector<1x16xf32>
    %select_n3A_111 = arith.select %eq3A_108, %scan3A_50, %broadcast_in_dim3A_110 : vector<1x16xi1>, vector<1x16xf32>
    %reduce_sum3A_112 = arith.constant dense<0.000000e+00> : vector<1xf32>
    %reduce_sum3A_113 = vector.multi_reduction <add>, %select_n3A_111, %reduce_sum3A_112 [1] : vector<1x16xf32> to vector<1xf32>
    %broadcast_in_dim3A_114 = vector.shape_cast %reduce_sum3A_113 : vector<1xf32> to vector<1x1xf32>
    %gt3A_115 = arith.constant 3 : i32
    %gt3A_116 = vector.broadcast %gt3A_115 : i32 to vector<1x16xi32>
    %gt3A_117 = arith.cmpi sgt, %slice3A, %gt3A_116 : vector<1x16xi32>
    %jit3A_118 = arith.constant 0.000000e+00 : f32
    %broadcast_in_dim3A_119 = vector.shape_cast %broadcast_in_dim3A_114 : vector<1x1xf32> to vector<1x1xf32>
    %broadcast_in_dim3A_120 = vector.broadcast %broadcast_in_dim3A_119 : vector<1x1xf32> to vector<1x16xf32>
    %broadcast_in_dim3A_121 = vector.broadcast %jit3A_118 : f32 to vector<1x16xf32>
    %select_n3A_122 = arith.select %gt3A_117, %broadcast_in_dim3A_120, %broadcast_in_dim3A_121 : vector<1x16xi1>, vector<1x16xf32>
    %add3A_123 = arith.addf %add3A_105, %select_n3A_122 : vector<1x16xf32>
    %eq3A_124 = arith.constant 4 : i32
    %eq3A_125 = vector.broadcast %eq3A_124 : i32 to vector<1x16xi32>
    %eq3A_126 = arith.cmpi eq, %slice3A, %eq3A_125 : vector<1x16xi32>
    %jit3A_127 = arith.constant 0.000000e+00 : f32
    %broadcast_in_dim3A_128 = vector.broadcast %jit3A_127 : f32 to vector<1x16xf32>
    %select_n3A_129 = arith.select %eq3A_126, %scan3A_50, %broadcast_in_dim3A_128 : vector<1x16xi1>, vector<1x16xf32>
    %reduce_sum3A_130 = arith.constant dense<0.000000e+00> : vector<1xf32>
    %reduce_sum3A_131 = vector.multi_reduction <add>, %select_n3A_129, %reduce_sum3A_130 [1] : vector<1x16xf32> to vector<1xf32>
    %broadcast_in_dim3A_132 = vector.shape_cast %reduce_sum3A_131 : vector<1xf32> to vector<1x1xf32>
    %gt3A_133 = arith.constant 4 : i32
    %gt3A_134 = vector.broadcast %gt3A_133 : i32 to vector<1x16xi32>
    %gt3A_135 = arith.cmpi sgt, %slice3A, %gt3A_134 : vector<1x16xi32>
    %jit3A_136 = arith.constant 0.000000e+00 : f32
    %broadcast_in_dim3A_137 = vector.shape_cast %broadcast_in_dim3A_132 : vector<1x1xf32> to vector<1x1xf32>
    %broadcast_in_dim3A_138 = vector.broadcast %broadcast_in_dim3A_137 : vector<1x1xf32> to vector<1x16xf32>
    %broadcast_in_dim3A_139 = vector.broadcast %jit3A_136 : f32 to vector<1x16xf32>
    %select_n3A_140 = arith.select %gt3A_135, %broadcast_in_dim3A_138, %broadcast_in_dim3A_139 : vector<1x16xi1>, vector<1x16xf32>
    %add3A_141 = arith.addf %add3A_123, %select_n3A_140 : vector<1x16xf32>
    %eq3A_142 = arith.constant 5 : i32
    %eq3A_143 = vector.broadcast %eq3A_142 : i32 to vector<1x16xi32>
    %eq3A_144 = arith.cmpi eq, %slice3A, %eq3A_143 : vector<1x16xi32>
    %jit3A_145 = arith.constant 0.000000e+00 : f32
    %broadcast_in_dim3A_146 = vector.broadcast %jit3A_145 : f32 to vector<1x16xf32>
    %select_n3A_147 = arith.select %eq3A_144, %scan3A_50, %broadcast_in_dim3A_146 : vector<1x16xi1>, vector<1x16xf32>
    %reduce_sum3A_148 = arith.constant dense<0.000000e+00> : vector<1xf32>
    %reduce_sum3A_149 = vector.multi_reduction <add>, %select_n3A_147, %reduce_sum3A_148 [1] : vector<1x16xf32> to vector<1xf32>
    %broadcast_in_dim3A_150 = vector.shape_cast %reduce_sum3A_149 : vector<1xf32> to vector<1x1xf32>
    %gt3A_151 = arith.constant 5 : i32
    %gt3A_152 = vector.broadcast %gt3A_151 : i32 to vector<1x16xi32>
    %gt3A_153 = arith.cmpi sgt, %slice3A, %gt3A_152 : vector<1x16xi32>
    %jit3A_154 = arith.constant 0.000000e+00 : f32
    %broadcast_in_dim3A_155 = vector.shape_cast %broadcast_in_dim3A_150 : vector<1x1xf32> to vector<1x1xf32>
    %broadcast_in_dim3A_156 = vector.broadcast %broadcast_in_dim3A_155 : vector<1x1xf32> to vector<1x16xf32>
    %broadcast_in_dim3A_157 = vector.broadcast %jit3A_154 : f32 to vector<1x16xf32>
    %select_n3A_158 = arith.select %gt3A_153, %broadcast_in_dim3A_156, %broadcast_in_dim3A_157 : vector<1x16xi1>, vector<1x16xf32>
    %add3A_159 = arith.addf %add3A_141, %select_n3A_158 : vector<1x16xf32>
    %eq3A_160 = arith.constant 6 : i32
    %eq3A_161 = vector.broadcast %eq3A_160 : i32 to vector<1x16xi32>
    %eq3A_162 = arith.cmpi eq, %slice3A, %eq3A_161 : vector<1x16xi32>
    %jit3A_163 = arith.constant 0.000000e+00 : f32
    %broadcast_in_dim3A_164 = vector.broadcast %jit3A_163 : f32 to vector<1x16xf32>
    %select_n3A_165 = arith.select %eq3A_162, %scan3A_50, %broadcast_in_dim3A_164 : vector<1x16xi1>, vector<1x16xf32>
    %reduce_sum3A_166 = arith.constant dense<0.000000e+00> : vector<1xf32>
    %reduce_sum3A_167 = vector.multi_reduction <add>, %select_n3A_165, %reduce_sum3A_166 [1] : vector<1x16xf32> to vector<1xf32>
    %broadcast_in_dim3A_168 = vector.shape_cast %reduce_sum3A_167 : vector<1xf32> to vector<1x1xf32>
    %gt3A_169 = arith.constant 6 : i32
    %gt3A_170 = vector.broadcast %gt3A_169 : i32 to vector<1x16xi32>
    %gt3A_171 = arith.cmpi sgt, %slice3A, %gt3A_170 : vector<1x16xi32>
    %jit3A_172 = arith.constant 0.000000e+00 : f32
    %broadcast_in_dim3A_173 = vector.shape_cast %broadcast_in_dim3A_168 : vector<1x1xf32> to vector<1x1xf32>
    %broadcast_in_dim3A_174 = vector.broadcast %broadcast_in_dim3A_173 : vector<1x1xf32> to vector<1x16xf32>
    %broadcast_in_dim3A_175 = vector.broadcast %jit3A_172 : f32 to vector<1x16xf32>
    %select_n3A_176 = arith.select %gt3A_171, %broadcast_in_dim3A_174, %broadcast_in_dim3A_175 : vector<1x16xi1>, vector<1x16xf32>
    %add3A_177 = arith.addf %add3A_159, %select_n3A_176 : vector<1x16xf32>
    %eq3A_178 = arith.constant 7 : i32
    %eq3A_179 = vector.broadcast %eq3A_178 : i32 to vector<1x16xi32>
    %eq3A_180 = arith.cmpi eq, %slice3A, %eq3A_179 : vector<1x16xi32>
    %jit3A_181 = arith.constant 0.000000e+00 : f32
    %broadcast_in_dim3A_182 = vector.broadcast %jit3A_181 : f32 to vector<1x16xf32>
    %select_n3A_183 = arith.select %eq3A_180, %scan3A_50, %broadcast_in_dim3A_182 : vector<1x16xi1>, vector<1x16xf32>
    %reduce_sum3A_184 = arith.constant dense<0.000000e+00> : vector<1xf32>
    %reduce_sum3A_185 = vector.multi_reduction <add>, %select_n3A_183, %reduce_sum3A_184 [1] : vector<1x16xf32> to vector<1xf32>
    %broadcast_in_dim3A_186 = vector.shape_cast %reduce_sum3A_185 : vector<1xf32> to vector<1x1xf32>
    %gt3A_187 = arith.constant 7 : i32
    %gt3A_188 = vector.broadcast %gt3A_187 : i32 to vector<1x16xi32>
    %gt3A_189 = arith.cmpi sgt, %slice3A, %gt3A_188 : vector<1x16xi32>
    %jit3A_190 = arith.constant 0.000000e+00 : f32
    %broadcast_in_dim3A_191 = vector.shape_cast %broadcast_in_dim3A_186 : vector<1x1xf32> to vector<1x1xf32>
    %broadcast_in_dim3A_192 = vector.broadcast %broadcast_in_dim3A_191 : vector<1x1xf32> to vector<1x16xf32>
    %broadcast_in_dim3A_193 = vector.broadcast %jit3A_190 : f32 to vector<1x16xf32>
    %select_n3A_194 = arith.select %gt3A_189, %broadcast_in_dim3A_192, %broadcast_in_dim3A_193 : vector<1x16xi1>, vector<1x16xf32>
    %add3A_195 = arith.addf %add3A_177, %select_n3A_194 : vector<1x16xf32>
    %eq3A_196 = arith.constant 8 : i32
    %eq3A_197 = vector.broadcast %eq3A_196 : i32 to vector<1x16xi32>
    %eq3A_198 = arith.cmpi eq, %slice3A, %eq3A_197 : vector<1x16xi32>
    %jit3A_199 = arith.constant 0.000000e+00 : f32
    %broadcast_in_dim3A_200 = vector.broadcast %jit3A_199 : f32 to vector<1x16xf32>
    %select_n3A_201 = arith.select %eq3A_198, %scan3A_50, %broadcast_in_dim3A_200 : vector<1x16xi1>, vector<1x16xf32>
    %reduce_sum3A_202 = arith.constant dense<0.000000e+00> : vector<1xf32>
    %reduce_sum3A_203 = vector.multi_reduction <add>, %select_n3A_201, %reduce_sum3A_202 [1] : vector<1x16xf32> to vector<1xf32>
    %broadcast_in_dim3A_204 = vector.shape_cast %reduce_sum3A_203 : vector<1xf32> to vector<1x1xf32>
    %gt3A_205 = arith.constant 8 : i32
    %gt3A_206 = vector.broadcast %gt3A_205 : i32 to vector<1x16xi32>
    %gt3A_207 = arith.cmpi sgt, %slice3A, %gt3A_206 : vector<1x16xi32>
    %jit3A_208 = arith.constant 0.000000e+00 : f32
    %broadcast_in_dim3A_209 = vector.shape_cast %broadcast_in_dim3A_204 : vector<1x1xf32> to vector<1x1xf32>
    %broadcast_in_dim3A_210 = vector.broadcast %broadcast_in_dim3A_209 : vector<1x1xf32> to vector<1x16xf32>
    %broadcast_in_dim3A_211 = vector.broadcast %jit3A_208 : f32 to vector<1x16xf32>
    %select_n3A_212 = arith.select %gt3A_207, %broadcast_in_dim3A_210, %broadcast_in_dim3A_211 : vector<1x16xi1>, vector<1x16xf32>
    %add3A_213 = arith.addf %add3A_195, %select_n3A_212 : vector<1x16xf32>
    %eq3A_214 = arith.constant 9 : i32
    %eq3A_215 = vector.broadcast %eq3A_214 : i32 to vector<1x16xi32>
    %eq3A_216 = arith.cmpi eq, %slice3A, %eq3A_215 : vector<1x16xi32>
    %jit3A_217 = arith.constant 0.000000e+00 : f32
    %broadcast_in_dim3A_218 = vector.broadcast %jit3A_217 : f32 to vector<1x16xf32>
    %select_n3A_219 = arith.select %eq3A_216, %scan3A_50, %broadcast_in_dim3A_218 : vector<1x16xi1>, vector<1x16xf32>
    %reduce_sum3A_220 = arith.constant dense<0.000000e+00> : vector<1xf32>
    %reduce_sum3A_221 = vector.multi_reduction <add>, %select_n3A_219, %reduce_sum3A_220 [1] : vector<1x16xf32> to vector<1xf32>
    %broadcast_in_dim3A_222 = vector.shape_cast %reduce_sum3A_221 : vector<1xf32> to vector<1x1xf32>
    %gt3A_223 = arith.constant 9 : i32
    %gt3A_224 = vector.broadcast %gt3A_223 : i32 to vector<1x16xi32>
    %gt3A_225 = arith.cmpi sgt, %slice3A, %gt3A_224 : vector<1x16xi32>
    %jit3A_226 = arith.constant 0.000000e+00 : f32
    %broadcast_in_dim3A_227 = vector.shape_cast %broadcast_in_dim3A_222 : vector<1x1xf32> to vector<1x1xf32>
    %broadcast_in_dim3A_228 = vector.broadcast %broadcast_in_dim3A_227 : vector<1x1xf32> to vector<1x16xf32>
    %broadcast_in_dim3A_229 = vector.broadcast %jit3A_226 : f32 to vector<1x16xf32>
    %select_n3A_230 = arith.select %gt3A_225, %broadcast_in_dim3A_228, %broadcast_in_dim3A_229 : vector<1x16xi1>, vector<1x16xf32>
    %add3A_231 = arith.addf %add3A_213, %select_n3A_230 : vector<1x16xf32>
    %eq3A_232 = arith.constant 10 : i32
    %eq3A_233 = vector.broadcast %eq3A_232 : i32 to vector<1x16xi32>
    %eq3A_234 = arith.cmpi eq, %slice3A, %eq3A_233 : vector<1x16xi32>
    %jit3A_235 = arith.constant 0.000000e+00 : f32
    %broadcast_in_dim3A_236 = vector.broadcast %jit3A_235 : f32 to vector<1x16xf32>
    %select_n3A_237 = arith.select %eq3A_234, %scan3A_50, %broadcast_in_dim3A_236 : vector<1x16xi1>, vector<1x16xf32>
    %reduce_sum3A_238 = arith.constant dense<0.000000e+00> : vector<1xf32>
    %reduce_sum3A_239 = vector.multi_reduction <add>, %select_n3A_237, %reduce_sum3A_238 [1] : vector<1x16xf32> to vector<1xf32>
    %broadcast_in_dim3A_240 = vector.shape_cast %reduce_sum3A_239 : vector<1xf32> to vector<1x1xf32>
    %gt3A_241 = arith.constant 10 : i32
    %gt3A_242 = vector.broadcast %gt3A_241 : i32 to vector<1x16xi32>
    %gt3A_243 = arith.cmpi sgt, %slice3A, %gt3A_242 : vector<1x16xi32>
    %jit3A_244 = arith.constant 0.000000e+00 : f32
    %broadcast_in_dim3A_245 = vector.shape_cast %broadcast_in_dim3A_240 : vector<1x1xf32> to vector<1x1xf32>
    %broadcast_in_dim3A_246 = vector.broadcast %broadcast_in_dim3A_245 : vector<1x1xf32> to vector<1x16xf32>
    %broadcast_in_dim3A_247 = vector.broadcast %jit3A_244 : f32 to vector<1x16xf32>
    %select_n3A_248 = arith.select %gt3A_243, %broadcast_in_dim3A_246, %broadcast_in_dim3A_247 : vector<1x16xi1>, vector<1x16xf32>
    %add3A_249 = arith.addf %add3A_231, %select_n3A_248 : vector<1x16xf32>
    %eq3A_250 = arith.constant 11 : i32
    %eq3A_251 = vector.broadcast %eq3A_250 : i32 to vector<1x16xi32>
    %eq3A_252 = arith.cmpi eq, %slice3A, %eq3A_251 : vector<1x16xi32>
    %jit3A_253 = arith.constant 0.000000e+00 : f32
    %broadcast_in_dim3A_254 = vector.broadcast %jit3A_253 : f32 to vector<1x16xf32>
    %select_n3A_255 = arith.select %eq3A_252, %scan3A_50, %broadcast_in_dim3A_254 : vector<1x16xi1>, vector<1x16xf32>
    %reduce_sum3A_256 = arith.constant dense<0.000000e+00> : vector<1xf32>
    %reduce_sum3A_257 = vector.multi_reduction <add>, %select_n3A_255, %reduce_sum3A_256 [1] : vector<1x16xf32> to vector<1xf32>
    %broadcast_in_dim3A_258 = vector.shape_cast %reduce_sum3A_257 : vector<1xf32> to vector<1x1xf32>
    %gt3A_259 = arith.constant 11 : i32
    %gt3A_260 = vector.broadcast %gt3A_259 : i32 to vector<1x16xi32>
    %gt3A_261 = arith.cmpi sgt, %slice3A, %gt3A_260 : vector<1x16xi32>
    %jit3A_262 = arith.constant 0.000000e+00 : f32
    %broadcast_in_dim3A_263 = vector.shape_cast %broadcast_in_dim3A_258 : vector<1x1xf32> to vector<1x1xf32>
    %broadcast_in_dim3A_264 = vector.broadcast %broadcast_in_dim3A_263 : vector<1x1xf32> to vector<1x16xf32>
    %broadcast_in_dim3A_265 = vector.broadcast %jit3A_262 : f32 to vector<1x16xf32>
    %select_n3A_266 = arith.select %gt3A_261, %broadcast_in_dim3A_264, %broadcast_in_dim3A_265 : vector<1x16xi1>, vector<1x16xf32>
    %add3A_267 = arith.addf %add3A_249, %select_n3A_266 : vector<1x16xf32>
    %eq3A_268 = arith.constant 12 : i32
    %eq3A_269 = vector.broadcast %eq3A_268 : i32 to vector<1x16xi32>
    %eq3A_270 = arith.cmpi eq, %slice3A, %eq3A_269 : vector<1x16xi32>
    %jit3A_271 = arith.constant 0.000000e+00 : f32
    %broadcast_in_dim3A_272 = vector.broadcast %jit3A_271 : f32 to vector<1x16xf32>
    %select_n3A_273 = arith.select %eq3A_270, %scan3A_50, %broadcast_in_dim3A_272 : vector<1x16xi1>, vector<1x16xf32>
    %reduce_sum3A_274 = arith.constant dense<0.000000e+00> : vector<1xf32>
    %reduce_sum3A_275 = vector.multi_reduction <add>, %select_n3A_273, %reduce_sum3A_274 [1] : vector<1x16xf32> to vector<1xf32>
    %broadcast_in_dim3A_276 = vector.shape_cast %reduce_sum3A_275 : vector<1xf32> to vector<1x1xf32>
    %gt3A_277 = arith.constant 12 : i32
    %gt3A_278 = vector.broadcast %gt3A_277 : i32 to vector<1x16xi32>
    %gt3A_279 = arith.cmpi sgt, %slice3A, %gt3A_278 : vector<1x16xi32>
    %jit3A_280 = arith.constant 0.000000e+00 : f32
    %broadcast_in_dim3A_281 = vector.shape_cast %broadcast_in_dim3A_276 : vector<1x1xf32> to vector<1x1xf32>
    %broadcast_in_dim3A_282 = vector.broadcast %broadcast_in_dim3A_281 : vector<1x1xf32> to vector<1x16xf32>
    %broadcast_in_dim3A_283 = vector.broadcast %jit3A_280 : f32 to vector<1x16xf32>
    %select_n3A_284 = arith.select %gt3A_279, %broadcast_in_dim3A_282, %broadcast_in_dim3A_283 : vector<1x16xi1>, vector<1x16xf32>
    %add3A_285 = arith.addf %add3A_267, %select_n3A_284 : vector<1x16xf32>
    %eq3A_286 = arith.constant 13 : i32
    %eq3A_287 = vector.broadcast %eq3A_286 : i32 to vector<1x16xi32>
    %eq3A_288 = arith.cmpi eq, %slice3A, %eq3A_287 : vector<1x16xi32>
    %jit3A_289 = arith.constant 0.000000e+00 : f32
    %broadcast_in_dim3A_290 = vector.broadcast %jit3A_289 : f32 to vector<1x16xf32>
    %select_n3A_291 = arith.select %eq3A_288, %scan3A_50, %broadcast_in_dim3A_290 : vector<1x16xi1>, vector<1x16xf32>
    %reduce_sum3A_292 = arith.constant dense<0.000000e+00> : vector<1xf32>
    %reduce_sum3A_293 = vector.multi_reduction <add>, %select_n3A_291, %reduce_sum3A_292 [1] : vector<1x16xf32> to vector<1xf32>
    %broadcast_in_dim3A_294 = vector.shape_cast %reduce_sum3A_293 : vector<1xf32> to vector<1x1xf32>
    %gt3A_295 = arith.constant 13 : i32
    %gt3A_296 = vector.broadcast %gt3A_295 : i32 to vector<1x16xi32>
    %gt3A_297 = arith.cmpi sgt, %slice3A, %gt3A_296 : vector<1x16xi32>
    %jit3A_298 = arith.constant 0.000000e+00 : f32
    %broadcast_in_dim3A_299 = vector.shape_cast %broadcast_in_dim3A_294 : vector<1x1xf32> to vector<1x1xf32>
    %broadcast_in_dim3A_300 = vector.broadcast %broadcast_in_dim3A_299 : vector<1x1xf32> to vector<1x16xf32>
    %broadcast_in_dim3A_301 = vector.broadcast %jit3A_298 : f32 to vector<1x16xf32>
    %select_n3A_302 = arith.select %gt3A_297, %broadcast_in_dim3A_300, %broadcast_in_dim3A_301 : vector<1x16xi1>, vector<1x16xf32>
    %add3A_303 = arith.addf %add3A_285, %select_n3A_302 : vector<1x16xf32>
    %eq3A_304 = arith.constant 14 : i32
    %eq3A_305 = vector.broadcast %eq3A_304 : i32 to vector<1x16xi32>
    %eq3A_306 = arith.cmpi eq, %slice3A, %eq3A_305 : vector<1x16xi32>
    %jit3A_307 = arith.constant 0.000000e+00 : f32
    %broadcast_in_dim3A_308 = vector.broadcast %jit3A_307 : f32 to vector<1x16xf32>
    %select_n3A_309 = arith.select %eq3A_306, %scan3A_50, %broadcast_in_dim3A_308 : vector<1x16xi1>, vector<1x16xf32>
    %reduce_sum3A_310 = arith.constant dense<0.000000e+00> : vector<1xf32>
    %reduce_sum3A_311 = vector.multi_reduction <add>, %select_n3A_309, %reduce_sum3A_310 [1] : vector<1x16xf32> to vector<1xf32>
    %broadcast_in_dim3A_312 = vector.shape_cast %reduce_sum3A_311 : vector<1xf32> to vector<1x1xf32>
    %gt3A_313 = arith.constant 14 : i32
    %gt3A_314 = vector.broadcast %gt3A_313 : i32 to vector<1x16xi32>
    %gt3A_315 = arith.cmpi sgt, %slice3A, %gt3A_314 : vector<1x16xi32>
    %jit3A_316 = arith.constant 0.000000e+00 : f32
    %broadcast_in_dim3A_317 = vector.shape_cast %broadcast_in_dim3A_312 : vector<1x1xf32> to vector<1x1xf32>
    %broadcast_in_dim3A_318 = vector.broadcast %broadcast_in_dim3A_317 : vector<1x1xf32> to vector<1x16xf32>
    %broadcast_in_dim3A_319 = vector.broadcast %jit3A_316 : f32 to vector<1x16xf32>
    %select_n3A_320 = arith.select %gt3A_315, %broadcast_in_dim3A_318, %broadcast_in_dim3A_319 : vector<1x16xi1>, vector<1x16xf32>
    %add3A_321 = arith.addf %add3A_303, %select_n3A_320 : vector<1x16xf32>
    %eq3A_322 = arith.constant 15 : i32
    %eq3A_323 = vector.broadcast %eq3A_322 : i32 to vector<1x16xi32>
    %eq3A_324 = arith.cmpi eq, %slice3A, %eq3A_323 : vector<1x16xi32>
    %jit3A_325 = arith.constant 0.000000e+00 : f32
    %broadcast_in_dim3A_326 = vector.broadcast %jit3A_325 : f32 to vector<1x16xf32>
    %select_n3A_327 = arith.select %eq3A_324, %scan3A_50, %broadcast_in_dim3A_326 : vector<1x16xi1>, vector<1x16xf32>
    %reduce_sum3A_328 = arith.constant dense<0.000000e+00> : vector<1xf32>
    %reduce_sum3A_329 = vector.multi_reduction <add>, %select_n3A_327, %reduce_sum3A_328 [1] : vector<1x16xf32> to vector<1xf32>
    %broadcast_in_dim3A_330 = vector.shape_cast %reduce_sum3A_329 : vector<1xf32> to vector<1x1xf32>
    %gt3A_331 = arith.constant 15 : i32
    %gt3A_332 = vector.broadcast %gt3A_331 : i32 to vector<1x16xi32>
    %gt3A_333 = arith.cmpi sgt, %slice3A, %gt3A_332 : vector<1x16xi32>
    %jit3A_334 = arith.constant 0.000000e+00 : f32
    %broadcast_in_dim3A_335 = vector.shape_cast %broadcast_in_dim3A_330 : vector<1x1xf32> to vector<1x1xf32>
    %broadcast_in_dim3A_336 = vector.broadcast %broadcast_in_dim3A_335 : vector<1x1xf32> to vector<1x16xf32>
    %broadcast_in_dim3A_337 = vector.broadcast %jit3A_334 : f32 to vector<1x16xf32>
    %select_n3A_338 = arith.select %gt3A_333, %broadcast_in_dim3A_336, %broadcast_in_dim3A_337 : vector<1x16xi1>, vector<1x16xf32>
    %add3A_339 = arith.addf %add3A_321, %select_n3A_338 : vector<1x16xf32>
    %get3A_340 = arith.constant 0 : index
    %get3A_341 = arith.constant 0 : index
    %get3A_342 = vector.load %arg5[%get3A_340, %get3A_341] : memref<4096x16xf32, #tpu.memory_space<vmem>>, vector<4096x16xf32>
    %broadcast_in_dim3A_343 = vector.shape_cast %add3A_339 : vector<1x16xf32> to vector<1x16xf32>
    %broadcast_in_dim3A_344 = vector.broadcast %broadcast_in_dim3A_343 : vector<1x16xf32> to vector<4096x16xf32>
    %eq3A_345 = vector.broadcast %broadcast_in_dim3A_17 : vector<4096x1xi32> to vector<4096x16xi32>
    %eq3A_346 = arith.cmpi eq, %iota3A, %eq3A_345 : vector<4096x16xi32>
    %add3A_347 = arith.addf %get3A_342, %broadcast_in_dim3A_344 : vector<4096x16xf32>
    %jit3A_348 = arith.constant 0.000000e+00 : f32
    %broadcast_in_dim3A_349 = vector.broadcast %jit3A_348 : f32 to vector<4096x16xf32>
    %select_n3A_350 = arith.select %eq3A_346, %add3A_347, %broadcast_in_dim3A_349 : vector<4096x16xi1>, vector<4096x16xf32>
    %reduce_sum3A_351 = arith.constant dense<0.000000e+00> : vector<4096xf32>
    %reduce_sum3A_352 = vector.multi_reduction <add>, %select_n3A_350, %reduce_sum3A_351 [1] : vector<4096x16xf32> to vector<4096xf32>
    %broadcast_in_dim3A_353 = vector.shape_cast %reduce_sum3A_352 : vector<4096xf32> to vector<4096x1xf32>
    %eq3A_354 = vector.broadcast %broadcast_in_dim3A_33 : vector<4096x1xi32> to vector<4096x16xi32>
    %eq3A_355 = arith.cmpi eq, %iota3A, %eq3A_354 : vector<4096x16xi32>
    %add3A_356 = arith.addf %get3A_342, %broadcast_in_dim3A_344 : vector<4096x16xf32>
    %jit3A_357 = arith.constant 0.000000e+00 : f32
    %broadcast_in_dim3A_358 = vector.broadcast %jit3A_357 : f32 to vector<4096x16xf32>
    %select_n3A_359 = arith.select %eq3A_355, %add3A_356, %broadcast_in_dim3A_358 : vector<4096x16xi1>, vector<4096x16xf32>
    %reduce_sum3A_360 = arith.constant dense<0.000000e+00> : vector<4096xf32>
    %reduce_sum3A_361 = vector.multi_reduction <add>, %select_n3A_359, %reduce_sum3A_360 [1] : vector<4096x16xf32> to vector<4096xf32>
    %broadcast_in_dim3A_362 = vector.shape_cast %reduce_sum3A_361 : vector<4096xf32> to vector<4096x1xf32>
    %concatenate3A = tpu.concatenate %broadcast_in_dim3A_353, %broadcast_in_dim3A_362 in 1 : vector<4096x1xf32>, vector<4096x1xf32> -> vector<4096x2xf32>
    %convert_element_type3A_363 = arith.fptosi %concatenate3A : vector<4096x2xf32> to vector<4096x2xi32>
    %swap3A_364 = arith.constant 0 : index
    %swap3A_365 = arith.constant 0 : index
    %swap3A_366 = vector.load %arg2[%swap3A_364, %swap3A_365] : memref<4096x2xi32, #tpu.memory_space<vmem>>, vector<4096x2xi32>
    tpu.vector_store %arg2[%swap3A_364, %swap3A_365], %convert_element_type3A_363 {strides = array<i32>} : memref<4096x2xi32, #tpu.memory_space<vmem>>, vector<4096x2xi32>,
    %concatenate3A_367 = tpu.concatenate %broadcast_in_dim3A_13, %broadcast_in_dim3A_25 in 1 : vector<4096x1xf32>, vector<4096x1xf32> -> vector<4096x2xf32>
    %swap3A_368 = arith.constant 0 : index
    %swap3A_369 = arith.constant 0 : index
    %swap3A_370 = vector.load %arg3[%swap3A_368, %swap3A_369] : memref<4096x2xf32, #tpu.memory_space<vmem>>, vector<4096x2xf32>
    tpu.vector_store %arg3[%swap3A_368, %swap3A_369], %concatenate3A_367 {strides = array<i32>} : memref<4096x2xf32, #tpu.memory_space<vmem>>, vector<4096x2xf32>,
    %iota3A_371 = tpu.iota {dimensions = array<i32: 1>} : vector<1x32xi32>
    %broadcast_in_dim3A_372 = arith.constant 0 : i32
    %broadcast_in_dim3A_373 = vector.broadcast %broadcast_in_dim3A_372 : i32 to vector<1x32xi32>
    %eq3A_374 = arith.constant 0 : i32
    %eq3A_375 = vector.broadcast %eq3A_374 : i32 to vector<1x16xi32>
    %eq3A_376 = arith.cmpi eq, %slice3A, %eq3A_375 : vector<1x16xi32>
    %jit3A_377 = arith.constant 0.000000e+00 : f32
    %broadcast_in_dim3A_378 = vector.broadcast %jit3A_377 : f32 to vector<1x16xf32>
    %select_n3A_379 = arith.select %eq3A_376, %scan3A_50, %broadcast_in_dim3A_378 : vector<1x16xi1>, vector<1x16xf32>
    %reduce_sum3A_380 = arith.constant dense<0.000000e+00> : vector<1xf32>
    %reduce_sum3A_381 = vector.multi_reduction <add>, %select_n3A_379, %reduce_sum3A_380 [1] : vector<1x16xf32> to vector<1xf32>
    %broadcast_in_dim3A_382 = vector.shape_cast %reduce_sum3A_381 : vector<1xf32> to vector<1x1xf32>
    %eq3A_383 = arith.constant 0 : i32
    %eq3A_384 = vector.broadcast %eq3A_383 : i32 to vector<1x32xi32>
    %eq3A_385 = arith.cmpi eq, %iota3A_371, %eq3A_384 : vector<1x32xi32>
    %convert_element_type3A_386 = arith.fptosi %broadcast_in_dim3A_382 : vector<1x1xf32> to vector<1x1xi32>
    %jit3A_387 = arith.constant 0 : i32
    %broadcast_in_dim3A_388 = vector.shape_cast %convert_element_type3A_386 : vector<1x1xi32> to vector<1x1xi32>
    %broadcast_in_dim3A_389 = vector.broadcast %broadcast_in_dim3A_388 : vector<1x1xi32> to vector<1x32xi32>
    %broadcast_in_dim3A_390 = vector.broadcast %jit3A_387 : i32 to vector<1x32xi32>
    %select_n3A_391 = arith.select %eq3A_385, %broadcast_in_dim3A_389, %broadcast_in_dim3A_390 : vector<1x32xi1>, vector<1x32xi32>
    %add3A_392 = arith.addi %broadcast_in_dim3A_373, %select_n3A_391 : vector<1x32xi32>
    %eq3A_393 = arith.constant 1 : i32
    %eq3A_394 = vector.broadcast %eq3A_393 : i32 to vector<1x16xi32>
    %eq3A_395 = arith.cmpi eq, %slice3A, %eq3A_394 : vector<1x16xi32>
    %jit3A_396 = arith.constant 0.000000e+00 : f32
    %broadcast_in_dim3A_397 = vector.broadcast %jit3A_396 : f32 to vector<1x16xf32>
    %select_n3A_398 = arith.select %eq3A_395, %scan3A_50, %broadcast_in_dim3A_397 : vector<1x16xi1>, vector<1x16xf32>
    %reduce_sum3A_399 = arith.constant dense<0.000000e+00> : vector<1xf32>
    %reduce_sum3A_400 = vector.multi_reduction <add>, %select_n3A_398, %reduce_sum3A_399 [1] : vector<1x16xf32> to vector<1xf32>
    %broadcast_in_dim3A_401 = vector.shape_cast %reduce_sum3A_400 : vector<1xf32> to vector<1x1xf32>
    %eq3A_402 = arith.constant 1 : i32
    %eq3A_403 = vector.broadcast %eq3A_402 : i32 to vector<1x32xi32>
    %eq3A_404 = arith.cmpi eq, %iota3A_371, %eq3A_403 : vector<1x32xi32>
    %convert_element_type3A_405 = arith.fptosi %broadcast_in_dim3A_401 : vector<1x1xf32> to vector<1x1xi32>
    %jit3A_406 = arith.constant 0 : i32
    %broadcast_in_dim3A_407 = vector.shape_cast %convert_element_type3A_405 : vector<1x1xi32> to vector<1x1xi32>
    %broadcast_in_dim3A_408 = vector.broadcast %broadcast_in_dim3A_407 : vector<1x1xi32> to vector<1x32xi32>
    %broadcast_in_dim3A_409 = vector.broadcast %jit3A_406 : i32 to vector<1x32xi32>
    %select_n3A_410 = arith.select %eq3A_404, %broadcast_in_dim3A_408, %broadcast_in_dim3A_409 : vector<1x32xi1>, vector<1x32xi32>
    %add3A_411 = arith.addi %add3A_392, %select_n3A_410 : vector<1x32xi32>
    %eq3A_412 = arith.constant 2 : i32
    %eq3A_413 = vector.broadcast %eq3A_412 : i32 to vector<1x16xi32>
    %eq3A_414 = arith.cmpi eq, %slice3A, %eq3A_413 : vector<1x16xi32>
    %jit3A_415 = arith.constant 0.000000e+00 : f32
    %broadcast_in_dim3A_416 = vector.broadcast %jit3A_415 : f32 to vector<1x16xf32>
    %select_n3A_417 = arith.select %eq3A_414, %scan3A_50, %broadcast_in_dim3A_416 : vector<1x16xi1>, vector<1x16xf32>
    %reduce_sum3A_418 = arith.constant dense<0.000000e+00> : vector<1xf32>
    %reduce_sum3A_419 = vector.multi_reduction <add>, %select_n3A_417, %reduce_sum3A_418 [1] : vector<1x16xf32> to vector<1xf32>
    %broadcast_in_dim3A_420 = vector.shape_cast %reduce_sum3A_419 : vector<1xf32> to vector<1x1xf32>
    %eq3A_421 = arith.constant 2 : i32
    %eq3A_422 = vector.broadcast %eq3A_421 : i32 to vector<1x32xi32>
    %eq3A_423 = arith.cmpi eq, %iota3A_371, %eq3A_422 : vector<1x32xi32>
    %convert_element_type3A_424 = arith.fptosi %broadcast_in_dim3A_420 : vector<1x1xf32> to vector<1x1xi32>
    %jit3A_425 = arith.constant 0 : i32
    %broadcast_in_dim3A_426 = vector.shape_cast %convert_element_type3A_424 : vector<1x1xi32> to vector<1x1xi32>
    %broadcast_in_dim3A_427 = vector.broadcast %broadcast_in_dim3A_426 : vector<1x1xi32> to vector<1x32xi32>
    %broadcast_in_dim3A_428 = vector.broadcast %jit3A_425 : i32 to vector<1x32xi32>
    %select_n3A_429 = arith.select %eq3A_423, %broadcast_in_dim3A_427, %broadcast_in_dim3A_428 : vector<1x32xi1>, vector<1x32xi32>
    %add3A_430 = arith.addi %add3A_411, %select_n3A_429 : vector<1x32xi32>
    %eq3A_431 = arith.constant 3 : i32
    %eq3A_432 = vector.broadcast %eq3A_431 : i32 to vector<1x16xi32>
    %eq3A_433 = arith.cmpi eq, %slice3A, %eq3A_432 : vector<1x16xi32>
    %jit3A_434 = arith.constant 0.000000e+00 : f32
    %broadcast_in_dim3A_435 = vector.broadcast %jit3A_434 : f32 to vector<1x16xf32>
    %select_n3A_436 = arith.select %eq3A_433, %scan3A_50, %broadcast_in_dim3A_435 : vector<1x16xi1>, vector<1x16xf32>
    %reduce_sum3A_437 = arith.constant dense<0.000000e+00> : vector<1xf32>
    %reduce_sum3A_438 = vector.multi_reduction <add>, %select_n3A_436, %reduce_sum3A_437 [1] : vector<1x16xf32> to vector<1xf32>
    %broadcast_in_dim3A_439 = vector.shape_cast %reduce_sum3A_438 : vector<1xf32> to vector<1x1xf32>
    %eq3A_440 = arith.constant 3 : i32
    %eq3A_441 = vector.broadcast %eq3A_440 : i32 to vector<1x32xi32>
    %eq3A_442 = arith.cmpi eq, %iota3A_371, %eq3A_441 : vector<1x32xi32>
    %convert_element_type3A_443 = arith.fptosi %broadcast_in_dim3A_439 : vector<1x1xf32> to vector<1x1xi32>
    %jit3A_444 = arith.constant 0 : i32
    %broadcast_in_dim3A_445 = vector.shape_cast %convert_element_type3A_443 : vector<1x1xi32> to vector<1x1xi32>
    %broadcast_in_dim3A_446 = vector.broadcast %broadcast_in_dim3A_445 : vector<1x1xi32> to vector<1x32xi32>
    %broadcast_in_dim3A_447 = vector.broadcast %jit3A_444 : i32 to vector<1x32xi32>
    %select_n3A_448 = arith.select %eq3A_442, %broadcast_in_dim3A_446, %broadcast_in_dim3A_447 : vector<1x32xi1>, vector<1x32xi32>
    %add3A_449 = arith.addi %add3A_430, %select_n3A_448 : vector<1x32xi32>
    %eq3A_450 = arith.constant 4 : i32
    %eq3A_451 = vector.broadcast %eq3A_450 : i32 to vector<1x16xi32>
    %eq3A_452 = arith.cmpi eq, %slice3A, %eq3A_451 : vector<1x16xi32>
    %jit3A_453 = arith.constant 0.000000e+00 : f32
    %broadcast_in_dim3A_454 = vector.broadcast %jit3A_453 : f32 to vector<1x16xf32>
    %select_n3A_455 = arith.select %eq3A_452, %scan3A_50, %broadcast_in_dim3A_454 : vector<1x16xi1>, vector<1x16xf32>
    %reduce_sum3A_456 = arith.constant dense<0.000000e+00> : vector<1xf32>
    %reduce_sum3A_457 = vector.multi_reduction <add>, %select_n3A_455, %reduce_sum3A_456 [1] : vector<1x16xf32> to vector<1xf32>
    %broadcast_in_dim3A_458 = vector.shape_cast %reduce_sum3A_457 : vector<1xf32> to vector<1x1xf32>
    %eq3A_459 = arith.constant 4 : i32
    %eq3A_460 = vector.broadcast %eq3A_459 : i32 to vector<1x32xi32>
    %eq3A_461 = arith.cmpi eq, %iota3A_371, %eq3A_460 : vector<1x32xi32>
    %convert_element_type3A_462 = arith.fptosi %broadcast_in_dim3A_458 : vector<1x1xf32> to vector<1x1xi32>
    %jit3A_463 = arith.constant 0 : i32
    %broadcast_in_dim3A_464 = vector.shape_cast %convert_element_type3A_462 : vector<1x1xi32> to vector<1x1xi32>
    %broadcast_in_dim3A_465 = vector.broadcast %broadcast_in_dim3A_464 : vector<1x1xi32> to vector<1x32xi32>
    %broadcast_in_dim3A_466 = vector.broadcast %jit3A_463 : i32 to vector<1x32xi32>
    %select_n3A_467 = arith.select %eq3A_461, %broadcast_in_dim3A_465, %broadcast_in_dim3A_466 : vector<1x32xi1>, vector<1x32xi32>
    %add3A_468 = arith.addi %add3A_449, %select_n3A_467 : vector<1x32xi32>
    %eq3A_469 = arith.constant 5 : i32
    %eq3A_470 = vector.broadcast %eq3A_469 : i32 to vector<1x16xi32>
    %eq3A_471 = arith.cmpi eq, %slice3A, %eq3A_470 : vector<1x16xi32>
    %jit3A_472 = arith.constant 0.000000e+00 : f32
    %broadcast_in_dim3A_473 = vector.broadcast %jit3A_472 : f32 to vector<1x16xf32>
    %select_n3A_474 = arith.select %eq3A_471, %scan3A_50, %broadcast_in_dim3A_473 : vector<1x16xi1>, vector<1x16xf32>
    %reduce_sum3A_475 = arith.constant dense<0.000000e+00> : vector<1xf32>
    %reduce_sum3A_476 = vector.multi_reduction <add>, %select_n3A_474, %reduce_sum3A_475 [1] : vector<1x16xf32> to vector<1xf32>
    %broadcast_in_dim3A_477 = vector.shape_cast %reduce_sum3A_476 : vector<1xf32> to vector<1x1xf32>
    %eq3A_478 = arith.constant 5 : i32
    %eq3A_479 = vector.broadcast %eq3A_478 : i32 to vector<1x32xi32>
    %eq3A_480 = arith.cmpi eq, %iota3A_371, %eq3A_479 : vector<1x32xi32>
    %convert_element_type3A_481 = arith.fptosi %broadcast_in_dim3A_477 : vector<1x1xf32> to vector<1x1xi32>
    %jit3A_482 = arith.constant 0 : i32
    %broadcast_in_dim3A_483 = vector.shape_cast %convert_element_type3A_481 : vector<1x1xi32> to vector<1x1xi32>
    %broadcast_in_dim3A_484 = vector.broadcast %broadcast_in_dim3A_483 : vector<1x1xi32> to vector<1x32xi32>
    %broadcast_in_dim3A_485 = vector.broadcast %jit3A_482 : i32 to vector<1x32xi32>
    %select_n3A_486 = arith.select %eq3A_480, %broadcast_in_dim3A_484, %broadcast_in_dim3A_485 : vector<1x32xi1>, vector<1x32xi32>
    %add3A_487 = arith.addi %add3A_468, %select_n3A_486 : vector<1x32xi32>
    %eq3A_488 = arith.constant 6 : i32
    %eq3A_489 = vector.broadcast %eq3A_488 : i32 to vector<1x16xi32>
    %eq3A_490 = arith.cmpi eq, %slice3A, %eq3A_489 : vector<1x16xi32>
    %jit3A_491 = arith.constant 0.000000e+00 : f32
    %broadcast_in_dim3A_492 = vector.broadcast %jit3A_491 : f32 to vector<1x16xf32>
    %select_n3A_493 = arith.select %eq3A_490, %scan3A_50, %broadcast_in_dim3A_492 : vector<1x16xi1>, vector<1x16xf32>
    %reduce_sum3A_494 = arith.constant dense<0.000000e+00> : vector<1xf32>
    %reduce_sum3A_495 = vector.multi_reduction <add>, %select_n3A_493, %reduce_sum3A_494 [1] : vector<1x16xf32> to vector<1xf32>
    %broadcast_in_dim3A_496 = vector.shape_cast %reduce_sum3A_495 : vector<1xf32> to vector<1x1xf32>
    %eq3A_497 = arith.constant 6 : i32
    %eq3A_498 = vector.broadcast %eq3A_497 : i32 to vector<1x32xi32>
    %eq3A_499 = arith.cmpi eq, %iota3A_371, %eq3A_498 : vector<1x32xi32>
    %convert_element_type3A_500 = arith.fptosi %broadcast_in_dim3A_496 : vector<1x1xf32> to vector<1x1xi32>
    %jit3A_501 = arith.constant 0 : i32
    %broadcast_in_dim3A_502 = vector.shape_cast %convert_element_type3A_500 : vector<1x1xi32> to vector<1x1xi32>
    %broadcast_in_dim3A_503 = vector.broadcast %broadcast_in_dim3A_502 : vector<1x1xi32> to vector<1x32xi32>
    %broadcast_in_dim3A_504 = vector.broadcast %jit3A_501 : i32 to vector<1x32xi32>
    %select_n3A_505 = arith.select %eq3A_499, %broadcast_in_dim3A_503, %broadcast_in_dim3A_504 : vector<1x32xi1>, vector<1x32xi32>
    %add3A_506 = arith.addi %add3A_487, %select_n3A_505 : vector<1x32xi32>
    %eq3A_507 = arith.constant 7 : i32
    %eq3A_508 = vector.broadcast %eq3A_507 : i32 to vector<1x16xi32>
    %eq3A_509 = arith.cmpi eq, %slice3A, %eq3A_508 : vector<1x16xi32>
    %jit3A_510 = arith.constant 0.000000e+00 : f32
    %broadcast_in_dim3A_511 = vector.broadcast %jit3A_510 : f32 to vector<1x16xf32>
    %select_n3A_512 = arith.select %eq3A_509, %scan3A_50, %broadcast_in_dim3A_511 : vector<1x16xi1>, vector<1x16xf32>
    %reduce_sum3A_513 = arith.constant dense<0.000000e+00> : vector<1xf32>
    %reduce_sum3A_514 = vector.multi_reduction <add>, %select_n3A_512, %reduce_sum3A_513 [1] : vector<1x16xf32> to vector<1xf32>
    %broadcast_in_dim3A_515 = vector.shape_cast %reduce_sum3A_514 : vector<1xf32> to vector<1x1xf32>
    %eq3A_516 = arith.constant 7 : i32
    %eq3A_517 = vector.broadcast %eq3A_516 : i32 to vector<1x32xi32>
    %eq3A_518 = arith.cmpi eq, %iota3A_371, %eq3A_517 : vector<1x32xi32>
    %convert_element_type3A_519 = arith.fptosi %broadcast_in_dim3A_515 : vector<1x1xf32> to vector<1x1xi32>
    %jit3A_520 = arith.constant 0 : i32
    %broadcast_in_dim3A_521 = vector.shape_cast %convert_element_type3A_519 : vector<1x1xi32> to vector<1x1xi32>
    %broadcast_in_dim3A_522 = vector.broadcast %broadcast_in_dim3A_521 : vector<1x1xi32> to vector<1x32xi32>
    %broadcast_in_dim3A_523 = vector.broadcast %jit3A_520 : i32 to vector<1x32xi32>
    %select_n3A_524 = arith.select %eq3A_518, %broadcast_in_dim3A_522, %broadcast_in_dim3A_523 : vector<1x32xi1>, vector<1x32xi32>
    %add3A_525 = arith.addi %add3A_506, %select_n3A_524 : vector<1x32xi32>
    %eq3A_526 = arith.constant 8 : i32
    %eq3A_527 = vector.broadcast %eq3A_526 : i32 to vector<1x16xi32>
    %eq3A_528 = arith.cmpi eq, %slice3A, %eq3A_527 : vector<1x16xi32>
    %jit3A_529 = arith.constant 0.000000e+00 : f32
    %broadcast_in_dim3A_530 = vector.broadcast %jit3A_529 : f32 to vector<1x16xf32>
    %select_n3A_531 = arith.select %eq3A_528, %scan3A_50, %broadcast_in_dim3A_530 : vector<1x16xi1>, vector<1x16xf32>
    %reduce_sum3A_532 = arith.constant dense<0.000000e+00> : vector<1xf32>
    %reduce_sum3A_533 = vector.multi_reduction <add>, %select_n3A_531, %reduce_sum3A_532 [1] : vector<1x16xf32> to vector<1xf32>
    %broadcast_in_dim3A_534 = vector.shape_cast %reduce_sum3A_533 : vector<1xf32> to vector<1x1xf32>
    %eq3A_535 = arith.constant 8 : i32
    %eq3A_536 = vector.broadcast %eq3A_535 : i32 to vector<1x32xi32>
    %eq3A_537 = arith.cmpi eq, %iota3A_371, %eq3A_536 : vector<1x32xi32>
    %convert_element_type3A_538 = arith.fptosi %broadcast_in_dim3A_534 : vector<1x1xf32> to vector<1x1xi32>
    %jit3A_539 = arith.constant 0 : i32
    %broadcast_in_dim3A_540 = vector.shape_cast %convert_element_type3A_538 : vector<1x1xi32> to vector<1x1xi32>
    %broadcast_in_dim3A_541 = vector.broadcast %broadcast_in_dim3A_540 : vector<1x1xi32> to vector<1x32xi32>
    %broadcast_in_dim3A_542 = vector.broadcast %jit3A_539 : i32 to vector<1x32xi32>
    %select_n3A_543 = arith.select %eq3A_537, %broadcast_in_dim3A_541, %broadcast_in_dim3A_542 : vector<1x32xi1>, vector<1x32xi32>
    %add3A_544 = arith.addi %add3A_525, %select_n3A_543 : vector<1x32xi32>
    %eq3A_545 = arith.constant 9 : i32
    %eq3A_546 = vector.broadcast %eq3A_545 : i32 to vector<1x16xi32>
    %eq3A_547 = arith.cmpi eq, %slice3A, %eq3A_546 : vector<1x16xi32>
    %jit3A_548 = arith.constant 0.000000e+00 : f32
    %broadcast_in_dim3A_549 = vector.broadcast %jit3A_548 : f32 to vector<1x16xf32>
    %select_n3A_550 = arith.select %eq3A_547, %scan3A_50, %broadcast_in_dim3A_549 : vector<1x16xi1>, vector<1x16xf32>
    %reduce_sum3A_551 = arith.constant dense<0.000000e+00> : vector<1xf32>
    %reduce_sum3A_552 = vector.multi_reduction <add>, %select_n3A_550, %reduce_sum3A_551 [1] : vector<1x16xf32> to vector<1xf32>
    %broadcast_in_dim3A_553 = vector.shape_cast %reduce_sum3A_552 : vector<1xf32> to vector<1x1xf32>
    %eq3A_554 = arith.constant 9 : i32
    %eq3A_555 = vector.broadcast %eq3A_554 : i32 to vector<1x32xi32>
    %eq3A_556 = arith.cmpi eq, %iota3A_371, %eq3A_555 : vector<1x32xi32>
    %convert_element_type3A_557 = arith.fptosi %broadcast_in_dim3A_553 : vector<1x1xf32> to vector<1x1xi32>
    %jit3A_558 = arith.constant 0 : i32
    %broadcast_in_dim3A_559 = vector.shape_cast %convert_element_type3A_557 : vector<1x1xi32> to vector<1x1xi32>
    %broadcast_in_dim3A_560 = vector.broadcast %broadcast_in_dim3A_559 : vector<1x1xi32> to vector<1x32xi32>
    %broadcast_in_dim3A_561 = vector.broadcast %jit3A_558 : i32 to vector<1x32xi32>
    %select_n3A_562 = arith.select %eq3A_556, %broadcast_in_dim3A_560, %broadcast_in_dim3A_561 : vector<1x32xi1>, vector<1x32xi32>
    %add3A_563 = arith.addi %add3A_544, %select_n3A_562 : vector<1x32xi32>
    %eq3A_564 = arith.constant 10 : i32
    %eq3A_565 = vector.broadcast %eq3A_564 : i32 to vector<1x16xi32>
    %eq3A_566 = arith.cmpi eq, %slice3A, %eq3A_565 : vector<1x16xi32>
    %jit3A_567 = arith.constant 0.000000e+00 : f32
    %broadcast_in_dim3A_568 = vector.broadcast %jit3A_567 : f32 to vector<1x16xf32>
    %select_n3A_569 = arith.select %eq3A_566, %scan3A_50, %broadcast_in_dim3A_568 : vector<1x16xi1>, vector<1x16xf32>
    %reduce_sum3A_570 = arith.constant dense<0.000000e+00> : vector<1xf32>
    %reduce_sum3A_571 = vector.multi_reduction <add>, %select_n3A_569, %reduce_sum3A_570 [1] : vector<1x16xf32> to vector<1xf32>
    %broadcast_in_dim3A_572 = vector.shape_cast %reduce_sum3A_571 : vector<1xf32> to vector<1x1xf32>
    %eq3A_573 = arith.constant 10 : i32
    %eq3A_574 = vector.broadcast %eq3A_573 : i32 to vector<1x32xi32>
    %eq3A_575 = arith.cmpi eq, %iota3A_371, %eq3A_574 : vector<1x32xi32>
    %convert_element_type3A_576 = arith.fptosi %broadcast_in_dim3A_572 : vector<1x1xf32> to vector<1x1xi32>
    %jit3A_577 = arith.constant 0 : i32
    %broadcast_in_dim3A_578 = vector.shape_cast %convert_element_type3A_576 : vector<1x1xi32> to vector<1x1xi32>
    %broadcast_in_dim3A_579 = vector.broadcast %broadcast_in_dim3A_578 : vector<1x1xi32> to vector<1x32xi32>
    %broadcast_in_dim3A_580 = vector.broadcast %jit3A_577 : i32 to vector<1x32xi32>
    %select_n3A_581 = arith.select %eq3A_575, %broadcast_in_dim3A_579, %broadcast_in_dim3A_580 : vector<1x32xi1>, vector<1x32xi32>
    %add3A_582 = arith.addi %add3A_563, %select_n3A_581 : vector<1x32xi32>
    %eq3A_583 = arith.constant 11 : i32
    %eq3A_584 = vector.broadcast %eq3A_583 : i32 to vector<1x16xi32>
    %eq3A_585 = arith.cmpi eq, %slice3A, %eq3A_584 : vector<1x16xi32>
    %jit3A_586 = arith.constant 0.000000e+00 : f32
    %broadcast_in_dim3A_587 = vector.broadcast %jit3A_586 : f32 to vector<1x16xf32>
    %select_n3A_588 = arith.select %eq3A_585, %scan3A_50, %broadcast_in_dim3A_587 : vector<1x16xi1>, vector<1x16xf32>
    %reduce_sum3A_589 = arith.constant dense<0.000000e+00> : vector<1xf32>
    %reduce_sum3A_590 = vector.multi_reduction <add>, %select_n3A_588, %reduce_sum3A_589 [1] : vector<1x16xf32> to vector<1xf32>
    %broadcast_in_dim3A_591 = vector.shape_cast %reduce_sum3A_590 : vector<1xf32> to vector<1x1xf32>
    %eq3A_592 = arith.constant 11 : i32
    %eq3A_593 = vector.broadcast %eq3A_592 : i32 to vector<1x32xi32>
    %eq3A_594 = arith.cmpi eq, %iota3A_371, %eq3A_593 : vector<1x32xi32>
    %convert_element_type3A_595 = arith.fptosi %broadcast_in_dim3A_591 : vector<1x1xf32> to vector<1x1xi32>
    %jit3A_596 = arith.constant 0 : i32
    %broadcast_in_dim3A_597 = vector.shape_cast %convert_element_type3A_595 : vector<1x1xi32> to vector<1x1xi32>
    %broadcast_in_dim3A_598 = vector.broadcast %broadcast_in_dim3A_597 : vector<1x1xi32> to vector<1x32xi32>
    %broadcast_in_dim3A_599 = vector.broadcast %jit3A_596 : i32 to vector<1x32xi32>
    %select_n3A_600 = arith.select %eq3A_594, %broadcast_in_dim3A_598, %broadcast_in_dim3A_599 : vector<1x32xi1>, vector<1x32xi32>
    %add3A_601 = arith.addi %add3A_582, %select_n3A_600 : vector<1x32xi32>
    %eq3A_602 = arith.constant 12 : i32
    %eq3A_603 = vector.broadcast %eq3A_602 : i32 to vector<1x16xi32>
    %eq3A_604 = arith.cmpi eq, %slice3A, %eq3A_603 : vector<1x16xi32>
    %jit3A_605 = arith.constant 0.000000e+00 : f32
    %broadcast_in_dim3A_606 = vector.broadcast %jit3A_605 : f32 to vector<1x16xf32>
    %select_n3A_607 = arith.select %eq3A_604, %scan3A_50, %broadcast_in_dim3A_606 : vector<1x16xi1>, vector<1x16xf32>
    %reduce_sum3A_608 = arith.constant dense<0.000000e+00> : vector<1xf32>
    %reduce_sum3A_609 = vector.multi_reduction <add>, %select_n3A_607, %reduce_sum3A_608 [1] : vector<1x16xf32> to vector<1xf32>
    %broadcast_in_dim3A_610 = vector.shape_cast %reduce_sum3A_609 : vector<1xf32> to vector<1x1xf32>
    %eq3A_611 = arith.constant 12 : i32
    %eq3A_612 = vector.broadcast %eq3A_611 : i32 to vector<1x32xi32>
    %eq3A_613 = arith.cmpi eq, %iota3A_371, %eq3A_612 : vector<1x32xi32>
    %convert_element_type3A_614 = arith.fptosi %broadcast_in_dim3A_610 : vector<1x1xf32> to vector<1x1xi32>
    %jit3A_615 = arith.constant 0 : i32
    %broadcast_in_dim3A_616 = vector.shape_cast %convert_element_type3A_614 : vector<1x1xi32> to vector<1x1xi32>
    %broadcast_in_dim3A_617 = vector.broadcast %broadcast_in_dim3A_616 : vector<1x1xi32> to vector<1x32xi32>
    %broadcast_in_dim3A_618 = vector.broadcast %jit3A_615 : i32 to vector<1x32xi32>
    %select_n3A_619 = arith.select %eq3A_613, %broadcast_in_dim3A_617, %broadcast_in_dim3A_618 : vector<1x32xi1>, vector<1x32xi32>
    %add3A_620 = arith.addi %add3A_601, %select_n3A_619 : vector<1x32xi32>
    %eq3A_621 = arith.constant 13 : i32
    %eq3A_622 = vector.broadcast %eq3A_621 : i32 to vector<1x16xi32>
    %eq3A_623 = arith.cmpi eq, %slice3A, %eq3A_622 : vector<1x16xi32>
    %jit3A_624 = arith.constant 0.000000e+00 : f32
    %broadcast_in_dim3A_625 = vector.broadcast %jit3A_624 : f32 to vector<1x16xf32>
    %select_n3A_626 = arith.select %eq3A_623, %scan3A_50, %broadcast_in_dim3A_625 : vector<1x16xi1>, vector<1x16xf32>
    %reduce_sum3A_627 = arith.constant dense<0.000000e+00> : vector<1xf32>
    %reduce_sum3A_628 = vector.multi_reduction <add>, %select_n3A_626, %reduce_sum3A_627 [1] : vector<1x16xf32> to vector<1xf32>
    %broadcast_in_dim3A_629 = vector.shape_cast %reduce_sum3A_628 : vector<1xf32> to vector<1x1xf32>
    %eq3A_630 = arith.constant 13 : i32
    %eq3A_631 = vector.broadcast %eq3A_630 : i32 to vector<1x32xi32>
    %eq3A_632 = arith.cmpi eq, %iota3A_371, %eq3A_631 : vector<1x32xi32>
    %convert_element_type3A_633 = arith.fptosi %broadcast_in_dim3A_629 : vector<1x1xf32> to vector<1x1xi32>
    %jit3A_634 = arith.constant 0 : i32
    %broadcast_in_dim3A_635 = vector.shape_cast %convert_element_type3A_633 : vector<1x1xi32> to vector<1x1xi32>
    %broadcast_in_dim3A_636 = vector.broadcast %broadcast_in_dim3A_635 : vector<1x1xi32> to vector<1x32xi32>
    %broadcast_in_dim3A_637 = vector.broadcast %jit3A_634 : i32 to vector<1x32xi32>
    %select_n3A_638 = arith.select %eq3A_632, %broadcast_in_dim3A_636, %broadcast_in_dim3A_637 : vector<1x32xi1>, vector<1x32xi32>
    %add3A_639 = arith.addi %add3A_620, %select_n3A_638 : vector<1x32xi32>
    %eq3A_640 = arith.constant 14 : i32
    %eq3A_641 = vector.broadcast %eq3A_640 : i32 to vector<1x16xi32>
    %eq3A_642 = arith.cmpi eq, %slice3A, %eq3A_641 : vector<1x16xi32>
    %jit3A_643 = arith.constant 0.000000e+00 : f32
    %broadcast_in_dim3A_644 = vector.broadcast %jit3A_643 : f32 to vector<1x16xf32>
    %select_n3A_645 = arith.select %eq3A_642, %scan3A_50, %broadcast_in_dim3A_644 : vector<1x16xi1>, vector<1x16xf32>
    %reduce_sum3A_646 = arith.constant dense<0.000000e+00> : vector<1xf32>
    %reduce_sum3A_647 = vector.multi_reduction <add>, %select_n3A_645, %reduce_sum3A_646 [1] : vector<1x16xf32> to vector<1xf32>
    %broadcast_in_dim3A_648 = vector.shape_cast %reduce_sum3A_647 : vector<1xf32> to vector<1x1xf32>
    %eq3A_649 = arith.constant 14 : i32
    %eq3A_650 = vector.broadcast %eq3A_649 : i32 to vector<1x32xi32>
    %eq3A_651 = arith.cmpi eq, %iota3A_371, %eq3A_650 : vector<1x32xi32>
    %convert_element_type3A_652 = arith.fptosi %broadcast_in_dim3A_648 : vector<1x1xf32> to vector<1x1xi32>
    %jit3A_653 = arith.constant 0 : i32
    %broadcast_in_dim3A_654 = vector.shape_cast %convert_element_type3A_652 : vector<1x1xi32> to vector<1x1xi32>
    %broadcast_in_dim3A_655 = vector.broadcast %broadcast_in_dim3A_654 : vector<1x1xi32> to vector<1x32xi32>
    %broadcast_in_dim3A_656 = vector.broadcast %jit3A_653 : i32 to vector<1x32xi32>
    %select_n3A_657 = arith.select %eq3A_651, %broadcast_in_dim3A_655, %broadcast_in_dim3A_656 : vector<1x32xi1>, vector<1x32xi32>
    %add3A_658 = arith.addi %add3A_639, %select_n3A_657 : vector<1x32xi32>
    %eq3A_659 = arith.constant 15 : i32
    %eq3A_660 = vector.broadcast %eq3A_659 : i32 to vector<1x16xi32>
    %eq3A_661 = arith.cmpi eq, %slice3A, %eq3A_660 : vector<1x16xi32>
    %jit3A_662 = arith.constant 0.000000e+00 : f32
    %broadcast_in_dim3A_663 = vector.broadcast %jit3A_662 : f32 to vector<1x16xf32>
    %select_n3A_664 = arith.select %eq3A_661, %scan3A_50, %broadcast_in_dim3A_663 : vector<1x16xi1>, vector<1x16xf32>
    %reduce_sum3A_665 = arith.constant dense<0.000000e+00> : vector<1xf32>
    %reduce_sum3A_666 = vector.multi_reduction <add>, %select_n3A_664, %reduce_sum3A_665 [1] : vector<1x16xf32> to vector<1xf32>
    %broadcast_in_dim3A_667 = vector.shape_cast %reduce_sum3A_666 : vector<1xf32> to vector<1x1xf32>
    %eq3A_668 = arith.constant 15 : i32
    %eq3A_669 = vector.broadcast %eq3A_668 : i32 to vector<1x32xi32>
    %eq3A_670 = arith.cmpi eq, %iota3A_371, %eq3A_669 : vector<1x32xi32>
    %convert_element_type3A_671 = arith.fptosi %broadcast_in_dim3A_667 : vector<1x1xf32> to vector<1x1xi32>
    %jit3A_672 = arith.constant 0 : i32
    %broadcast_in_dim3A_673 = vector.shape_cast %convert_element_type3A_671 : vector<1x1xi32> to vector<1x1xi32>
    %broadcast_in_dim3A_674 = vector.broadcast %broadcast_in_dim3A_673 : vector<1x1xi32> to vector<1x32xi32>
    %broadcast_in_dim3A_675 = vector.broadcast %jit3A_672 : i32 to vector<1x32xi32>
    %select_n3A_676 = arith.select %eq3A_670, %broadcast_in_dim3A_674, %broadcast_in_dim3A_675 : vector<1x32xi1>, vector<1x32xi32>
    %add3A_677 = arith.addi %add3A_658, %select_n3A_676 : vector<1x32xi32>
    %lt3A = arith.constant 16 : i32
    %lt3A_678 = vector.broadcast %lt3A : i32 to vector<1x32xi32>
    %lt3A_679 = arith.cmpi slt, %iota3A_371, %lt3A_678 : vector<1x32xi32>
    %lt3A_680 = arith.constant 17 : i32
    %lt3A_681 = vector.broadcast %lt3A_680 : i32 to vector<1x32xi32>
    %lt3A_682 = arith.cmpi slt, %iota3A_371, %lt3A_681 : vector<1x32xi32>
    %jit3A_683 = arith.constant 4096 : i32
    %jit3A_684 = arith.constant 0 : i32
    %broadcast_in_dim3A_685 = vector.broadcast %jit3A_683 : i32 to vector<1x32xi32>
    %broadcast_in_dim3A_686 = vector.broadcast %jit3A_684 : i32 to vector<1x32xi32>
    %select_n3A_687 = arith.select %lt3A_682, %broadcast_in_dim3A_685, %broadcast_in_dim3A_686 : vector<1x32xi1>, vector<1x32xi32>
    %select_n3A_688 = arith.select %lt3A_679, %add3A_677, %select_n3A_687 : vector<1x32xi1>, vector<1x32xi32>
    %broadcast_in_dim3A_689 = arith.constant 0 : i32
    %broadcast_in_dim3A_690 = vector.broadcast %broadcast_in_dim3A_689 : i32 to vector<1x32xi32>
    %eq3A_691 = arith.constant 0 : i32
    %eq3A_692 = vector.broadcast %eq3A_691 : i32 to vector<1x32xi32>
    %eq3A_693 = arith.cmpi eq, %iota3A_371, %eq3A_692 : vector<1x32xi32>
    %jit3A_694 = arith.constant 0 : i32
    %broadcast_in_dim3A_695 = vector.broadcast %jit3A_694 : i32 to vector<1x32xi32>
    %select_n3A_696 = arith.select %eq3A_693, %select_n3A_688, %broadcast_in_dim3A_695 : vector<1x32xi1>, vector<1x32xi32>
    %reduce_sum3A_697 = arith.constant dense<0> : vector<1xi32>
    %reduce_sum3A_698 = vector.multi_reduction <add>, %select_n3A_696, %reduce_sum3A_697 [1] : vector<1x32xi32> to vector<1xi32>
    %broadcast_in_dim3A_699 = vector.shape_cast %reduce_sum3A_698 : vector<1xi32> to vector<1x1xi32>
    %gt3A_700 = arith.constant 0 : i32
    %gt3A_701 = vector.broadcast %gt3A_700 : i32 to vector<1x32xi32>
    %gt3A_702 = arith.cmpi sgt, %iota3A_371, %gt3A_701 : vector<1x32xi32>
    %jit3A_703 = arith.constant 0 : i32
    %broadcast_in_dim3A_704 = vector.shape_cast %broadcast_in_dim3A_699 : vector<1x1xi32> to vector<1x1xi32>
    %broadcast_in_dim3A_705 = vector.broadcast %broadcast_in_dim3A_704 : vector<1x1xi32> to vector<1x32xi32>
    %broadcast_in_dim3A_706 = vector.broadcast %jit3A_703 : i32 to vector<1x32xi32>
    %select_n3A_707 = arith.select %gt3A_702, %broadcast_in_dim3A_705, %broadcast_in_dim3A_706 : vector<1x32xi1>, vector<1x32xi32>
    %add3A_708 = arith.addi %broadcast_in_dim3A_690, %select_n3A_707 : vector<1x32xi32>
    %eq3A_709 = arith.constant 1 : i32
    %eq3A_710 = vector.broadcast %eq3A_709 : i32 to vector<1x32xi32>
    %eq3A_711 = arith.cmpi eq, %iota3A_371, %eq3A_710 : vector<1x32xi32>
    %jit3A_712 = arith.constant 0 : i32
    %broadcast_in_dim3A_713 = vector.broadcast %jit3A_712 : i32 to vector<1x32xi32>
    %select_n3A_714 = arith.select %eq3A_711, %select_n3A_688, %broadcast_in_dim3A_713 : vector<1x32xi1>, vector<1x32xi32>
    %reduce_sum3A_715 = arith.constant dense<0> : vector<1xi32>
    %reduce_sum3A_716 = vector.multi_reduction <add>, %select_n3A_714, %reduce_sum3A_715 [1] : vector<1x32xi32> to vector<1xi32>
    %broadcast_in_dim3A_717 = vector.shape_cast %reduce_sum3A_716 : vector<1xi32> to vector<1x1xi32>
    %gt3A_718 = arith.constant 1 : i32
    %gt3A_719 = vector.broadcast %gt3A_718 : i32 to vector<1x32xi32>
    %gt3A_720 = arith.cmpi sgt, %iota3A_371, %gt3A_719 : vector<1x32xi32>
    %jit3A_721 = arith.constant 0 : i32
    %broadcast_in_dim3A_722 = vector.shape_cast %broadcast_in_dim3A_717 : vector<1x1xi32> to vector<1x1xi32>
    %broadcast_in_dim3A_723 = vector.broadcast %broadcast_in_dim3A_722 : vector<1x1xi32> to vector<1x32xi32>
    %broadcast_in_dim3A_724 = vector.broadcast %jit3A_721 : i32 to vector<1x32xi32>
    %select_n3A_725 = arith.select %gt3A_720, %broadcast_in_dim3A_723, %broadcast_in_dim3A_724 : vector<1x32xi1>, vector<1x32xi32>
    %add3A_726 = arith.addi %add3A_708, %select_n3A_725 : vector<1x32xi32>
    %eq3A_727 = arith.constant 2 : i32
    %eq3A_728 = vector.broadcast %eq3A_727 : i32 to vector<1x32xi32>
    %eq3A_729 = arith.cmpi eq, %iota3A_371, %eq3A_728 : vector<1x32xi32>
    %jit3A_730 = arith.constant 0 : i32
    %broadcast_in_dim3A_731 = vector.broadcast %jit3A_730 : i32 to vector<1x32xi32>
    %select_n3A_732 = arith.select %eq3A_729, %select_n3A_688, %broadcast_in_dim3A_731 : vector<1x32xi1>, vector<1x32xi32>
    %reduce_sum3A_733 = arith.constant dense<0> : vector<1xi32>
    %reduce_sum3A_734 = vector.multi_reduction <add>, %select_n3A_732, %reduce_sum3A_733 [1] : vector<1x32xi32> to vector<1xi32>
    %broadcast_in_dim3A_735 = vector.shape_cast %reduce_sum3A_734 : vector<1xi32> to vector<1x1xi32>
    %gt3A_736 = arith.constant 2 : i32
    %gt3A_737 = vector.broadcast %gt3A_736 : i32 to vector<1x32xi32>
    %gt3A_738 = arith.cmpi sgt, %iota3A_371, %gt3A_737 : vector<1x32xi32>
    %jit3A_739 = arith.constant 0 : i32
    %broadcast_in_dim3A_740 = vector.shape_cast %broadcast_in_dim3A_735 : vector<1x1xi32> to vector<1x1xi32>
    %broadcast_in_dim3A_741 = vector.broadcast %broadcast_in_dim3A_740 : vector<1x1xi32> to vector<1x32xi32>
    %broadcast_in_dim3A_742 = vector.broadcast %jit3A_739 : i32 to vector<1x32xi32>
    %select_n3A_743 = arith.select %gt3A_738, %broadcast_in_dim3A_741, %broadcast_in_dim3A_742 : vector<1x32xi1>, vector<1x32xi32>
    %add3A_744 = arith.addi %add3A_726, %select_n3A_743 : vector<1x32xi32>
    %eq3A_745 = arith.constant 3 : i32
    %eq3A_746 = vector.broadcast %eq3A_745 : i32 to vector<1x32xi32>
    %eq3A_747 = arith.cmpi eq, %iota3A_371, %eq3A_746 : vector<1x32xi32>
    %jit3A_748 = arith.constant 0 : i32
    %broadcast_in_dim3A_749 = vector.broadcast %jit3A_748 : i32 to vector<1x32xi32>
    %select_n3A_750 = arith.select %eq3A_747, %select_n3A_688, %broadcast_in_dim3A_749 : vector<1x32xi1>, vector<1x32xi32>
    %reduce_sum3A_751 = arith.constant dense<0> : vector<1xi32>
    %reduce_sum3A_752 = vector.multi_reduction <add>, %select_n3A_750, %reduce_sum3A_751 [1] : vector<1x32xi32> to vector<1xi32>
    %broadcast_in_dim3A_753 = vector.shape_cast %reduce_sum3A_752 : vector<1xi32> to vector<1x1xi32>
    %gt3A_754 = arith.constant 3 : i32
    %gt3A_755 = vector.broadcast %gt3A_754 : i32 to vector<1x32xi32>
    %gt3A_756 = arith.cmpi sgt, %iota3A_371, %gt3A_755 : vector<1x32xi32>
    %jit3A_757 = arith.constant 0 : i32
    %broadcast_in_dim3A_758 = vector.shape_cast %broadcast_in_dim3A_753 : vector<1x1xi32> to vector<1x1xi32>
    %broadcast_in_dim3A_759 = vector.broadcast %broadcast_in_dim3A_758 : vector<1x1xi32> to vector<1x32xi32>
    %broadcast_in_dim3A_760 = vector.broadcast %jit3A_757 : i32 to vector<1x32xi32>
    %select_n3A_761 = arith.select %gt3A_756, %broadcast_in_dim3A_759, %broadcast_in_dim3A_760 : vector<1x32xi1>, vector<1x32xi32>
    %add3A_762 = arith.addi %add3A_744, %select_n3A_761 : vector<1x32xi32>
    %eq3A_763 = arith.constant 4 : i32
    %eq3A_764 = vector.broadcast %eq3A_763 : i32 to vector<1x32xi32>
    %eq3A_765 = arith.cmpi eq, %iota3A_371, %eq3A_764 : vector<1x32xi32>
    %jit3A_766 = arith.constant 0 : i32
    %broadcast_in_dim3A_767 = vector.broadcast %jit3A_766 : i32 to vector<1x32xi32>
    %select_n3A_768 = arith.select %eq3A_765, %select_n3A_688, %broadcast_in_dim3A_767 : vector<1x32xi1>, vector<1x32xi32>
    %reduce_sum3A_769 = arith.constant dense<0> : vector<1xi32>
    %reduce_sum3A_770 = vector.multi_reduction <add>, %select_n3A_768, %reduce_sum3A_769 [1] : vector<1x32xi32> to vector<1xi32>
    %broadcast_in_dim3A_771 = vector.shape_cast %reduce_sum3A_770 : vector<1xi32> to vector<1x1xi32>
    %gt3A_772 = arith.constant 4 : i32
    %gt3A_773 = vector.broadcast %gt3A_772 : i32 to vector<1x32xi32>
    %gt3A_774 = arith.cmpi sgt, %iota3A_371, %gt3A_773 : vector<1x32xi32>
    %jit3A_775 = arith.constant 0 : i32
    %broadcast_in_dim3A_776 = vector.shape_cast %broadcast_in_dim3A_771 : vector<1x1xi32> to vector<1x1xi32>
    %broadcast_in_dim3A_777 = vector.broadcast %broadcast_in_dim3A_776 : vector<1x1xi32> to vector<1x32xi32>
    %broadcast_in_dim3A_778 = vector.broadcast %jit3A_775 : i32 to vector<1x32xi32>
    %select_n3A_779 = arith.select %gt3A_774, %broadcast_in_dim3A_777, %broadcast_in_dim3A_778 : vector<1x32xi1>, vector<1x32xi32>
    %add3A_780 = arith.addi %add3A_762, %select_n3A_779 : vector<1x32xi32>
    %eq3A_781 = arith.constant 5 : i32
    %eq3A_782 = vector.broadcast %eq3A_781 : i32 to vector<1x32xi32>
    %eq3A_783 = arith.cmpi eq, %iota3A_371, %eq3A_782 : vector<1x32xi32>
    %jit3A_784 = arith.constant 0 : i32
    %broadcast_in_dim3A_785 = vector.broadcast %jit3A_784 : i32 to vector<1x32xi32>
    %select_n3A_786 = arith.select %eq3A_783, %select_n3A_688, %broadcast_in_dim3A_785 : vector<1x32xi1>, vector<1x32xi32>
    %reduce_sum3A_787 = arith.constant dense<0> : vector<1xi32>
    %reduce_sum3A_788 = vector.multi_reduction <add>, %select_n3A_786, %reduce_sum3A_787 [1] : vector<1x32xi32> to vector<1xi32>
    %broadcast_in_dim3A_789 = vector.shape_cast %reduce_sum3A_788 : vector<1xi32> to vector<1x1xi32>
    %gt3A_790 = arith.constant 5 : i32
    %gt3A_791 = vector.broadcast %gt3A_790 : i32 to vector<1x32xi32>
    %gt3A_792 = arith.cmpi sgt, %iota3A_371, %gt3A_791 : vector<1x32xi32>
    %jit3A_793 = arith.constant 0 : i32
    %broadcast_in_dim3A_794 = vector.shape_cast %broadcast_in_dim3A_789 : vector<1x1xi32> to vector<1x1xi32>
    %broadcast_in_dim3A_795 = vector.broadcast %broadcast_in_dim3A_794 : vector<1x1xi32> to vector<1x32xi32>
    %broadcast_in_dim3A_796 = vector.broadcast %jit3A_793 : i32 to vector<1x32xi32>
    %select_n3A_797 = arith.select %gt3A_792, %broadcast_in_dim3A_795, %broadcast_in_dim3A_796 : vector<1x32xi1>, vector<1x32xi32>
    %add3A_798 = arith.addi %add3A_780, %select_n3A_797 : vector<1x32xi32>
    %eq3A_799 = arith.constant 6 : i32
    %eq3A_800 = vector.broadcast %eq3A_799 : i32 to vector<1x32xi32>
    %eq3A_801 = arith.cmpi eq, %iota3A_371, %eq3A_800 : vector<1x32xi32>
    %jit3A_802 = arith.constant 0 : i32
    %broadcast_in_dim3A_803 = vector.broadcast %jit3A_802 : i32 to vector<1x32xi32>
    %select_n3A_804 = arith.select %eq3A_801, %select_n3A_688, %broadcast_in_dim3A_803 : vector<1x32xi1>, vector<1x32xi32>
    %reduce_sum3A_805 = arith.constant dense<0> : vector<1xi32>
    %reduce_sum3A_806 = vector.multi_reduction <add>, %select_n3A_804, %reduce_sum3A_805 [1] : vector<1x32xi32> to vector<1xi32>
    %broadcast_in_dim3A_807 = vector.shape_cast %reduce_sum3A_806 : vector<1xi32> to vector<1x1xi32>
    %gt3A_808 = arith.constant 6 : i32
    %gt3A_809 = vector.broadcast %gt3A_808 : i32 to vector<1x32xi32>
    %gt3A_810 = arith.cmpi sgt, %iota3A_371, %gt3A_809 : vector<1x32xi32>
    %jit3A_811 = arith.constant 0 : i32
    %broadcast_in_dim3A_812 = vector.shape_cast %broadcast_in_dim3A_807 : vector<1x1xi32> to vector<1x1xi32>
    %broadcast_in_dim3A_813 = vector.broadcast %broadcast_in_dim3A_812 : vector<1x1xi32> to vector<1x32xi32>
    %broadcast_in_dim3A_814 = vector.broadcast %jit3A_811 : i32 to vector<1x32xi32>
    %select_n3A_815 = arith.select %gt3A_810, %broadcast_in_dim3A_813, %broadcast_in_dim3A_814 : vector<1x32xi1>, vector<1x32xi32>
    %add3A_816 = arith.addi %add3A_798, %select_n3A_815 : vector<1x32xi32>
    %eq3A_817 = arith.constant 7 : i32
    %eq3A_818 = vector.broadcast %eq3A_817 : i32 to vector<1x32xi32>
    %eq3A_819 = arith.cmpi eq, %iota3A_371, %eq3A_818 : vector<1x32xi32>
    %jit3A_820 = arith.constant 0 : i32
    %broadcast_in_dim3A_821 = vector.broadcast %jit3A_820 : i32 to vector<1x32xi32>
    %select_n3A_822 = arith.select %eq3A_819, %select_n3A_688, %broadcast_in_dim3A_821 : vector<1x32xi1>, vector<1x32xi32>
    %reduce_sum3A_823 = arith.constant dense<0> : vector<1xi32>
    %reduce_sum3A_824 = vector.multi_reduction <add>, %select_n3A_822, %reduce_sum3A_823 [1] : vector<1x32xi32> to vector<1xi32>
    %broadcast_in_dim3A_825 = vector.shape_cast %reduce_sum3A_824 : vector<1xi32> to vector<1x1xi32>
    %gt3A_826 = arith.constant 7 : i32
    %gt3A_827 = vector.broadcast %gt3A_826 : i32 to vector<1x32xi32>
    %gt3A_828 = arith.cmpi sgt, %iota3A_371, %gt3A_827 : vector<1x32xi32>
    %jit3A_829 = arith.constant 0 : i32
    %broadcast_in_dim3A_830 = vector.shape_cast %broadcast_in_dim3A_825 : vector<1x1xi32> to vector<1x1xi32>
    %broadcast_in_dim3A_831 = vector.broadcast %broadcast_in_dim3A_830 : vector<1x1xi32> to vector<1x32xi32>
    %broadcast_in_dim3A_832 = vector.broadcast %jit3A_829 : i32 to vector<1x32xi32>
    %select_n3A_833 = arith.select %gt3A_828, %broadcast_in_dim3A_831, %broadcast_in_dim3A_832 : vector<1x32xi1>, vector<1x32xi32>
    %add3A_834 = arith.addi %add3A_816, %select_n3A_833 : vector<1x32xi32>
    %eq3A_835 = arith.constant 8 : i32
    %eq3A_836 = vector.broadcast %eq3A_835 : i32 to vector<1x32xi32>
    %eq3A_837 = arith.cmpi eq, %iota3A_371, %eq3A_836 : vector<1x32xi32>
    %jit3A_838 = arith.constant 0 : i32
    %broadcast_in_dim3A_839 = vector.broadcast %jit3A_838 : i32 to vector<1x32xi32>
    %select_n3A_840 = arith.select %eq3A_837, %select_n3A_688, %broadcast_in_dim3A_839 : vector<1x32xi1>, vector<1x32xi32>
    %reduce_sum3A_841 = arith.constant dense<0> : vector<1xi32>
    %reduce_sum3A_842 = vector.multi_reduction <add>, %select_n3A_840, %reduce_sum3A_841 [1] : vector<1x32xi32> to vector<1xi32>
    %broadcast_in_dim3A_843 = vector.shape_cast %reduce_sum3A_842 : vector<1xi32> to vector<1x1xi32>
    %gt3A_844 = arith.constant 8 : i32
    %gt3A_845 = vector.broadcast %gt3A_844 : i32 to vector<1x32xi32>
    %gt3A_846 = arith.cmpi sgt, %iota3A_371, %gt3A_845 : vector<1x32xi32>
    %jit3A_847 = arith.constant 0 : i32
    %broadcast_in_dim3A_848 = vector.shape_cast %broadcast_in_dim3A_843 : vector<1x1xi32> to vector<1x1xi32>
    %broadcast_in_dim3A_849 = vector.broadcast %broadcast_in_dim3A_848 : vector<1x1xi32> to vector<1x32xi32>
    %broadcast_in_dim3A_850 = vector.broadcast %jit3A_847 : i32 to vector<1x32xi32>
    %select_n3A_851 = arith.select %gt3A_846, %broadcast_in_dim3A_849, %broadcast_in_dim3A_850 : vector<1x32xi1>, vector<1x32xi32>
    %add3A_852 = arith.addi %add3A_834, %select_n3A_851 : vector<1x32xi32>
    %eq3A_853 = arith.constant 9 : i32
    %eq3A_854 = vector.broadcast %eq3A_853 : i32 to vector<1x32xi32>
    %eq3A_855 = arith.cmpi eq, %iota3A_371, %eq3A_854 : vector<1x32xi32>
    %jit3A_856 = arith.constant 0 : i32
    %broadcast_in_dim3A_857 = vector.broadcast %jit3A_856 : i32 to vector<1x32xi32>
    %select_n3A_858 = arith.select %eq3A_855, %select_n3A_688, %broadcast_in_dim3A_857 : vector<1x32xi1>, vector<1x32xi32>
    %reduce_sum3A_859 = arith.constant dense<0> : vector<1xi32>
    %reduce_sum3A_860 = vector.multi_reduction <add>, %select_n3A_858, %reduce_sum3A_859 [1] : vector<1x32xi32> to vector<1xi32>
    %broadcast_in_dim3A_861 = vector.shape_cast %reduce_sum3A_860 : vector<1xi32> to vector<1x1xi32>
    %gt3A_862 = arith.constant 9 : i32
    %gt3A_863 = vector.broadcast %gt3A_862 : i32 to vector<1x32xi32>
    %gt3A_864 = arith.cmpi sgt, %iota3A_371, %gt3A_863 : vector<1x32xi32>
    %jit3A_865 = arith.constant 0 : i32
    %broadcast_in_dim3A_866 = vector.shape_cast %broadcast_in_dim3A_861 : vector<1x1xi32> to vector<1x1xi32>
    %broadcast_in_dim3A_867 = vector.broadcast %broadcast_in_dim3A_866 : vector<1x1xi32> to vector<1x32xi32>
    %broadcast_in_dim3A_868 = vector.broadcast %jit3A_865 : i32 to vector<1x32xi32>
    %select_n3A_869 = arith.select %gt3A_864, %broadcast_in_dim3A_867, %broadcast_in_dim3A_868 : vector<1x32xi1>, vector<1x32xi32>
    %add3A_870 = arith.addi %add3A_852, %select_n3A_869 : vector<1x32xi32>
    %eq3A_871 = arith.constant 10 : i32
    %eq3A_872 = vector.broadcast %eq3A_871 : i32 to vector<1x32xi32>
    %eq3A_873 = arith.cmpi eq, %iota3A_371, %eq3A_872 : vector<1x32xi32>
    %jit3A_874 = arith.constant 0 : i32
    %broadcast_in_dim3A_875 = vector.broadcast %jit3A_874 : i32 to vector<1x32xi32>
    %select_n3A_876 = arith.select %eq3A_873, %select_n3A_688, %broadcast_in_dim3A_875 : vector<1x32xi1>, vector<1x32xi32>
    %reduce_sum3A_877 = arith.constant dense<0> : vector<1xi32>
    %reduce_sum3A_878 = vector.multi_reduction <add>, %select_n3A_876, %reduce_sum3A_877 [1] : vector<1x32xi32> to vector<1xi32>
    %broadcast_in_dim3A_879 = vector.shape_cast %reduce_sum3A_878 : vector<1xi32> to vector<1x1xi32>
    %gt3A_880 = arith.constant 10 : i32
    %gt3A_881 = vector.broadcast %gt3A_880 : i32 to vector<1x32xi32>
    %gt3A_882 = arith.cmpi sgt, %iota3A_371, %gt3A_881 : vector<1x32xi32>
    %jit3A_883 = arith.constant 0 : i32
    %broadcast_in_dim3A_884 = vector.shape_cast %broadcast_in_dim3A_879 : vector<1x1xi32> to vector<1x1xi32>
    %broadcast_in_dim3A_885 = vector.broadcast %broadcast_in_dim3A_884 : vector<1x1xi32> to vector<1x32xi32>
    %broadcast_in_dim3A_886 = vector.broadcast %jit3A_883 : i32 to vector<1x32xi32>
    %select_n3A_887 = arith.select %gt3A_882, %broadcast_in_dim3A_885, %broadcast_in_dim3A_886 : vector<1x32xi1>, vector<1x32xi32>
    %add3A_888 = arith.addi %add3A_870, %select_n3A_887 : vector<1x32xi32>
    %eq3A_889 = arith.constant 11 : i32
    %eq3A_890 = vector.broadcast %eq3A_889 : i32 to vector<1x32xi32>
    %eq3A_891 = arith.cmpi eq, %iota3A_371, %eq3A_890 : vector<1x32xi32>
    %jit3A_892 = arith.constant 0 : i32
    %broadcast_in_dim3A_893 = vector.broadcast %jit3A_892 : i32 to vector<1x32xi32>
    %select_n3A_894 = arith.select %eq3A_891, %select_n3A_688, %broadcast_in_dim3A_893 : vector<1x32xi1>, vector<1x32xi32>
    %reduce_sum3A_895 = arith.constant dense<0> : vector<1xi32>
    %reduce_sum3A_896 = vector.multi_reduction <add>, %select_n3A_894, %reduce_sum3A_895 [1] : vector<1x32xi32> to vector<1xi32>
    %broadcast_in_dim3A_897 = vector.shape_cast %reduce_sum3A_896 : vector<1xi32> to vector<1x1xi32>
    %gt3A_898 = arith.constant 11 : i32
    %gt3A_899 = vector.broadcast %gt3A_898 : i32 to vector<1x32xi32>
    %gt3A_900 = arith.cmpi sgt, %iota3A_371, %gt3A_899 : vector<1x32xi32>
    %jit3A_901 = arith.constant 0 : i32
    %broadcast_in_dim3A_902 = vector.shape_cast %broadcast_in_dim3A_897 : vector<1x1xi32> to vector<1x1xi32>
    %broadcast_in_dim3A_903 = vector.broadcast %broadcast_in_dim3A_902 : vector<1x1xi32> to vector<1x32xi32>
    %broadcast_in_dim3A_904 = vector.broadcast %jit3A_901 : i32 to vector<1x32xi32>
    %select_n3A_905 = arith.select %gt3A_900, %broadcast_in_dim3A_903, %broadcast_in_dim3A_904 : vector<1x32xi1>, vector<1x32xi32>
    %add3A_906 = arith.addi %add3A_888, %select_n3A_905 : vector<1x32xi32>
    %eq3A_907 = arith.constant 12 : i32
    %eq3A_908 = vector.broadcast %eq3A_907 : i32 to vector<1x32xi32>
    %eq3A_909 = arith.cmpi eq, %iota3A_371, %eq3A_908 : vector<1x32xi32>
    %jit3A_910 = arith.constant 0 : i32
    %broadcast_in_dim3A_911 = vector.broadcast %jit3A_910 : i32 to vector<1x32xi32>
    %select_n3A_912 = arith.select %eq3A_909, %select_n3A_688, %broadcast_in_dim3A_911 : vector<1x32xi1>, vector<1x32xi32>
    %reduce_sum3A_913 = arith.constant dense<0> : vector<1xi32>
    %reduce_sum3A_914 = vector.multi_reduction <add>, %select_n3A_912, %reduce_sum3A_913 [1] : vector<1x32xi32> to vector<1xi32>
    %broadcast_in_dim3A_915 = vector.shape_cast %reduce_sum3A_914 : vector<1xi32> to vector<1x1xi32>
    %gt3A_916 = arith.constant 12 : i32
    %gt3A_917 = vector.broadcast %gt3A_916 : i32 to vector<1x32xi32>
    %gt3A_918 = arith.cmpi sgt, %iota3A_371, %gt3A_917 : vector<1x32xi32>
    %jit3A_919 = arith.constant 0 : i32
    %broadcast_in_dim3A_920 = vector.shape_cast %broadcast_in_dim3A_915 : vector<1x1xi32> to vector<1x1xi32>
    %broadcast_in_dim3A_921 = vector.broadcast %broadcast_in_dim3A_920 : vector<1x1xi32> to vector<1x32xi32>
    %broadcast_in_dim3A_922 = vector.broadcast %jit3A_919 : i32 to vector<1x32xi32>
    %select_n3A_923 = arith.select %gt3A_918, %broadcast_in_dim3A_921, %broadcast_in_dim3A_922 : vector<1x32xi1>, vector<1x32xi32>
    %add3A_924 = arith.addi %add3A_906, %select_n3A_923 : vector<1x32xi32>
    %eq3A_925 = arith.constant 13 : i32
    %eq3A_926 = vector.broadcast %eq3A_925 : i32 to vector<1x32xi32>
    %eq3A_927 = arith.cmpi eq, %iota3A_371, %eq3A_926 : vector<1x32xi32>
    %jit3A_928 = arith.constant 0 : i32
    %broadcast_in_dim3A_929 = vector.broadcast %jit3A_928 : i32 to vector<1x32xi32>
    %select_n3A_930 = arith.select %eq3A_927, %select_n3A_688, %broadcast_in_dim3A_929 : vector<1x32xi1>, vector<1x32xi32>
    %reduce_sum3A_931 = arith.constant dense<0> : vector<1xi32>
    %reduce_sum3A_932 = vector.multi_reduction <add>, %select_n3A_930, %reduce_sum3A_931 [1] : vector<1x32xi32> to vector<1xi32>
    %broadcast_in_dim3A_933 = vector.shape_cast %reduce_sum3A_932 : vector<1xi32> to vector<1x1xi32>
    %gt3A_934 = arith.constant 13 : i32
    %gt3A_935 = vector.broadcast %gt3A_934 : i32 to vector<1x32xi32>
    %gt3A_936 = arith.cmpi sgt, %iota3A_371, %gt3A_935 : vector<1x32xi32>
    %jit3A_937 = arith.constant 0 : i32
    %broadcast_in_dim3A_938 = vector.shape_cast %broadcast_in_dim3A_933 : vector<1x1xi32> to vector<1x1xi32>
    %broadcast_in_dim3A_939 = vector.broadcast %broadcast_in_dim3A_938 : vector<1x1xi32> to vector<1x32xi32>
    %broadcast_in_dim3A_940 = vector.broadcast %jit3A_937 : i32 to vector<1x32xi32>
    %select_n3A_941 = arith.select %gt3A_936, %broadcast_in_dim3A_939, %broadcast_in_dim3A_940 : vector<1x32xi1>, vector<1x32xi32>
    %add3A_942 = arith.addi %add3A_924, %select_n3A_941 : vector<1x32xi32>
    %eq3A_943 = arith.constant 14 : i32
    %eq3A_944 = vector.broadcast %eq3A_943 : i32 to vector<1x32xi32>
    %eq3A_945 = arith.cmpi eq, %iota3A_371, %eq3A_944 : vector<1x32xi32>
    %jit3A_946 = arith.constant 0 : i32
    %broadcast_in_dim3A_947 = vector.broadcast %jit3A_946 : i32 to vector<1x32xi32>
    %select_n3A_948 = arith.select %eq3A_945, %select_n3A_688, %broadcast_in_dim3A_947 : vector<1x32xi1>, vector<1x32xi32>
    %reduce_sum3A_949 = arith.constant dense<0> : vector<1xi32>
    %reduce_sum3A_950 = vector.multi_reduction <add>, %select_n3A_948, %reduce_sum3A_949 [1] : vector<1x32xi32> to vector<1xi32>
    %broadcast_in_dim3A_951 = vector.shape_cast %reduce_sum3A_950 : vector<1xi32> to vector<1x1xi32>
    %gt3A_952 = arith.constant 14 : i32
    %gt3A_953 = vector.broadcast %gt3A_952 : i32 to vector<1x32xi32>
    %gt3A_954 = arith.cmpi sgt, %iota3A_371, %gt3A_953 : vector<1x32xi32>
    %jit3A_955 = arith.constant 0 : i32
    %broadcast_in_dim3A_956 = vector.shape_cast %broadcast_in_dim3A_951 : vector<1x1xi32> to vector<1x1xi32>
    %broadcast_in_dim3A_957 = vector.broadcast %broadcast_in_dim3A_956 : vector<1x1xi32> to vector<1x32xi32>
    %broadcast_in_dim3A_958 = vector.broadcast %jit3A_955 : i32 to vector<1x32xi32>
    %select_n3A_959 = arith.select %gt3A_954, %broadcast_in_dim3A_957, %broadcast_in_dim3A_958 : vector<1x32xi1>, vector<1x32xi32>
    %add3A_960 = arith.addi %add3A_942, %select_n3A_959 : vector<1x32xi32>
    %eq3A_961 = arith.constant 15 : i32
    %eq3A_962 = vector.broadcast %eq3A_961 : i32 to vector<1x32xi32>
    %eq3A_963 = arith.cmpi eq, %iota3A_371, %eq3A_962 : vector<1x32xi32>
    %jit3A_964 = arith.constant 0 : i32
    %broadcast_in_dim3A_965 = vector.broadcast %jit3A_964 : i32 to vector<1x32xi32>
    %select_n3A_966 = arith.select %eq3A_963, %select_n3A_688, %broadcast_in_dim3A_965 : vector<1x32xi1>, vector<1x32xi32>
    %reduce_sum3A_967 = arith.constant dense<0> : vector<1xi32>
    %reduce_sum3A_968 = vector.multi_reduction <add>, %select_n3A_966, %reduce_sum3A_967 [1] : vector<1x32xi32> to vector<1xi32>
    %broadcast_in_dim3A_969 = vector.shape_cast %reduce_sum3A_968 : vector<1xi32> to vector<1x1xi32>
    %gt3A_970 = arith.constant 15 : i32
    %gt3A_971 = vector.broadcast %gt3A_970 : i32 to vector<1x32xi32>
    %gt3A_972 = arith.cmpi sgt, %iota3A_371, %gt3A_971 : vector<1x32xi32>
    %jit3A_973 = arith.constant 0 : i32
    %broadcast_in_dim3A_974 = vector.shape_cast %broadcast_in_dim3A_969 : vector<1x1xi32> to vector<1x1xi32>
    %broadcast_in_dim3A_975 = vector.broadcast %broadcast_in_dim3A_974 : vector<1x1xi32> to vector<1x32xi32>
    %broadcast_in_dim3A_976 = vector.broadcast %jit3A_973 : i32 to vector<1x32xi32>
    %select_n3A_977 = arith.select %gt3A_972, %broadcast_in_dim3A_975, %broadcast_in_dim3A_976 : vector<1x32xi1>, vector<1x32xi32>
    %add3A_978 = arith.addi %add3A_960, %select_n3A_977 : vector<1x32xi32>
    %eq3A_979 = arith.constant 16 : i32
    %eq3A_980 = vector.broadcast %eq3A_979 : i32 to vector<1x32xi32>
    %eq3A_981 = arith.cmpi eq, %iota3A_371, %eq3A_980 : vector<1x32xi32>
    %jit3A_982 = arith.constant 0 : i32
    %broadcast_in_dim3A_983 = vector.broadcast %jit3A_982 : i32 to vector<1x32xi32>
    %select_n3A_984 = arith.select %eq3A_981, %select_n3A_688, %broadcast_in_dim3A_983 : vector<1x32xi1>, vector<1x32xi32>
    %reduce_sum3A_985 = arith.constant dense<0> : vector<1xi32>
    %reduce_sum3A_986 = vector.multi_reduction <add>, %select_n3A_984, %reduce_sum3A_985 [1] : vector<1x32xi32> to vector<1xi32>
    %broadcast_in_dim3A_987 = vector.shape_cast %reduce_sum3A_986 : vector<1xi32> to vector<1x1xi32>
    %gt3A_988 = arith.constant 16 : i32
    %gt3A_989 = vector.broadcast %gt3A_988 : i32 to vector<1x32xi32>
    %gt3A_990 = arith.cmpi sgt, %iota3A_371, %gt3A_989 : vector<1x32xi32>
    %jit3A_991 = arith.constant 0 : i32
    %broadcast_in_dim3A_992 = vector.shape_cast %broadcast_in_dim3A_987 : vector<1x1xi32> to vector<1x1xi32>
    %broadcast_in_dim3A_993 = vector.broadcast %broadcast_in_dim3A_992 : vector<1x1xi32> to vector<1x32xi32>
    %broadcast_in_dim3A_994 = vector.broadcast %jit3A_991 : i32 to vector<1x32xi32>
    %select_n3A_995 = arith.select %gt3A_990, %broadcast_in_dim3A_993, %broadcast_in_dim3A_994 : vector<1x32xi1>, vector<1x32xi32>
    %add3A_996 = arith.addi %add3A_978, %select_n3A_995 : vector<1x32xi32>
    %add3A_997 = arith.addi %add3A_996, %select_n3A_688 : vector<1x32xi32>
    %shift_right_arithmetic3A = arith.constant 8 : i32
    %shift_right_arithmetic3A_998 = vector.broadcast %shift_right_arithmetic3A : i32 to vector<1x32xi32>
    %shift_right_arithmetic3A_999 = arith.shrsi %add3A_996, %shift_right_arithmetic3A_998 : vector<1x32xi32>
    %sub3A_1000 = arith.constant 1 : i32
    %sub3A_1001 = vector.broadcast %sub3A_1000 : i32 to vector<1x32xi32>
    %sub3A_1002 = arith.subi %add3A_997, %sub3A_1001 : vector<1x32xi32>
    %shift_right_arithmetic3A_1003 = arith.constant 8 : i32
    %shift_right_arithmetic3A_1004 = vector.broadcast %shift_right_arithmetic3A_1003 : i32 to vector<1x32xi32>
    %shift_right_arithmetic3A_1005 = arith.shrsi %sub3A_1002, %shift_right_arithmetic3A_1004 : vector<1x32xi32>
    %gt3A_1006 = arith.constant 0 : i32
    %gt3A_1007 = vector.broadcast %gt3A_1006 : i32 to vector<1x32xi32>
    %gt3A_1008 = arith.cmpi sgt, %select_n3A_688, %gt3A_1007 : vector<1x32xi32>
    %lt3A_1009 = arith.constant 17 : i32
    %lt3A_1010 = vector.broadcast %lt3A_1009 : i32 to vector<1x32xi32>
    %lt3A_1011 = arith.cmpi slt, %iota3A_371, %lt3A_1010 : vector<1x32xi32>
    %and3A = arith.andi %gt3A_1008, %lt3A_1011 : vector<1x32xi1>
    %sub3A_1012 = arith.subi %shift_right_arithmetic3A_1005, %shift_right_arithmetic3A_999 : vector<1x32xi32>
    %add3A_1013 = arith.constant 1 : i32
    %add3A_1014 = vector.broadcast %add3A_1013 : i32 to vector<1x32xi32>
    %add3A_1015 = arith.addi %sub3A_1012, %add3A_1014 : vector<1x32xi32>
    %jit3A_1016 = arith.constant 0 : i32
    %broadcast_in_dim3A_1017 = vector.broadcast %jit3A_1016 : i32 to vector<1x32xi32>
    %select_n3A_1018 = arith.select %and3A, %add3A_1015, %broadcast_in_dim3A_1017 : vector<1x32xi1>, vector<1x32xi32>
    %broadcast_in_dim3A_1019 = arith.constant 0 : i32
    %broadcast_in_dim3A_1020 = vector.broadcast %broadcast_in_dim3A_1019 : i32 to vector<1x32xi32>
    %eq3A_1021 = arith.constant 0 : i32
    %eq3A_1022 = vector.broadcast %eq3A_1021 : i32 to vector<1x32xi32>
    %eq3A_1023 = arith.cmpi eq, %iota3A_371, %eq3A_1022 : vector<1x32xi32>
    %jit3A_1024 = arith.constant 0 : i32
    %broadcast_in_dim3A_1025 = vector.broadcast %jit3A_1024 : i32 to vector<1x32xi32>
    %select_n3A_1026 = arith.select %eq3A_1023, %select_n3A_1018, %broadcast_in_dim3A_1025 : vector<1x32xi1>, vector<1x32xi32>
    %reduce_sum3A_1027 = arith.constant dense<0> : vector<1xi32>
    %reduce_sum3A_1028 = vector.multi_reduction <add>, %select_n3A_1026, %reduce_sum3A_1027 [1] : vector<1x32xi32> to vector<1xi32>
    %broadcast_in_dim3A_1029 = vector.shape_cast %reduce_sum3A_1028 : vector<1xi32> to vector<1x1xi32>
    %ge3A_1030 = arith.constant 0 : i32
    %ge3A_1031 = vector.broadcast %ge3A_1030 : i32 to vector<1x32xi32>
    %ge3A_1032 = arith.cmpi sge, %iota3A_371, %ge3A_1031 : vector<1x32xi32>
    %jit3A_1033 = arith.constant 0 : i32
    %broadcast_in_dim3A_1034 = vector.shape_cast %broadcast_in_dim3A_1029 : vector<1x1xi32> to vector<1x1xi32>
    %broadcast_in_dim3A_1035 = vector.broadcast %broadcast_in_dim3A_1034 : vector<1x1xi32> to vector<1x32xi32>
    %broadcast_in_dim3A_1036 = vector.broadcast %jit3A_1033 : i32 to vector<1x32xi32>
    %select_n3A_1037 = arith.select %ge3A_1032, %broadcast_in_dim3A_1035, %broadcast_in_dim3A_1036 : vector<1x32xi1>, vector<1x32xi32>
    %add3A_1038 = arith.addi %broadcast_in_dim3A_1020, %select_n3A_1037 : vector<1x32xi32>
    %eq3A_1039 = arith.constant 1 : i32
    %eq3A_1040 = vector.broadcast %eq3A_1039 : i32 to vector<1x32xi32>
    %eq3A_1041 = arith.cmpi eq, %iota3A_371, %eq3A_1040 : vector<1x32xi32>
    %jit3A_1042 = arith.constant 0 : i32
    %broadcast_in_dim3A_1043 = vector.broadcast %jit3A_1042 : i32 to vector<1x32xi32>
    %select_n3A_1044 = arith.select %eq3A_1041, %select_n3A_1018, %broadcast_in_dim3A_1043 : vector<1x32xi1>, vector<1x32xi32>
    %reduce_sum3A_1045 = arith.constant dense<0> : vector<1xi32>
    %reduce_sum3A_1046 = vector.multi_reduction <add>, %select_n3A_1044, %reduce_sum3A_1045 [1] : vector<1x32xi32> to vector<1xi32>
    %broadcast_in_dim3A_1047 = vector.shape_cast %reduce_sum3A_1046 : vector<1xi32> to vector<1x1xi32>
    %ge3A_1048 = arith.constant 1 : i32
    %ge3A_1049 = vector.broadcast %ge3A_1048 : i32 to vector<1x32xi32>
    %ge3A_1050 = arith.cmpi sge, %iota3A_371, %ge3A_1049 : vector<1x32xi32>
    %jit3A_1051 = arith.constant 0 : i32
    %broadcast_in_dim3A_1052 = vector.shape_cast %broadcast_in_dim3A_1047 : vector<1x1xi32> to vector<1x1xi32>
    %broadcast_in_dim3A_1053 = vector.broadcast %broadcast_in_dim3A_1052 : vector<1x1xi32> to vector<1x32xi32>
    %broadcast_in_dim3A_1054 = vector.broadcast %jit3A_1051 : i32 to vector<1x32xi32>
    %select_n3A_1055 = arith.select %ge3A_1050, %broadcast_in_dim3A_1053, %broadcast_in_dim3A_1054 : vector<1x32xi1>, vector<1x32xi32>
    %add3A_1056 = arith.addi %add3A_1038, %select_n3A_1055 : vector<1x32xi32>
    %eq3A_1057 = arith.constant 2 : i32
    %eq3A_1058 = vector.broadcast %eq3A_1057 : i32 to vector<1x32xi32>
    %eq3A_1059 = arith.cmpi eq, %iota3A_371, %eq3A_1058 : vector<1x32xi32>
    %jit3A_1060 = arith.constant 0 : i32
    %broadcast_in_dim3A_1061 = vector.broadcast %jit3A_1060 : i32 to vector<1x32xi32>
    %select_n3A_1062 = arith.select %eq3A_1059, %select_n3A_1018, %broadcast_in_dim3A_1061 : vector<1x32xi1>, vector<1x32xi32>
    %reduce_sum3A_1063 = arith.constant dense<0> : vector<1xi32>
    %reduce_sum3A_1064 = vector.multi_reduction <add>, %select_n3A_1062, %reduce_sum3A_1063 [1] : vector<1x32xi32> to vector<1xi32>
    %broadcast_in_dim3A_1065 = vector.shape_cast %reduce_sum3A_1064 : vector<1xi32> to vector<1x1xi32>
    %ge3A_1066 = arith.constant 2 : i32
    %ge3A_1067 = vector.broadcast %ge3A_1066 : i32 to vector<1x32xi32>
    %ge3A_1068 = arith.cmpi sge, %iota3A_371, %ge3A_1067 : vector<1x32xi32>
    %jit3A_1069 = arith.constant 0 : i32
    %broadcast_in_dim3A_1070 = vector.shape_cast %broadcast_in_dim3A_1065 : vector<1x1xi32> to vector<1x1xi32>
    %broadcast_in_dim3A_1071 = vector.broadcast %broadcast_in_dim3A_1070 : vector<1x1xi32> to vector<1x32xi32>
    %broadcast_in_dim3A_1072 = vector.broadcast %jit3A_1069 : i32 to vector<1x32xi32>
    %select_n3A_1073 = arith.select %ge3A_1068, %broadcast_in_dim3A_1071, %broadcast_in_dim3A_1072 : vector<1x32xi1>, vector<1x32xi32>
    %add3A_1074 = arith.addi %add3A_1056, %select_n3A_1073 : vector<1x32xi32>
    %eq3A_1075 = arith.constant 3 : i32
    %eq3A_1076 = vector.broadcast %eq3A_1075 : i32 to vector<1x32xi32>
    %eq3A_1077 = arith.cmpi eq, %iota3A_371, %eq3A_1076 : vector<1x32xi32>
    %jit3A_1078 = arith.constant 0 : i32
    %broadcast_in_dim3A_1079 = vector.broadcast %jit3A_1078 : i32 to vector<1x32xi32>
    %select_n3A_1080 = arith.select %eq3A_1077, %select_n3A_1018, %broadcast_in_dim3A_1079 : vector<1x32xi1>, vector<1x32xi32>
    %reduce_sum3A_1081 = arith.constant dense<0> : vector<1xi32>
    %reduce_sum3A_1082 = vector.multi_reduction <add>, %select_n3A_1080, %reduce_sum3A_1081 [1] : vector<1x32xi32> to vector<1xi32>
    %broadcast_in_dim3A_1083 = vector.shape_cast %reduce_sum3A_1082 : vector<1xi32> to vector<1x1xi32>
    %ge3A_1084 = arith.constant 3 : i32
    %ge3A_1085 = vector.broadcast %ge3A_1084 : i32 to vector<1x32xi32>
    %ge3A_1086 = arith.cmpi sge, %iota3A_371, %ge3A_1085 : vector<1x32xi32>
    %jit3A_1087 = arith.constant 0 : i32
    %broadcast_in_dim3A_1088 = vector.shape_cast %broadcast_in_dim3A_1083 : vector<1x1xi32> to vector<1x1xi32>
    %broadcast_in_dim3A_1089 = vector.broadcast %broadcast_in_dim3A_1088 : vector<1x1xi32> to vector<1x32xi32>
    %broadcast_in_dim3A_1090 = vector.broadcast %jit3A_1087 : i32 to vector<1x32xi32>
    %select_n3A_1091 = arith.select %ge3A_1086, %broadcast_in_dim3A_1089, %broadcast_in_dim3A_1090 : vector<1x32xi1>, vector<1x32xi32>
    %add3A_1092 = arith.addi %add3A_1074, %select_n3A_1091 : vector<1x32xi32>
    %eq3A_1093 = arith.constant 4 : i32
    %eq3A_1094 = vector.broadcast %eq3A_1093 : i32 to vector<1x32xi32>
    %eq3A_1095 = arith.cmpi eq, %iota3A_371, %eq3A_1094 : vector<1x32xi32>
    %jit3A_1096 = arith.constant 0 : i32
    %broadcast_in_dim3A_1097 = vector.broadcast %jit3A_1096 : i32 to vector<1x32xi32>
    %select_n3A_1098 = arith.select %eq3A_1095, %select_n3A_1018, %broadcast_in_dim3A_1097 : vector<1x32xi1>, vector<1x32xi32>
    %reduce_sum3A_1099 = arith.constant dense<0> : vector<1xi32>
    %reduce_sum3A_1100 = vector.multi_reduction <add>, %select_n3A_1098, %reduce_sum3A_1099 [1] : vector<1x32xi32> to vector<1xi32>
    %broadcast_in_dim3A_1101 = vector.shape_cast %reduce_sum3A_1100 : vector<1xi32> to vector<1x1xi32>
    %ge3A_1102 = arith.constant 4 : i32
    %ge3A_1103 = vector.broadcast %ge3A_1102 : i32 to vector<1x32xi32>
    %ge3A_1104 = arith.cmpi sge, %iota3A_371, %ge3A_1103 : vector<1x32xi32>
    %jit3A_1105 = arith.constant 0 : i32
    %broadcast_in_dim3A_1106 = vector.shape_cast %broadcast_in_dim3A_1101 : vector<1x1xi32> to vector<1x1xi32>
    %broadcast_in_dim3A_1107 = vector.broadcast %broadcast_in_dim3A_1106 : vector<1x1xi32> to vector<1x32xi32>
    %broadcast_in_dim3A_1108 = vector.broadcast %jit3A_1105 : i32 to vector<1x32xi32>
    %select_n3A_1109 = arith.select %ge3A_1104, %broadcast_in_dim3A_1107, %broadcast_in_dim3A_1108 : vector<1x32xi1>, vector<1x32xi32>
    %add3A_1110 = arith.addi %add3A_1092, %select_n3A_1109 : vector<1x32xi32>
    %eq3A_1111 = arith.constant 5 : i32
    %eq3A_1112 = vector.broadcast %eq3A_1111 : i32 to vector<1x32xi32>
    %eq3A_1113 = arith.cmpi eq, %iota3A_371, %eq3A_1112 : vector<1x32xi32>
    %jit3A_1114 = arith.constant 0 : i32
    %broadcast_in_dim3A_1115 = vector.broadcast %jit3A_1114 : i32 to vector<1x32xi32>
    %select_n3A_1116 = arith.select %eq3A_1113, %select_n3A_1018, %broadcast_in_dim3A_1115 : vector<1x32xi1>, vector<1x32xi32>
    %reduce_sum3A_1117 = arith.constant dense<0> : vector<1xi32>
    %reduce_sum3A_1118 = vector.multi_reduction <add>, %select_n3A_1116, %reduce_sum3A_1117 [1] : vector<1x32xi32> to vector<1xi32>
    %broadcast_in_dim3A_1119 = vector.shape_cast %reduce_sum3A_1118 : vector<1xi32> to vector<1x1xi32>
    %ge3A_1120 = arith.constant 5 : i32
    %ge3A_1121 = vector.broadcast %ge3A_1120 : i32 to vector<1x32xi32>
    %ge3A_1122 = arith.cmpi sge, %iota3A_371, %ge3A_1121 : vector<1x32xi32>
    %jit3A_1123 = arith.constant 0 : i32
    %broadcast_in_dim3A_1124 = vector.shape_cast %broadcast_in_dim3A_1119 : vector<1x1xi32> to vector<1x1xi32>
    %broadcast_in_dim3A_1125 = vector.broadcast %broadcast_in_dim3A_1124 : vector<1x1xi32> to vector<1x32xi32>
    %broadcast_in_dim3A_1126 = vector.broadcast %jit3A_1123 : i32 to vector<1x32xi32>
    %select_n3A_1127 = arith.select %ge3A_1122, %broadcast_in_dim3A_1125, %broadcast_in_dim3A_1126 : vector<1x32xi1>, vector<1x32xi32>
    %add3A_1128 = arith.addi %add3A_1110, %select_n3A_1127 : vector<1x32xi32>
    %eq3A_1129 = arith.constant 6 : i32
    %eq3A_1130 = vector.broadcast %eq3A_1129 : i32 to vector<1x32xi32>
    %eq3A_1131 = arith.cmpi eq, %iota3A_371, %eq3A_1130 : vector<1x32xi32>
    %jit3A_1132 = arith.constant 0 : i32
    %broadcast_in_dim3A_1133 = vector.broadcast %jit3A_1132 : i32 to vector<1x32xi32>
    %select_n3A_1134 = arith.select %eq3A_1131, %select_n3A_1018, %broadcast_in_dim3A_1133 : vector<1x32xi1>, vector<1x32xi32>
    %reduce_sum3A_1135 = arith.constant dense<0> : vector<1xi32>
    %reduce_sum3A_1136 = vector.multi_reduction <add>, %select_n3A_1134, %reduce_sum3A_1135 [1] : vector<1x32xi32> to vector<1xi32>
    %broadcast_in_dim3A_1137 = vector.shape_cast %reduce_sum3A_1136 : vector<1xi32> to vector<1x1xi32>
    %ge3A_1138 = arith.constant 6 : i32
    %ge3A_1139 = vector.broadcast %ge3A_1138 : i32 to vector<1x32xi32>
    %ge3A_1140 = arith.cmpi sge, %iota3A_371, %ge3A_1139 : vector<1x32xi32>
    %jit3A_1141 = arith.constant 0 : i32
    %broadcast_in_dim3A_1142 = vector.shape_cast %broadcast_in_dim3A_1137 : vector<1x1xi32> to vector<1x1xi32>
    %broadcast_in_dim3A_1143 = vector.broadcast %broadcast_in_dim3A_1142 : vector<1x1xi32> to vector<1x32xi32>
    %broadcast_in_dim3A_1144 = vector.broadcast %jit3A_1141 : i32 to vector<1x32xi32>
    %select_n3A_1145 = arith.select %ge3A_1140, %broadcast_in_dim3A_1143, %broadcast_in_dim3A_1144 : vector<1x32xi1>, vector<1x32xi32>
    %add3A_1146 = arith.addi %add3A_1128, %select_n3A_1145 : vector<1x32xi32>
    %eq3A_1147 = arith.constant 7 : i32
    %eq3A_1148 = vector.broadcast %eq3A_1147 : i32 to vector<1x32xi32>
    %eq3A_1149 = arith.cmpi eq, %iota3A_371, %eq3A_1148 : vector<1x32xi32>
    %jit3A_1150 = arith.constant 0 : i32
    %broadcast_in_dim3A_1151 = vector.broadcast %jit3A_1150 : i32 to vector<1x32xi32>
    %select_n3A_1152 = arith.select %eq3A_1149, %select_n3A_1018, %broadcast_in_dim3A_1151 : vector<1x32xi1>, vector<1x32xi32>
    %reduce_sum3A_1153 = arith.constant dense<0> : vector<1xi32>
    %reduce_sum3A_1154 = vector.multi_reduction <add>, %select_n3A_1152, %reduce_sum3A_1153 [1] : vector<1x32xi32> to vector<1xi32>
    %broadcast_in_dim3A_1155 = vector.shape_cast %reduce_sum3A_1154 : vector<1xi32> to vector<1x1xi32>
    %ge3A_1156 = arith.constant 7 : i32
    %ge3A_1157 = vector.broadcast %ge3A_1156 : i32 to vector<1x32xi32>
    %ge3A_1158 = arith.cmpi sge, %iota3A_371, %ge3A_1157 : vector<1x32xi32>
    %jit3A_1159 = arith.constant 0 : i32
    %broadcast_in_dim3A_1160 = vector.shape_cast %broadcast_in_dim3A_1155 : vector<1x1xi32> to vector<1x1xi32>
    %broadcast_in_dim3A_1161 = vector.broadcast %broadcast_in_dim3A_1160 : vector<1x1xi32> to vector<1x32xi32>
    %broadcast_in_dim3A_1162 = vector.broadcast %jit3A_1159 : i32 to vector<1x32xi32>
    %select_n3A_1163 = arith.select %ge3A_1158, %broadcast_in_dim3A_1161, %broadcast_in_dim3A_1162 : vector<1x32xi1>, vector<1x32xi32>
    %add3A_1164 = arith.addi %add3A_1146, %select_n3A_1163 : vector<1x32xi32>
    %eq3A_1165 = arith.constant 8 : i32
    %eq3A_1166 = vector.broadcast %eq3A_1165 : i32 to vector<1x32xi32>
    %eq3A_1167 = arith.cmpi eq, %iota3A_371, %eq3A_1166 : vector<1x32xi32>
    %jit3A_1168 = arith.constant 0 : i32
    %broadcast_in_dim3A_1169 = vector.broadcast %jit3A_1168 : i32 to vector<1x32xi32>
    %select_n3A_1170 = arith.select %eq3A_1167, %select_n3A_1018, %broadcast_in_dim3A_1169 : vector<1x32xi1>, vector<1x32xi32>
    %reduce_sum3A_1171 = arith.constant dense<0> : vector<1xi32>
    %reduce_sum3A_1172 = vector.multi_reduction <add>, %select_n3A_1170, %reduce_sum3A_1171 [1] : vector<1x32xi32> to vector<1xi32>
    %broadcast_in_dim3A_1173 = vector.shape_cast %reduce_sum3A_1172 : vector<1xi32> to vector<1x1xi32>
    %ge3A_1174 = arith.constant 8 : i32
    %ge3A_1175 = vector.broadcast %ge3A_1174 : i32 to vector<1x32xi32>
    %ge3A_1176 = arith.cmpi sge, %iota3A_371, %ge3A_1175 : vector<1x32xi32>
    %jit3A_1177 = arith.constant 0 : i32
    %broadcast_in_dim3A_1178 = vector.shape_cast %broadcast_in_dim3A_1173 : vector<1x1xi32> to vector<1x1xi32>
    %broadcast_in_dim3A_1179 = vector.broadcast %broadcast_in_dim3A_1178 : vector<1x1xi32> to vector<1x32xi32>
    %broadcast_in_dim3A_1180 = vector.broadcast %jit3A_1177 : i32 to vector<1x32xi32>
    %select_n3A_1181 = arith.select %ge3A_1176, %broadcast_in_dim3A_1179, %broadcast_in_dim3A_1180 : vector<1x32xi1>, vector<1x32xi32>
    %add3A_1182 = arith.addi %add3A_1164, %select_n3A_1181 : vector<1x32xi32>
    %eq3A_1183 = arith.constant 9 : i32
    %eq3A_1184 = vector.broadcast %eq3A_1183 : i32 to vector<1x32xi32>
    %eq3A_1185 = arith.cmpi eq, %iota3A_371, %eq3A_1184 : vector<1x32xi32>
    %jit3A_1186 = arith.constant 0 : i32
    %broadcast_in_dim3A_1187 = vector.broadcast %jit3A_1186 : i32 to vector<1x32xi32>
    %select_n3A_1188 = arith.select %eq3A_1185, %select_n3A_1018, %broadcast_in_dim3A_1187 : vector<1x32xi1>, vector<1x32xi32>
    %reduce_sum3A_1189 = arith.constant dense<0> : vector<1xi32>
    %reduce_sum3A_1190 = vector.multi_reduction <add>, %select_n3A_1188, %reduce_sum3A_1189 [1] : vector<1x32xi32> to vector<1xi32>
    %broadcast_in_dim3A_1191 = vector.shape_cast %reduce_sum3A_1190 : vector<1xi32> to vector<1x1xi32>
    %ge3A_1192 = arith.constant 9 : i32
    %ge3A_1193 = vector.broadcast %ge3A_1192 : i32 to vector<1x32xi32>
    %ge3A_1194 = arith.cmpi sge, %iota3A_371, %ge3A_1193 : vector<1x32xi32>
    %jit3A_1195 = arith.constant 0 : i32
    %broadcast_in_dim3A_1196 = vector.shape_cast %broadcast_in_dim3A_1191 : vector<1x1xi32> to vector<1x1xi32>
    %broadcast_in_dim3A_1197 = vector.broadcast %broadcast_in_dim3A_1196 : vector<1x1xi32> to vector<1x32xi32>
    %broadcast_in_dim3A_1198 = vector.broadcast %jit3A_1195 : i32 to vector<1x32xi32>
    %select_n3A_1199 = arith.select %ge3A_1194, %broadcast_in_dim3A_1197, %broadcast_in_dim3A_1198 : vector<1x32xi1>, vector<1x32xi32>
    %add3A_1200 = arith.addi %add3A_1182, %select_n3A_1199 : vector<1x32xi32>
    %eq3A_1201 = arith.constant 10 : i32
    %eq3A_1202 = vector.broadcast %eq3A_1201 : i32 to vector<1x32xi32>
    %eq3A_1203 = arith.cmpi eq, %iota3A_371, %eq3A_1202 : vector<1x32xi32>
    %jit3A_1204 = arith.constant 0 : i32
    %broadcast_in_dim3A_1205 = vector.broadcast %jit3A_1204 : i32 to vector<1x32xi32>
    %select_n3A_1206 = arith.select %eq3A_1203, %select_n3A_1018, %broadcast_in_dim3A_1205 : vector<1x32xi1>, vector<1x32xi32>
    %reduce_sum3A_1207 = arith.constant dense<0> : vector<1xi32>
    %reduce_sum3A_1208 = vector.multi_reduction <add>, %select_n3A_1206, %reduce_sum3A_1207 [1] : vector<1x32xi32> to vector<1xi32>
    %broadcast_in_dim3A_1209 = vector.shape_cast %reduce_sum3A_1208 : vector<1xi32> to vector<1x1xi32>
    %ge3A_1210 = arith.constant 10 : i32
    %ge3A_1211 = vector.broadcast %ge3A_1210 : i32 to vector<1x32xi32>
    %ge3A_1212 = arith.cmpi sge, %iota3A_371, %ge3A_1211 : vector<1x32xi32>
    %jit3A_1213 = arith.constant 0 : i32
    %broadcast_in_dim3A_1214 = vector.shape_cast %broadcast_in_dim3A_1209 : vector<1x1xi32> to vector<1x1xi32>
    %broadcast_in_dim3A_1215 = vector.broadcast %broadcast_in_dim3A_1214 : vector<1x1xi32> to vector<1x32xi32>
    %broadcast_in_dim3A_1216 = vector.broadcast %jit3A_1213 : i32 to vector<1x32xi32>
    %select_n3A_1217 = arith.select %ge3A_1212, %broadcast_in_dim3A_1215, %broadcast_in_dim3A_1216 : vector<1x32xi1>, vector<1x32xi32>
    %add3A_1218 = arith.addi %add3A_1200, %select_n3A_1217 : vector<1x32xi32>
    %eq3A_1219 = arith.constant 11 : i32
    %eq3A_1220 = vector.broadcast %eq3A_1219 : i32 to vector<1x32xi32>
    %eq3A_1221 = arith.cmpi eq, %iota3A_371, %eq3A_1220 : vector<1x32xi32>
    %jit3A_1222 = arith.constant 0 : i32
    %broadcast_in_dim3A_1223 = vector.broadcast %jit3A_1222 : i32 to vector<1x32xi32>
    %select_n3A_1224 = arith.select %eq3A_1221, %select_n3A_1018, %broadcast_in_dim3A_1223 : vector<1x32xi1>, vector<1x32xi32>
    %reduce_sum3A_1225 = arith.constant dense<0> : vector<1xi32>
    %reduce_sum3A_1226 = vector.multi_reduction <add>, %select_n3A_1224, %reduce_sum3A_1225 [1] : vector<1x32xi32> to vector<1xi32>
    %broadcast_in_dim3A_1227 = vector.shape_cast %reduce_sum3A_1226 : vector<1xi32> to vector<1x1xi32>
    %ge3A_1228 = arith.constant 11 : i32
    %ge3A_1229 = vector.broadcast %ge3A_1228 : i32 to vector<1x32xi32>
    %ge3A_1230 = arith.cmpi sge, %iota3A_371, %ge3A_1229 : vector<1x32xi32>
    %jit3A_1231 = arith.constant 0 : i32
    %broadcast_in_dim3A_1232 = vector.shape_cast %broadcast_in_dim3A_1227 : vector<1x1xi32> to vector<1x1xi32>
    %broadcast_in_dim3A_1233 = vector.broadcast %broadcast_in_dim3A_1232 : vector<1x1xi32> to vector<1x32xi32>
    %broadcast_in_dim3A_1234 = vector.broadcast %jit3A_1231 : i32 to vector<1x32xi32>
    %select_n3A_1235 = arith.select %ge3A_1230, %broadcast_in_dim3A_1233, %broadcast_in_dim3A_1234 : vector<1x32xi1>, vector<1x32xi32>
    %add3A_1236 = arith.addi %add3A_1218, %select_n3A_1235 : vector<1x32xi32>
    %eq3A_1237 = arith.constant 12 : i32
    %eq3A_1238 = vector.broadcast %eq3A_1237 : i32 to vector<1x32xi32>
    %eq3A_1239 = arith.cmpi eq, %iota3A_371, %eq3A_1238 : vector<1x32xi32>
    %jit3A_1240 = arith.constant 0 : i32
    %broadcast_in_dim3A_1241 = vector.broadcast %jit3A_1240 : i32 to vector<1x32xi32>
    %select_n3A_1242 = arith.select %eq3A_1239, %select_n3A_1018, %broadcast_in_dim3A_1241 : vector<1x32xi1>, vector<1x32xi32>
    %reduce_sum3A_1243 = arith.constant dense<0> : vector<1xi32>
    %reduce_sum3A_1244 = vector.multi_reduction <add>, %select_n3A_1242, %reduce_sum3A_1243 [1] : vector<1x32xi32> to vector<1xi32>
    %broadcast_in_dim3A_1245 = vector.shape_cast %reduce_sum3A_1244 : vector<1xi32> to vector<1x1xi32>
    %ge3A_1246 = arith.constant 12 : i32
    %ge3A_1247 = vector.broadcast %ge3A_1246 : i32 to vector<1x32xi32>
    %ge3A_1248 = arith.cmpi sge, %iota3A_371, %ge3A_1247 : vector<1x32xi32>
    %jit3A_1249 = arith.constant 0 : i32
    %broadcast_in_dim3A_1250 = vector.shape_cast %broadcast_in_dim3A_1245 : vector<1x1xi32> to vector<1x1xi32>
    %broadcast_in_dim3A_1251 = vector.broadcast %broadcast_in_dim3A_1250 : vector<1x1xi32> to vector<1x32xi32>
    %broadcast_in_dim3A_1252 = vector.broadcast %jit3A_1249 : i32 to vector<1x32xi32>
    %select_n3A_1253 = arith.select %ge3A_1248, %broadcast_in_dim3A_1251, %broadcast_in_dim3A_1252 : vector<1x32xi1>, vector<1x32xi32>
    %add3A_1254 = arith.addi %add3A_1236, %select_n3A_1253 : vector<1x32xi32>
    %eq3A_1255 = arith.constant 13 : i32
    %eq3A_1256 = vector.broadcast %eq3A_1255 : i32 to vector<1x32xi32>
    %eq3A_1257 = arith.cmpi eq, %iota3A_371, %eq3A_1256 : vector<1x32xi32>
    %jit3A_1258 = arith.constant 0 : i32
    %broadcast_in_dim3A_1259 = vector.broadcast %jit3A_1258 : i32 to vector<1x32xi32>
    %select_n3A_1260 = arith.select %eq3A_1257, %select_n3A_1018, %broadcast_in_dim3A_1259 : vector<1x32xi1>, vector<1x32xi32>
    %reduce_sum3A_1261 = arith.constant dense<0> : vector<1xi32>
    %reduce_sum3A_1262 = vector.multi_reduction <add>, %select_n3A_1260, %reduce_sum3A_1261 [1] : vector<1x32xi32> to vector<1xi32>
    %broadcast_in_dim3A_1263 = vector.shape_cast %reduce_sum3A_1262 : vector<1xi32> to vector<1x1xi32>
    %ge3A_1264 = arith.constant 13 : i32
    %ge3A_1265 = vector.broadcast %ge3A_1264 : i32 to vector<1x32xi32>
    %ge3A_1266 = arith.cmpi sge, %iota3A_371, %ge3A_1265 : vector<1x32xi32>
    %jit3A_1267 = arith.constant 0 : i32
    %broadcast_in_dim3A_1268 = vector.shape_cast %broadcast_in_dim3A_1263 : vector<1x1xi32> to vector<1x1xi32>
    %broadcast_in_dim3A_1269 = vector.broadcast %broadcast_in_dim3A_1268 : vector<1x1xi32> to vector<1x32xi32>
    %broadcast_in_dim3A_1270 = vector.broadcast %jit3A_1267 : i32 to vector<1x32xi32>
    %select_n3A_1271 = arith.select %ge3A_1266, %broadcast_in_dim3A_1269, %broadcast_in_dim3A_1270 : vector<1x32xi1>, vector<1x32xi32>
    %add3A_1272 = arith.addi %add3A_1254, %select_n3A_1271 : vector<1x32xi32>
    %eq3A_1273 = arith.constant 14 : i32
    %eq3A_1274 = vector.broadcast %eq3A_1273 : i32 to vector<1x32xi32>
    %eq3A_1275 = arith.cmpi eq, %iota3A_371, %eq3A_1274 : vector<1x32xi32>
    %jit3A_1276 = arith.constant 0 : i32
    %broadcast_in_dim3A_1277 = vector.broadcast %jit3A_1276 : i32 to vector<1x32xi32>
    %select_n3A_1278 = arith.select %eq3A_1275, %select_n3A_1018, %broadcast_in_dim3A_1277 : vector<1x32xi1>, vector<1x32xi32>
    %reduce_sum3A_1279 = arith.constant dense<0> : vector<1xi32>
    %reduce_sum3A_1280 = vector.multi_reduction <add>, %select_n3A_1278, %reduce_sum3A_1279 [1] : vector<1x32xi32> to vector<1xi32>
    %broadcast_in_dim3A_1281 = vector.shape_cast %reduce_sum3A_1280 : vector<1xi32> to vector<1x1xi32>
    %ge3A_1282 = arith.constant 14 : i32
    %ge3A_1283 = vector.broadcast %ge3A_1282 : i32 to vector<1x32xi32>
    %ge3A_1284 = arith.cmpi sge, %iota3A_371, %ge3A_1283 : vector<1x32xi32>
    %jit3A_1285 = arith.constant 0 : i32
    %broadcast_in_dim3A_1286 = vector.shape_cast %broadcast_in_dim3A_1281 : vector<1x1xi32> to vector<1x1xi32>
    %broadcast_in_dim3A_1287 = vector.broadcast %broadcast_in_dim3A_1286 : vector<1x1xi32> to vector<1x32xi32>
    %broadcast_in_dim3A_1288 = vector.broadcast %jit3A_1285 : i32 to vector<1x32xi32>
    %select_n3A_1289 = arith.select %ge3A_1284, %broadcast_in_dim3A_1287, %broadcast_in_dim3A_1288 : vector<1x32xi1>, vector<1x32xi32>
    %add3A_1290 = arith.addi %add3A_1272, %select_n3A_1289 : vector<1x32xi32>
    %eq3A_1291 = arith.constant 15 : i32
    %eq3A_1292 = vector.broadcast %eq3A_1291 : i32 to vector<1x32xi32>
    %eq3A_1293 = arith.cmpi eq, %iota3A_371, %eq3A_1292 : vector<1x32xi32>
    %jit3A_1294 = arith.constant 0 : i32
    %broadcast_in_dim3A_1295 = vector.broadcast %jit3A_1294 : i32 to vector<1x32xi32>
    %select_n3A_1296 = arith.select %eq3A_1293, %select_n3A_1018, %broadcast_in_dim3A_1295 : vector<1x32xi1>, vector<1x32xi32>
    %reduce_sum3A_1297 = arith.constant dense<0> : vector<1xi32>
    %reduce_sum3A_1298 = vector.multi_reduction <add>, %select_n3A_1296, %reduce_sum3A_1297 [1] : vector<1x32xi32> to vector<1xi32>
    %broadcast_in_dim3A_1299 = vector.shape_cast %reduce_sum3A_1298 : vector<1xi32> to vector<1x1xi32>
    %ge3A_1300 = arith.constant 15 : i32
    %ge3A_1301 = vector.broadcast %ge3A_1300 : i32 to vector<1x32xi32>
    %ge3A_1302 = arith.cmpi sge, %iota3A_371, %ge3A_1301 : vector<1x32xi32>
    %jit3A_1303 = arith.constant 0 : i32
    %broadcast_in_dim3A_1304 = vector.shape_cast %broadcast_in_dim3A_1299 : vector<1x1xi32> to vector<1x1xi32>
    %broadcast_in_dim3A_1305 = vector.broadcast %broadcast_in_dim3A_1304 : vector<1x1xi32> to vector<1x32xi32>
    %broadcast_in_dim3A_1306 = vector.broadcast %jit3A_1303 : i32 to vector<1x32xi32>
    %select_n3A_1307 = arith.select %ge3A_1302, %broadcast_in_dim3A_1305, %broadcast_in_dim3A_1306 : vector<1x32xi1>, vector<1x32xi32>
    %add3A_1308 = arith.addi %add3A_1290, %select_n3A_1307 : vector<1x32xi32>
    %eq3A_1309 = arith.constant 16 : i32
    %eq3A_1310 = vector.broadcast %eq3A_1309 : i32 to vector<1x32xi32>
    %eq3A_1311 = arith.cmpi eq, %iota3A_371, %eq3A_1310 : vector<1x32xi32>
    %jit3A_1312 = arith.constant 0 : i32
    %broadcast_in_dim3A_1313 = vector.broadcast %jit3A_1312 : i32 to vector<1x32xi32>
    %select_n3A_1314 = arith.select %eq3A_1311, %select_n3A_1018, %broadcast_in_dim3A_1313 : vector<1x32xi1>, vector<1x32xi32>
    %reduce_sum3A_1315 = arith.constant dense<0> : vector<1xi32>
    %reduce_sum3A_1316 = vector.multi_reduction <add>, %select_n3A_1314, %reduce_sum3A_1315 [1] : vector<1x32xi32> to vector<1xi32>
    %broadcast_in_dim3A_1317 = vector.shape_cast %reduce_sum3A_1316 : vector<1xi32> to vector<1x1xi32>
    %ge3A_1318 = arith.constant 16 : i32
    %ge3A_1319 = vector.broadcast %ge3A_1318 : i32 to vector<1x32xi32>
    %ge3A_1320 = arith.cmpi sge, %iota3A_371, %ge3A_1319 : vector<1x32xi32>
    %jit3A_1321 = arith.constant 0 : i32
    %broadcast_in_dim3A_1322 = vector.shape_cast %broadcast_in_dim3A_1317 : vector<1x1xi32> to vector<1x1xi32>
    %broadcast_in_dim3A_1323 = vector.broadcast %broadcast_in_dim3A_1322 : vector<1x1xi32> to vector<1x32xi32>
    %broadcast_in_dim3A_1324 = vector.broadcast %jit3A_1321 : i32 to vector<1x32xi32>
    %select_n3A_1325 = arith.select %ge3A_1320, %broadcast_in_dim3A_1323, %broadcast_in_dim3A_1324 : vector<1x32xi1>, vector<1x32xi32>
    %add3A_1326 = arith.addi %add3A_1308, %select_n3A_1325 : vector<1x32xi32>
    %sub3A_1327 = arith.subi %add3A_1326, %select_n3A_1018 : vector<1x32xi32>
    %iota3A_1328 = tpu.iota {dimensions = array<i32: 0>} : vector<128x1xi32>
    %lt3A_1329 = arith.constant 17 : i32
    %lt3A_1330 = vector.broadcast %lt3A_1329 : i32 to vector<1x32xi32>
    %lt3A_1331 = arith.cmpi slt, %iota3A_371, %lt3A_1330 : vector<1x32xi32>
    %jit3A_1332 = arith.constant 1000000000 : i32
    %broadcast_in_dim3A_1333 = vector.broadcast %jit3A_1332 : i32 to vector<1x32xi32>
    %select_n3A_1334 = arith.select %lt3A_1331, %add3A_1326, %broadcast_in_dim3A_1333 : vector<1x32xi1>, vector<1x32xi32>
    %broadcast_in_dim3A_1335 = vector.shape_cast %select_n3A_1334 : vector<1x32xi32> to vector<1x32xi32>
    %broadcast_in_dim3A_1336 = vector.broadcast %broadcast_in_dim3A_1335 : vector<1x32xi32> to vector<128x32xi32>
    %le3A = vector.broadcast %iota3A_1328 : vector<128x1xi32> to vector<128x32xi32>
    %le3A_1337 = arith.cmpi sle, %broadcast_in_dim3A_1336, %le3A : vector<128x32xi32>
    %convert_element_type3A_1338 = arith.extui %le3A_1337 : vector<128x32xi1> to vector<128x32xi32>
    %reduce_sum3A_1339 = arith.constant dense<0> : vector<128xi32>
    %reduce_sum3A_1340 = vector.multi_reduction <add>, %convert_element_type3A_1338, %reduce_sum3A_1339 [1] : vector<128x32xi32> to vector<128xi32>
    %broadcast_in_dim3A_1341 = vector.shape_cast %reduce_sum3A_1340 : vector<128xi32> to vector<128x1xi32>
    %lt3A_1342 = arith.constant 17 : i32
    %lt3A_1343 = vector.broadcast %lt3A_1342 : i32 to vector<128x1xi32>
    %lt3A_1344 = arith.cmpi slt, %broadcast_in_dim3A_1341, %lt3A_1343 : vector<128x1xi32>
    %lt3A_1345 = arith.constant 63 : i32
    %lt3A_1346 = vector.broadcast %lt3A_1345 : i32 to vector<128x1xi32>
    %lt3A_1347 = arith.cmpi slt, %iota3A_1328, %lt3A_1346 : vector<128x1xi32>
    %and3A_1348 = arith.andi %lt3A_1344, %lt3A_1347 : vector<128x1xi1>
    %iota3A_1349 = tpu.iota {dimensions = array<i32: 1>} : vector<128x32xi32>
    %eq3A_1350 = vector.broadcast %broadcast_in_dim3A_1341 : vector<128x1xi32> to vector<128x32xi32>
    %eq3A_1351 = arith.cmpi eq, %iota3A_1349, %eq3A_1350 : vector<128x32xi32>
    %broadcast_in_dim3A_1352 = vector.shape_cast %sub3A_1327 : vector<1x32xi32> to vector<1x32xi32>
    %broadcast_in_dim3A_1353 = vector.broadcast %broadcast_in_dim3A_1352 : vector<1x32xi32> to vector<128x32xi32>
    %jit3A_1354 = arith.constant 0 : i32
    %broadcast_in_dim3A_1355 = vector.broadcast %jit3A_1354 : i32 to vector<128x32xi32>
    %select_n3A_1356 = arith.select %eq3A_1351, %broadcast_in_dim3A_1353, %broadcast_in_dim3A_1355 : vector<128x32xi1>, vector<128x32xi32>
    %reduce_sum3A_1357 = arith.constant dense<0> : vector<128xi32>
    %reduce_sum3A_1358 = vector.multi_reduction <add>, %select_n3A_1356, %reduce_sum3A_1357 [1] : vector<128x32xi32> to vector<128xi32>
    %broadcast_in_dim3A_1359 = vector.shape_cast %reduce_sum3A_1358 : vector<128xi32> to vector<128x1xi32>
    %sub3A_1360 = arith.subi %iota3A_1328, %broadcast_in_dim3A_1359 : vector<128x1xi32>
    %iota3A_1361 = tpu.iota {dimensions = array<i32: 1>} : vector<128x32xi32>
    %eq3A_1362 = vector.broadcast %broadcast_in_dim3A_1341 : vector<128x1xi32> to vector<128x32xi32>
    %eq3A_1363 = arith.cmpi eq, %iota3A_1361, %eq3A_1362 : vector<128x32xi32>
    %broadcast_in_dim3A_1364 = vector.shape_cast %shift_right_arithmetic3A_999 : vector<1x32xi32> to vector<1x32xi32>
    %broadcast_in_dim3A_1365 = vector.broadcast %broadcast_in_dim3A_1364 : vector<1x32xi32> to vector<128x32xi32>
    %jit3A_1366 = arith.constant 0 : i32
    %broadcast_in_dim3A_1367 = vector.broadcast %jit3A_1366 : i32 to vector<128x32xi32>
    %select_n3A_1368 = arith.select %eq3A_1363, %broadcast_in_dim3A_1365, %broadcast_in_dim3A_1367 : vector<128x32xi1>, vector<128x32xi32>
    %reduce_sum3A_1369 = arith.constant dense<0> : vector<128xi32>
    %reduce_sum3A_1370 = vector.multi_reduction <add>, %select_n3A_1368, %reduce_sum3A_1369 [1] : vector<128x32xi32> to vector<128xi32>
    %broadcast_in_dim3A_1371 = vector.shape_cast %reduce_sum3A_1370 : vector<128xi32> to vector<128x1xi32>
    %add3A_1372 = arith.addi %broadcast_in_dim3A_1371, %sub3A_1360 : vector<128x1xi32>
    %jit3A_1373 = arith.constant 47 : i32
    %broadcast_in_dim3A_1374 = vector.broadcast %jit3A_1373 : i32 to vector<128x1xi32>
    %select_n3A_1375 = arith.select %and3A_1348, %add3A_1372, %broadcast_in_dim3A_1374 : vector<128x1xi1>, vector<128x1xi32>
    %min3A = arith.constant 31 : i32
    %min3A_1376 = vector.broadcast %min3A : i32 to vector<128x1xi32>
    %min3A_1377 = arith.minsi %select_n3A_1375, %min3A_1376 : vector<128x1xi32>
    %eq3A_1378 = arith.constant 16 : i32
    %eq3A_1379 = vector.broadcast %eq3A_1378 : i32 to vector<128x1xi32>
    %eq3A_1380 = arith.cmpi eq, %broadcast_in_dim3A_1341, %eq3A_1379 : vector<128x1xi32>
    %and3A_1381 = arith.andi %and3A_1348, %eq3A_1380 : vector<128x1xi1>
    %sub3A_1382 = arith.constant 32 : i32
    %sub3A_1383 = vector.broadcast %sub3A_1382 : i32 to vector<128x1xi32>
    %sub3A_1384 = arith.subi %select_n3A_1375, %sub3A_1383 : vector<128x1xi32>
    %gt3A_1385 = arith.constant 16 : i32
    %gt3A_1386 = vector.broadcast %gt3A_1385 : i32 to vector<128x1xi32>
    %gt3A_1387 = arith.cmpi sgt, %broadcast_in_dim3A_1341, %gt3A_1386 : vector<128x1xi32>
    %jit3A_1388 = arith.constant 15 : i32
    %jit3A_1389 = arith.constant 0 : i32
    %broadcast_in_dim3A_1390 = vector.broadcast %jit3A_1388 : i32 to vector<128x1xi32>
    %broadcast_in_dim3A_1391 = vector.broadcast %jit3A_1389 : i32 to vector<128x1xi32>
    %select_n3A_1392 = arith.select %gt3A_1387, %broadcast_in_dim3A_1390, %broadcast_in_dim3A_1391 : vector<128x1xi1>, vector<128x1xi32>
    %select_n3A_1393 = arith.select %and3A_1381, %sub3A_1384, %select_n3A_1392 : vector<128x1xi1>, vector<128x1xi32>
    %min3A_1394 = arith.constant 15 : i32
    %min3A_1395 = vector.broadcast %min3A_1394 : i32 to vector<128x1xi32>
    %min3A_1396 = arith.minsi %broadcast_in_dim3A_1341, %min3A_1395 : vector<128x1xi32>
    %iota3A_1397 = tpu.iota {dimensions = array<i32: 1>} : vector<128x32xi32>
    %eq3A_1398 = vector.broadcast %broadcast_in_dim3A_1341 : vector<128x1xi32> to vector<128x32xi32>
    %eq3A_1399 = arith.cmpi eq, %iota3A_1397, %eq3A_1398 : vector<128x32xi32>
    %broadcast_in_dim3A_1400 = vector.shape_cast %add3A_996 : vector<1x32xi32> to vector<1x32xi32>
    %broadcast_in_dim3A_1401 = vector.broadcast %broadcast_in_dim3A_1400 : vector<1x32xi32> to vector<128x32xi32>
    %jit3A_1402 = arith.constant 0 : i32
    %broadcast_in_dim3A_1403 = vector.broadcast %jit3A_1402 : i32 to vector<128x32xi32>
    %select_n3A_1404 = arith.select %eq3A_1399, %broadcast_in_dim3A_1401, %broadcast_in_dim3A_1403 : vector<128x32xi1>, vector<128x32xi32>
    %reduce_sum3A_1405 = arith.constant dense<0> : vector<128xi32>
    %reduce_sum3A_1406 = vector.multi_reduction <add>, %select_n3A_1404, %reduce_sum3A_1405 [1] : vector<128x32xi32> to vector<128xi32>
    %broadcast_in_dim3A_1407 = vector.shape_cast %reduce_sum3A_1406 : vector<128xi32> to vector<128x1xi32>
    %jit3A_1408 = arith.constant 0 : i32
    %broadcast_in_dim3A_1409 = vector.broadcast %jit3A_1408 : i32 to vector<128x1xi32>
    %select_n3A_1410 = arith.select %and3A_1348, %broadcast_in_dim3A_1407, %broadcast_in_dim3A_1409 : vector<128x1xi1>, vector<128x1xi32>
    %iota3A_1411 = tpu.iota {dimensions = array<i32: 1>} : vector<128x32xi32>
    %eq3A_1412 = vector.broadcast %broadcast_in_dim3A_1341 : vector<128x1xi32> to vector<128x32xi32>
    %eq3A_1413 = arith.cmpi eq, %iota3A_1411, %eq3A_1412 : vector<128x32xi32>
    %broadcast_in_dim3A_1414 = vector.shape_cast %add3A_997 : vector<1x32xi32> to vector<1x32xi32>
    %broadcast_in_dim3A_1415 = vector.broadcast %broadcast_in_dim3A_1414 : vector<1x32xi32> to vector<128x32xi32>
    %jit3A_1416 = arith.constant 0 : i32
    %broadcast_in_dim3A_1417 = vector.broadcast %jit3A_1416 : i32 to vector<128x32xi32>
    %select_n3A_1418 = arith.select %eq3A_1413, %broadcast_in_dim3A_1415, %broadcast_in_dim3A_1417 : vector<128x32xi1>, vector<128x32xi32>
    %reduce_sum3A_1419 = arith.constant dense<0> : vector<128xi32>
    %reduce_sum3A_1420 = vector.multi_reduction <add>, %select_n3A_1418, %reduce_sum3A_1419 [1] : vector<128x32xi32> to vector<128xi32>
    %broadcast_in_dim3A_1421 = vector.shape_cast %reduce_sum3A_1420 : vector<128xi32> to vector<128x1xi32>
    %jit3A_1422 = arith.constant 0 : i32
    %broadcast_in_dim3A_1423 = vector.broadcast %jit3A_1422 : i32 to vector<128x1xi32>
    %select_n3A_1424 = arith.select %and3A_1348, %broadcast_in_dim3A_1421, %broadcast_in_dim3A_1423 : vector<128x1xi1>, vector<128x1xi32>
    %ge3A_1425 = arith.constant 16 : i32
    %ge3A_1426 = vector.broadcast %ge3A_1425 : i32 to vector<128x1xi32>
    %ge3A_1427 = arith.cmpi sge, %broadcast_in_dim3A_1341, %ge3A_1426 : vector<128x1xi32>
    %convert_element_type3A_1428 = arith.extui %ge3A_1427 : vector<128x1xi1> to vector<128x1xi32>
    %gt3A_1429 = arith.constant 0 : i32
    %gt3A_1430 = vector.broadcast %gt3A_1429 : i32 to vector<128x1xi32>
    %gt3A_1431 = arith.cmpi sgt, %sub3A_1360, %gt3A_1430 : vector<128x1xi32>
    %iota3A_1432 = tpu.iota {dimensions = array<i32: 1>} : vector<128x32xi32>
    %eq3A_1433 = vector.broadcast %broadcast_in_dim3A_1341 : vector<128x1xi32> to vector<128x32xi32>
    %eq3A_1434 = arith.cmpi eq, %iota3A_1432, %eq3A_1433 : vector<128x32xi32>
    %broadcast_in_dim3A_1435 = vector.shape_cast %add3A_996 : vector<1x32xi32> to vector<1x32xi32>
    %broadcast_in_dim3A_1436 = vector.broadcast %broadcast_in_dim3A_1435 : vector<1x32xi32> to vector<128x32xi32>
    %jit3A_1437 = arith.constant 0 : i32
    %broadcast_in_dim3A_1438 = vector.broadcast %jit3A_1437 : i32 to vector<128x32xi32>
    %select_n3A_1439 = arith.select %eq3A_1434, %broadcast_in_dim3A_1436, %broadcast_in_dim3A_1438 : vector<128x32xi1>, vector<128x32xi32>
    %reduce_sum3A_1440 = arith.constant dense<0> : vector<128xi32>
    %reduce_sum3A_1441 = vector.multi_reduction <add>, %select_n3A_1439, %reduce_sum3A_1440 [1] : vector<128x32xi32> to vector<128xi32>
    %broadcast_in_dim3A_1442 = vector.shape_cast %reduce_sum3A_1441 : vector<128xi32> to vector<128x1xi32>
    %and3A_1443 = arith.constant 255 : i32
    %and3A_1444 = vector.broadcast %and3A_1443 : i32 to vector<128x1xi32>
    %and3A_1445 = arith.andi %broadcast_in_dim3A_1442, %and3A_1444 : vector<128x1xi32>
    %eq3A_1446 = arith.constant 0 : i32
    %eq3A_1447 = vector.broadcast %eq3A_1446 : i32 to vector<128x1xi32>
    %eq3A_1448 = arith.cmpi eq, %and3A_1445, %eq3A_1447 : vector<128x1xi32>
    %or3A_1449 = arith.ori %gt3A_1431, %eq3A_1448 : vector<128x1xi1>
    %and3A_1450 = arith.andi %and3A_1348, %or3A_1449 : vector<128x1xi1>
    %convert_element_type3A_1451 = arith.extui %and3A_1450 : vector<128x1xi1> to vector<128x1xi32>
    %iota3A_1452 = tpu.iota {dimensions = array<i32: 1>} : vector<128x8xi32>
    %eq3A_1453 = arith.constant 0 : i32
    %eq3A_1454 = vector.broadcast %eq3A_1453 : i32 to vector<128x8xi32>
    %eq3A_1455 = arith.cmpi eq, %iota3A_1452, %eq3A_1454 : vector<128x8xi32>
    %jit3A_1456 = arith.constant 0 : i32
    %broadcast_in_dim3A_1457 = vector.shape_cast %min3A_1377 : vector<128x1xi32> to vector<128x1xi32>
    %broadcast_in_dim3A_1458 = vector.broadcast %broadcast_in_dim3A_1457 : vector<128x1xi32> to vector<128x8xi32>
    %broadcast_in_dim3A_1459 = vector.broadcast %jit3A_1456 : i32 to vector<128x8xi32>
    %select_n3A_1460 = arith.select %eq3A_1455, %broadcast_in_dim3A_1458, %broadcast_in_dim3A_1459 : vector<128x8xi1>, vector<128x8xi32>
    %broadcast_in_dim3A_1461 = arith.constant 0 : i32
    %broadcast_in_dim3A_1462 = vector.broadcast %broadcast_in_dim3A_1461 : i32 to vector<128x1xi32>
    %eq3A_1463 = arith.constant 1 : i32
    %eq3A_1464 = vector.broadcast %eq3A_1463 : i32 to vector<128x8xi32>
    %eq3A_1465 = arith.cmpi eq, %iota3A_1452, %eq3A_1464 : vector<128x8xi32>
    %jit3A_1466 = arith.constant 0 : i32
    %broadcast_in_dim3A_1467 = vector.shape_cast %select_n3A_1393 : vector<128x1xi32> to vector<128x1xi32>
    %broadcast_in_dim3A_1468 = vector.broadcast %broadcast_in_dim3A_1467 : vector<128x1xi32> to vector<128x8xi32>
    %broadcast_in_dim3A_1469 = vector.broadcast %jit3A_1466 : i32 to vector<128x8xi32>
    %select_n3A_1470 = arith.select %eq3A_1465, %broadcast_in_dim3A_1468, %broadcast_in_dim3A_1469 : vector<128x8xi1>, vector<128x8xi32>
    %add3A_1471 = arith.addi %select_n3A_1460, %select_n3A_1470 : vector<128x8xi32>
    %eq3A_1472 = arith.constant 2 : i32
    %eq3A_1473 = vector.broadcast %eq3A_1472 : i32 to vector<128x8xi32>
    %eq3A_1474 = arith.cmpi eq, %iota3A_1452, %eq3A_1473 : vector<128x8xi32>
    %jit3A_1475 = arith.constant 0 : i32
    %broadcast_in_dim3A_1476 = vector.shape_cast %select_n3A_1375 : vector<128x1xi32> to vector<128x1xi32>
    %broadcast_in_dim3A_1477 = vector.broadcast %broadcast_in_dim3A_1476 : vector<128x1xi32> to vector<128x8xi32>
    %broadcast_in_dim3A_1478 = vector.broadcast %jit3A_1475 : i32 to vector<128x8xi32>
    %select_n3A_1479 = arith.select %eq3A_1474, %broadcast_in_dim3A_1477, %broadcast_in_dim3A_1478 : vector<128x8xi1>, vector<128x8xi32>
    %add3A_1480 = arith.addi %add3A_1471, %select_n3A_1479 : vector<128x8xi32>
    %eq3A_1481 = arith.constant 3 : i32
    %eq3A_1482 = vector.broadcast %eq3A_1481 : i32 to vector<128x8xi32>
    %eq3A_1483 = arith.cmpi eq, %iota3A_1452, %eq3A_1482 : vector<128x8xi32>
    %jit3A_1484 = arith.constant 0 : i32
    %broadcast_in_dim3A_1485 = vector.shape_cast %min3A_1396 : vector<128x1xi32> to vector<128x1xi32>
    %broadcast_in_dim3A_1486 = vector.broadcast %broadcast_in_dim3A_1485 : vector<128x1xi32> to vector<128x8xi32>
    %broadcast_in_dim3A_1487 = vector.broadcast %jit3A_1484 : i32 to vector<128x8xi32>
    %select_n3A_1488 = arith.select %eq3A_1483, %broadcast_in_dim3A_1486, %broadcast_in_dim3A_1487 : vector<128x8xi1>, vector<128x8xi32>
    %add3A_1489 = arith.addi %add3A_1480, %select_n3A_1488 : vector<128x8xi32>
    %eq3A_1490 = arith.constant 4 : i32
    %eq3A_1491 = vector.broadcast %eq3A_1490 : i32 to vector<128x8xi32>
    %eq3A_1492 = arith.cmpi eq, %iota3A_1452, %eq3A_1491 : vector<128x8xi32>
    %jit3A_1493 = arith.constant 0 : i32
    %broadcast_in_dim3A_1494 = vector.shape_cast %select_n3A_1410 : vector<128x1xi32> to vector<128x1xi32>
    %broadcast_in_dim3A_1495 = vector.broadcast %broadcast_in_dim3A_1494 : vector<128x1xi32> to vector<128x8xi32>
    %broadcast_in_dim3A_1496 = vector.broadcast %jit3A_1493 : i32 to vector<128x8xi32>
    %select_n3A_1497 = arith.select %eq3A_1492, %broadcast_in_dim3A_1495, %broadcast_in_dim3A_1496 : vector<128x8xi1>, vector<128x8xi32>
    %add3A_1498 = arith.addi %add3A_1489, %select_n3A_1497 : vector<128x8xi32>
    %eq3A_1499 = arith.constant 5 : i32
    %eq3A_1500 = vector.broadcast %eq3A_1499 : i32 to vector<128x8xi32>
    %eq3A_1501 = arith.cmpi eq, %iota3A_1452, %eq3A_1500 : vector<128x8xi32>
    %jit3A_1502 = arith.constant 0 : i32
    %broadcast_in_dim3A_1503 = vector.shape_cast %select_n3A_1424 : vector<128x1xi32> to vector<128x1xi32>
    %broadcast_in_dim3A_1504 = vector.broadcast %broadcast_in_dim3A_1503 : vector<128x1xi32> to vector<128x8xi32>
    %broadcast_in_dim3A_1505 = vector.broadcast %jit3A_1502 : i32 to vector<128x8xi32>
    %select_n3A_1506 = arith.select %eq3A_1501, %broadcast_in_dim3A_1504, %broadcast_in_dim3A_1505 : vector<128x8xi1>, vector<128x8xi32>
    %add3A_1507 = arith.addi %add3A_1498, %select_n3A_1506 : vector<128x8xi32>
    %eq3A_1508 = arith.constant 6 : i32
    %eq3A_1509 = vector.broadcast %eq3A_1508 : i32 to vector<128x8xi32>
    %eq3A_1510 = arith.cmpi eq, %iota3A_1452, %eq3A_1509 : vector<128x8xi32>
    %jit3A_1511 = arith.constant 0 : i32
    %broadcast_in_dim3A_1512 = vector.shape_cast %broadcast_in_dim3A_1462 : vector<128x1xi32> to vector<128x1xi32>
    %broadcast_in_dim3A_1513 = vector.broadcast %broadcast_in_dim3A_1512 : vector<128x1xi32> to vector<128x8xi32>
    %broadcast_in_dim3A_1514 = vector.broadcast %jit3A_1511 : i32 to vector<128x8xi32>
    %select_n3A_1515 = arith.select %eq3A_1510, %broadcast_in_dim3A_1513, %broadcast_in_dim3A_1514 : vector<128x8xi1>, vector<128x8xi32>
    %add3A_1516 = arith.addi %add3A_1507, %select_n3A_1515 : vector<128x8xi32>
    %eq3A_1517 = arith.constant 7 : i32
    %eq3A_1518 = vector.broadcast %eq3A_1517 : i32 to vector<128x8xi32>
    %eq3A_1519 = arith.cmpi eq, %iota3A_1452, %eq3A_1518 : vector<128x8xi32>
    %jit3A_1520 = arith.constant 0 : i32
    %broadcast_in_dim3A_1521 = vector.shape_cast %convert_element_type3A_1451 : vector<128x1xi32> to vector<128x1xi32>
    %broadcast_in_dim3A_1522 = vector.broadcast %broadcast_in_dim3A_1521 : vector<128x1xi32> to vector<128x8xi32>
    %broadcast_in_dim3A_1523 = vector.broadcast %jit3A_1520 : i32 to vector<128x8xi32>
    %select_n3A_1524 = arith.select %eq3A_1519, %broadcast_in_dim3A_1522, %broadcast_in_dim3A_1523 : vector<128x8xi1>, vector<128x8xi32>
    %add3A_1525 = arith.addi %add3A_1516, %select_n3A_1524 : vector<128x8xi32>
    %eq3A_1526 = arith.constant 7 : i32
    %eq3A_1527 = vector.broadcast %eq3A_1526 : i32 to vector<128x8xi32>
    %eq3A_1528 = arith.cmpi eq, %iota3A_1452, %eq3A_1527 : vector<128x8xi32>
    %eq3A_1529 = arith.constant 1 : i32
    %eq3A_1530 = vector.broadcast %eq3A_1529 : i32 to vector<128x1xi32>
    %eq3A_1531 = arith.cmpi eq, %convert_element_type3A_1428, %eq3A_1530 : vector<128x1xi32>
    %add3A_1532 = arith.constant 2 : i32
    %add3A_1533 = vector.broadcast %add3A_1532 : i32 to vector<128x1xi32>
    %add3A_1534 = arith.addi %convert_element_type3A_1451, %add3A_1533 : vector<128x1xi32>
    %select_n3A_1535 = arith.select %eq3A_1531, %add3A_1534, %convert_element_type3A_1451 : vector<128x1xi1>, vector<128x1xi32>
    %broadcast_in_dim3A_1536 = vector.shape_cast %select_n3A_1535 : vector<128x1xi32> to vector<128x1xi32>
    %broadcast_in_dim3A_1537 = vector.broadcast %broadcast_in_dim3A_1536 : vector<128x1xi32> to vector<128x8xi32>
    %select_n3A_1538 = arith.select %eq3A_1528, %broadcast_in_dim3A_1537, %add3A_1525 : vector<128x8xi1>, vector<128x8xi32>
    %swap3A_1539 = arith.constant 0 : index
    %swap3A_1540 = arith.constant 0 : index
    %swap3A_1541 = vector.load %arg4[%swap3A_1539, %swap3A_1540] : memref<128x8xi32, #tpu.memory_space<vmem>>, vector<128x8xi32>
    tpu.vector_store %arg4[%swap3A_1539, %swap3A_1540], %select_n3A_1538 {strides = array<i32>} : memref<128x8xi32, #tpu.memory_space<vmem>>, vector<128x8xi32>,
    return
  }
}

module attributes {stable_mosaic.version = 14 : i64} {
  func.func @_gmm_body(%arg0: i32, %arg1: memref<128x8xi32, #tpu.memory_space<smem>>, %arg2: memref<256x1024xf32, #tpu.memory_space<vmem>>, %arg3: memref<256x1024xf32, #tpu.memory_space<vmem>>, %arg4: memref<1x512x1024xf32, #tpu.memory_space<vmem>>, %arg5: memref<1x512x1024xf32, #tpu.memory_space<vmem>>, %arg6: memref<1x1024x512xf32, #tpu.memory_space<vmem>>, %arg7: memref<2x512x1024xf32, #tpu.memory_space<vmem>>, %arg8: memref<2x512x1024xf32, #tpu.memory_space<vmem>>, %arg9: memref<2x1024x512xf32, #tpu.memory_space<vmem>>, %arg10: memref<256x1024xf32, #tpu.memory_space<vmem>>) attributes {dimension_semantics = [#tpu.dimension_semantics<arbitrary>], iteration_bounds = array<i64: 63>, scalar_prefetch = 1 : i64, scratch_operands = 0 : i64, tpu.core_type = #tpu.core_type<tc>, window_params = [{transform_indices = @transform_0, window_bounds = array<i64: 256, 1024>}, {transform_indices = @transform_1, window_bounds = array<i64: 256, 1024>}, {transform_indices = @transform_2, window_bounds = array<i64: 1, 512, 1024>}, {transform_indices = @transform_3, window_bounds = array<i64: 1, 512, 1024>}, {transform_indices = @transform_4, window_bounds = array<i64: 1, 1024, 512>}, {pipeline_mode = #tpu.pipeline_mode<synchronous>, transform_indices = @transform_5, window_bounds = array<i64: 2, 512, 1024>}, {pipeline_mode = #tpu.pipeline_mode<synchronous>, transform_indices = @transform_6, window_bounds = array<i64: 2, 512, 1024>}, {pipeline_mode = #tpu.pipeline_mode<synchronous>, transform_indices = @transform_7, window_bounds = array<i64: 2, 1024, 512>}, {transform_indices = @transform_8, window_bounds = array<i64: 256, 1024>}]} {
    %get3A = arith.index_cast %arg0 : i32 to index
    %get3A_0 = arith.constant 2 : index
    %get3A_1 = memref.load %arg1[%get3A, %get3A_0] : memref<128x8xi32, #tpu.memory_space<smem>>
    %mul3A = arith.constant 256 : i32
    %mul3A_2 = arith.muli %get3A_1, %mul3A : i32
    %iota3A = tpu.iota {dimensions = array<i32: 0>} : vector<256x1xi32>
    %add3A = vector.broadcast %mul3A_2 : i32 to vector<256x1xi32>
    %add3A_3 = arith.addi %add3A, %iota3A : vector<256x1xi32>
    %get3A_4 = arith.index_cast %arg0 : i32 to index
    %get3A_5 = arith.constant 4 : index
    %get3A_6 = memref.load %arg1[%get3A_4, %get3A_5] : memref<128x8xi32, #tpu.memory_space<smem>>
    %ge3A = vector.broadcast %get3A_6 : i32 to vector<256x1xi32>
    %ge3A_7 = arith.cmpi sge, %add3A_3, %ge3A : vector<256x1xi32>
    %get3A_8 = arith.index_cast %arg0 : i32 to index
    %get3A_9 = arith.constant 5 : index
    %get3A_10 = memref.load %arg1[%get3A_8, %get3A_9] : memref<128x8xi32, #tpu.memory_space<smem>>
    %lt3A = vector.broadcast %get3A_10 : i32 to vector<256x1xi32>
    %lt3A_11 = arith.cmpi slt, %add3A_3, %lt3A : vector<256x1xi32>
    %and3A = arith.andi %ge3A_7, %lt3A_11 : vector<256x1xi1>
    %convert_element_type3A = arith.extui %and3A : vector<256x1xi1> to vector<256x1xi32>
    %convert_element_type3A_12 = arith.sitofp %convert_element_type3A : vector<256x1xi32> to vector<256x1xf32>
    %get3A_13 = arith.index_cast %arg0 : i32 to index
    %get3A_14 = arith.constant 7 : index
    %get3A_15 = memref.load %arg1[%get3A_13, %get3A_14] : memref<128x8xi32, #tpu.memory_space<smem>>
    %eq3A = arith.constant 0 : i32
    %eq3A_16 = arith.cmpi eq, %get3A_15, %eq3A : i32
    %convert_element_type3A_17 = arith.extui %eq3A_16 : i1 to i32
    %cond3A = arith.constant 0 : i32
    %cond3A_18 = arith.cmpi ne, %convert_element_type3A_17, %cond3A : i32
    scf.if %cond3A_18 {
      %get3A_34 = arith.constant 0 : index
      %get3A_35 = arith.constant 0 : index
      %get3A_36 = vector.load %arg10[%get3A_34, %get3A_35] : memref<256x1024xf32, #tpu.memory_space<vmem>>, vector<256x1024xf32>
      %get3A_37 = arith.constant 0 : index
      %get3A_38 = arith.constant 0 : index
      %get3A_39 = vector.load %arg2[%get3A_37, %get3A_38] : memref<256x1024xf32, #tpu.memory_space<vmem>>, vector<256x1024xf32>
      %get3A_40 = arith.constant 0 : index
      %get3A_41 = arith.constant 0 : index
      %get3A_42 = arith.constant 0 : index
      %get3A_43 = vector.load %arg4[%get3A_40, %get3A_41, %get3A_42] : memref<1x512x1024xf32, #tpu.memory_space<vmem>>, vector<1x512x1024xf32>
      %get3A_44 = vector.shape_cast %get3A_43 : vector<1x512x1024xf32> to vector<512x1024xf32>
      %get3A_45 = arith.constant 0 : index
      %get3A_46 = arith.constant 0 : index
      %get3A_47 = arith.constant 0 : index
      %get3A_48 = vector.load %arg5[%get3A_45, %get3A_46, %get3A_47] : memref<1x512x1024xf32, #tpu.memory_space<vmem>>, vector<1x512x1024xf32>
      %get3A_49 = vector.shape_cast %get3A_48 : vector<1x512x1024xf32> to vector<512x1024xf32>
      %get3A_50 = arith.constant 0 : index
      %get3A_51 = arith.constant 0 : index
      %get3A_52 = arith.constant 0 : index
      %get3A_53 = vector.load %arg6[%get3A_50, %get3A_51, %get3A_52] : memref<1x1024x512xf32, #tpu.memory_space<vmem>>, vector<1x1024x512xf32>
      %get3A_54 = vector.shape_cast %get3A_53 : vector<1x1024x512xf32> to vector<1024x512xf32>
      %dot_general3A = arith.constant dense<0.000000e+00> : vector<256x512xf32>
      %dot_general3A_55 = tpu.matmul %get3A_39, %get3A_44, %dot_general3A {dimension_numbers = #tpu.dot_dimension_numbers<[1], [1], [0], [0], [0, 0, 1, 0], [], []>, transpose_lhs_hint = false} : vector<256x1024xf32>, vector<512x1024xf32>, vector<256x512xf32> -> vector<256x512xf32>
      %dot_general3A_56 = arith.constant dense<0.000000e+00> : vector<256x512xf32>
      %dot_general3A_57 = tpu.matmul %get3A_39, %get3A_49, %dot_general3A_56 {dimension_numbers = #tpu.dot_dimension_numbers<[1], [1], [0], [0], [0, 0, 1, 0], [], []>, transpose_lhs_hint = false} : vector<256x1024xf32>, vector<512x1024xf32>, vector<256x512xf32> -> vector<256x512xf32>
      %logistic3A = arith.negf %dot_general3A_55 : vector<256x512xf32>
      %logistic3A_58 = math.exp %logistic3A : vector<256x512xf32>
      %logistic3A_59 = arith.constant 1.000000e+00 : f32
      %logistic3A_60 = vector.broadcast %logistic3A_59 : f32 to vector<256x512xf32>
      %logistic3A_61 = arith.addf %logistic3A_60, %logistic3A_58 : vector<256x512xf32>
      %logistic3A_62 = arith.divf %logistic3A_60, %logistic3A_61 : vector<256x512xf32>
      %mul3A_63 = arith.mulf %dot_general3A_55, %logistic3A_62 : vector<256x512xf32>
      %mul3A_64 = arith.mulf %mul3A_63, %dot_general3A_57 : vector<256x512xf32>
      %mul3A_65 = vector.broadcast %convert_element_type3A_12 : vector<256x1xf32> to vector<256x512xf32>
      %mul3A_66 = arith.mulf %mul3A_64, %mul3A_65 : vector<256x512xf32>
      %dot_general3A_67 = arith.constant dense<0.000000e+00> : vector<256x1024xf32>
      %dot_general3A_68 = tpu.matmul %mul3A_66, %get3A_54, %dot_general3A_67 {dimension_numbers = #tpu.dot_dimension_numbers<[1], [1], [0], [0], [0, 0, 1, 0], [], []>, transpose_lhs_hint = false} : vector<256x512xf32>, vector<1024x512xf32>, vector<256x1024xf32> -> vector<256x1024xf32>
      %add3A_69 = arith.addf %get3A_36, %dot_general3A_68 : vector<256x1024xf32>
      %swap3A = arith.constant 0 : index
      %swap3A_70 = arith.constant 0 : index
      %swap3A_71 = vector.load %arg10[%swap3A, %swap3A_70] : memref<256x1024xf32, #tpu.memory_space<vmem>>, vector<256x1024xf32>
      tpu.vector_store %arg10[%swap3A, %swap3A_70], %add3A_69 {strides = array<i32>} : memref<256x1024xf32, #tpu.memory_space<vmem>>, vector<256x1024xf32>,
    } else {
    }
    %eq3A_19 = arith.constant 1 : i32
    %eq3A_20 = arith.cmpi eq, %get3A_15, %eq3A_19 : i32
    %convert_element_type3A_21 = arith.extui %eq3A_20 : i1 to i32
    %cond3A_22 = arith.constant 0 : i32
    %cond3A_23 = arith.cmpi ne, %convert_element_type3A_21, %cond3A_22 : i32
    scf.if %cond3A_23 {
      %get3A_34 = arith.constant 0 : index
      %get3A_35 = arith.constant 0 : index
      %get3A_36 = vector.load %arg2[%get3A_34, %get3A_35] : memref<256x1024xf32, #tpu.memory_space<vmem>>, vector<256x1024xf32>
      %get3A_37 = arith.constant 0 : index
      %get3A_38 = arith.constant 0 : index
      %get3A_39 = arith.constant 0 : index
      %get3A_40 = vector.load %arg4[%get3A_37, %get3A_38, %get3A_39] : memref<1x512x1024xf32, #tpu.memory_space<vmem>>, vector<1x512x1024xf32>
      %get3A_41 = vector.shape_cast %get3A_40 : vector<1x512x1024xf32> to vector<512x1024xf32>
      %get3A_42 = arith.constant 0 : index
      %get3A_43 = arith.constant 0 : index
      %get3A_44 = arith.constant 0 : index
      %get3A_45 = vector.load %arg5[%get3A_42, %get3A_43, %get3A_44] : memref<1x512x1024xf32, #tpu.memory_space<vmem>>, vector<1x512x1024xf32>
      %get3A_46 = vector.shape_cast %get3A_45 : vector<1x512x1024xf32> to vector<512x1024xf32>
      %get3A_47 = arith.constant 0 : index
      %get3A_48 = arith.constant 0 : index
      %get3A_49 = arith.constant 0 : index
      %get3A_50 = vector.load %arg6[%get3A_47, %get3A_48, %get3A_49] : memref<1x1024x512xf32, #tpu.memory_space<vmem>>, vector<1x1024x512xf32>
      %get3A_51 = vector.shape_cast %get3A_50 : vector<1x1024x512xf32> to vector<1024x512xf32>
      %dot_general3A = arith.constant dense<0.000000e+00> : vector<256x512xf32>
      %dot_general3A_52 = tpu.matmul %get3A_36, %get3A_41, %dot_general3A {dimension_numbers = #tpu.dot_dimension_numbers<[1], [1], [0], [0], [0, 0, 1, 0], [], []>, transpose_lhs_hint = false} : vector<256x1024xf32>, vector<512x1024xf32>, vector<256x512xf32> -> vector<256x512xf32>
      %dot_general3A_53 = arith.constant dense<0.000000e+00> : vector<256x512xf32>
      %dot_general3A_54 = tpu.matmul %get3A_36, %get3A_46, %dot_general3A_53 {dimension_numbers = #tpu.dot_dimension_numbers<[1], [1], [0], [0], [0, 0, 1, 0], [], []>, transpose_lhs_hint = false} : vector<256x1024xf32>, vector<512x1024xf32>, vector<256x512xf32> -> vector<256x512xf32>
      %logistic3A = arith.negf %dot_general3A_52 : vector<256x512xf32>
      %logistic3A_55 = math.exp %logistic3A : vector<256x512xf32>
      %logistic3A_56 = arith.constant 1.000000e+00 : f32
      %logistic3A_57 = vector.broadcast %logistic3A_56 : f32 to vector<256x512xf32>
      %logistic3A_58 = arith.addf %logistic3A_57, %logistic3A_55 : vector<256x512xf32>
      %logistic3A_59 = arith.divf %logistic3A_57, %logistic3A_58 : vector<256x512xf32>
      %mul3A_60 = arith.mulf %dot_general3A_52, %logistic3A_59 : vector<256x512xf32>
      %mul3A_61 = arith.mulf %mul3A_60, %dot_general3A_54 : vector<256x512xf32>
      %mul3A_62 = vector.broadcast %convert_element_type3A_12 : vector<256x1xf32> to vector<256x512xf32>
      %mul3A_63 = arith.mulf %mul3A_61, %mul3A_62 : vector<256x512xf32>
      %dot_general3A_64 = arith.constant dense<0.000000e+00> : vector<256x1024xf32>
      %dot_general3A_65 = tpu.matmul %mul3A_63, %get3A_51, %dot_general3A_64 {dimension_numbers = #tpu.dot_dimension_numbers<[1], [1], [0], [0], [0, 0, 1, 0], [], []>, transpose_lhs_hint = false} : vector<256x512xf32>, vector<1024x512xf32>, vector<256x1024xf32> -> vector<256x1024xf32>
      %swap3A = arith.constant 0 : index
      %swap3A_66 = arith.constant 0 : index
      %swap3A_67 = vector.load %arg10[%swap3A, %swap3A_66] : memref<256x1024xf32, #tpu.memory_space<vmem>>, vector<256x1024xf32>
      tpu.vector_store %arg10[%swap3A, %swap3A_66], %dot_general3A_65 {strides = array<i32>} : memref<256x1024xf32, #tpu.memory_space<vmem>>, vector<256x1024xf32>,
    } else {
    }
    %eq3A_24 = arith.constant 2 : i32
    %eq3A_25 = arith.cmpi eq, %get3A_15, %eq3A_24 : i32
    %convert_element_type3A_26 = arith.extui %eq3A_25 : i1 to i32
    %cond3A_27 = arith.constant 0 : i32
    %cond3A_28 = arith.cmpi ne, %convert_element_type3A_26, %cond3A_27 : i32
    scf.if %cond3A_28 {
      %get3A_34 = arith.constant 0 : index
      %get3A_35 = arith.constant 0 : index
      %get3A_36 = vector.load %arg10[%get3A_34, %get3A_35] : memref<256x1024xf32, #tpu.memory_space<vmem>>, vector<256x1024xf32>
      %get3A_37 = arith.constant 0 : index
      %get3A_38 = arith.constant 0 : index
      %get3A_39 = vector.load %arg3[%get3A_37, %get3A_38] : memref<256x1024xf32, #tpu.memory_space<vmem>>, vector<256x1024xf32>
      %get3A_40 = arith.constant 0 : index
      %get3A_41 = arith.constant 0 : index
      %get3A_42 = arith.constant 0 : index
      %get3A_43 = vector.load %arg7[%get3A_40, %get3A_41, %get3A_42] : memref<2x512x1024xf32, #tpu.memory_space<vmem>>, vector<1x512x1024xf32>
      %get3A_44 = vector.shape_cast %get3A_43 : vector<1x512x1024xf32> to vector<512x1024xf32>
      %get3A_45 = arith.constant 0 : index
      %get3A_46 = arith.constant 0 : index
      %get3A_47 = arith.constant 0 : index
      %get3A_48 = vector.load %arg8[%get3A_45, %get3A_46, %get3A_47] : memref<2x512x1024xf32, #tpu.memory_space<vmem>>, vector<1x512x1024xf32>
      %get3A_49 = vector.shape_cast %get3A_48 : vector<1x512x1024xf32> to vector<512x1024xf32>
      %get3A_50 = arith.constant 0 : index
      %get3A_51 = arith.constant 0 : index
      %get3A_52 = arith.constant 0 : index
      %get3A_53 = vector.load %arg9[%get3A_50, %get3A_51, %get3A_52] : memref<2x1024x512xf32, #tpu.memory_space<vmem>>, vector<1x1024x512xf32>
      %get3A_54 = vector.shape_cast %get3A_53 : vector<1x1024x512xf32> to vector<1024x512xf32>
      %dot_general3A = arith.constant dense<0.000000e+00> : vector<256x512xf32>
      %dot_general3A_55 = tpu.matmul %get3A_39, %get3A_44, %dot_general3A {dimension_numbers = #tpu.dot_dimension_numbers<[1], [1], [0], [0], [0, 0, 1, 0], [], []>, transpose_lhs_hint = false} : vector<256x1024xf32>, vector<512x1024xf32>, vector<256x512xf32> -> vector<256x512xf32>
      %dot_general3A_56 = arith.constant dense<0.000000e+00> : vector<256x512xf32>
      %dot_general3A_57 = tpu.matmul %get3A_39, %get3A_49, %dot_general3A_56 {dimension_numbers = #tpu.dot_dimension_numbers<[1], [1], [0], [0], [0, 0, 1, 0], [], []>, transpose_lhs_hint = false} : vector<256x1024xf32>, vector<512x1024xf32>, vector<256x512xf32> -> vector<256x512xf32>
      %logistic3A = arith.negf %dot_general3A_55 : vector<256x512xf32>
      %logistic3A_58 = math.exp %logistic3A : vector<256x512xf32>
      %logistic3A_59 = arith.constant 1.000000e+00 : f32
      %logistic3A_60 = vector.broadcast %logistic3A_59 : f32 to vector<256x512xf32>
      %logistic3A_61 = arith.addf %logistic3A_60, %logistic3A_58 : vector<256x512xf32>
      %logistic3A_62 = arith.divf %logistic3A_60, %logistic3A_61 : vector<256x512xf32>
      %mul3A_63 = arith.mulf %dot_general3A_55, %logistic3A_62 : vector<256x512xf32>
      %mul3A_64 = arith.mulf %mul3A_63, %dot_general3A_57 : vector<256x512xf32>
      %mul3A_65 = vector.broadcast %convert_element_type3A_12 : vector<256x1xf32> to vector<256x512xf32>
      %mul3A_66 = arith.mulf %mul3A_64, %mul3A_65 : vector<256x512xf32>
      %dot_general3A_67 = arith.constant dense<0.000000e+00> : vector<256x1024xf32>
      %dot_general3A_68 = tpu.matmul %mul3A_66, %get3A_54, %dot_general3A_67 {dimension_numbers = #tpu.dot_dimension_numbers<[1], [1], [0], [0], [0, 0, 1, 0], [], []>, transpose_lhs_hint = false} : vector<256x512xf32>, vector<1024x512xf32>, vector<256x1024xf32> -> vector<256x1024xf32>
      %get3A_69 = arith.constant 1 : index
      %get3A_70 = arith.constant 0 : index
      %get3A_71 = arith.constant 0 : index
      %get3A_72 = vector.load %arg7[%get3A_69, %get3A_70, %get3A_71] : memref<2x512x1024xf32, #tpu.memory_space<vmem>>, vector<1x512x1024xf32>
      %get3A_73 = vector.shape_cast %get3A_72 : vector<1x512x1024xf32> to vector<512x1024xf32>
      %get3A_74 = arith.constant 1 : index
      %get3A_75 = arith.constant 0 : index
      %get3A_76 = arith.constant 0 : index
      %get3A_77 = vector.load %arg8[%get3A_74, %get3A_75, %get3A_76] : memref<2x512x1024xf32, #tpu.memory_space<vmem>>, vector<1x512x1024xf32>
      %get3A_78 = vector.shape_cast %get3A_77 : vector<1x512x1024xf32> to vector<512x1024xf32>
      %get3A_79 = arith.constant 1 : index
      %get3A_80 = arith.constant 0 : index
      %get3A_81 = arith.constant 0 : index
      %get3A_82 = vector.load %arg9[%get3A_79, %get3A_80, %get3A_81] : memref<2x1024x512xf32, #tpu.memory_space<vmem>>, vector<1x1024x512xf32>
      %get3A_83 = vector.shape_cast %get3A_82 : vector<1x1024x512xf32> to vector<1024x512xf32>
      %dot_general3A_84 = arith.constant dense<0.000000e+00> : vector<256x512xf32>
      %dot_general3A_85 = tpu.matmul %get3A_39, %get3A_73, %dot_general3A_84 {dimension_numbers = #tpu.dot_dimension_numbers<[1], [1], [0], [0], [0, 0, 1, 0], [], []>, transpose_lhs_hint = false} : vector<256x1024xf32>, vector<512x1024xf32>, vector<256x512xf32> -> vector<256x512xf32>
      %dot_general3A_86 = arith.constant dense<0.000000e+00> : vector<256x512xf32>
      %dot_general3A_87 = tpu.matmul %get3A_39, %get3A_78, %dot_general3A_86 {dimension_numbers = #tpu.dot_dimension_numbers<[1], [1], [0], [0], [0, 0, 1, 0], [], []>, transpose_lhs_hint = false} : vector<256x1024xf32>, vector<512x1024xf32>, vector<256x512xf32> -> vector<256x512xf32>
      %logistic3A_88 = arith.negf %dot_general3A_85 : vector<256x512xf32>
      %logistic3A_89 = math.exp %logistic3A_88 : vector<256x512xf32>
      %logistic3A_90 = arith.constant 1.000000e+00 : f32
      %logistic3A_91 = vector.broadcast %logistic3A_90 : f32 to vector<256x512xf32>
      %logistic3A_92 = arith.addf %logistic3A_91, %logistic3A_89 : vector<256x512xf32>
      %logistic3A_93 = arith.divf %logistic3A_91, %logistic3A_92 : vector<256x512xf32>
      %mul3A_94 = arith.mulf %dot_general3A_85, %logistic3A_93 : vector<256x512xf32>
      %mul3A_95 = arith.mulf %mul3A_94, %dot_general3A_87 : vector<256x512xf32>
      %mul3A_96 = vector.broadcast %convert_element_type3A_12 : vector<256x1xf32> to vector<256x512xf32>
      %mul3A_97 = arith.mulf %mul3A_95, %mul3A_96 : vector<256x512xf32>
      %dot_general3A_98 = arith.constant dense<0.000000e+00> : vector<256x1024xf32>
      %dot_general3A_99 = tpu.matmul %mul3A_97, %get3A_83, %dot_general3A_98 {dimension_numbers = #tpu.dot_dimension_numbers<[1], [1], [0], [0], [0, 0, 1, 0], [], []>, transpose_lhs_hint = false} : vector<256x512xf32>, vector<1024x512xf32>, vector<256x1024xf32> -> vector<256x1024xf32>
      %add3A_100 = arith.addf %dot_general3A_68, %dot_general3A_99 : vector<256x1024xf32>
      %add3A_101 = arith.addf %get3A_36, %add3A_100 : vector<256x1024xf32>
      %swap3A = arith.constant 0 : index
      %swap3A_102 = arith.constant 0 : index
      %swap3A_103 = vector.load %arg10[%swap3A, %swap3A_102] : memref<256x1024xf32, #tpu.memory_space<vmem>>, vector<256x1024xf32>
      tpu.vector_store %arg10[%swap3A, %swap3A_102], %add3A_101 {strides = array<i32>} : memref<256x1024xf32, #tpu.memory_space<vmem>>, vector<256x1024xf32>,
    } else {
    }
    %eq3A_29 = arith.constant 3 : i32
    %eq3A_30 = arith.cmpi eq, %get3A_15, %eq3A_29 : i32
    %convert_element_type3A_31 = arith.extui %eq3A_30 : i1 to i32
    %cond3A_32 = arith.constant 0 : i32
    %cond3A_33 = arith.cmpi ne, %convert_element_type3A_31, %cond3A_32 : i32
    scf.if %cond3A_33 {
      %get3A_34 = arith.constant 0 : index
      %get3A_35 = arith.constant 0 : index
      %get3A_36 = vector.load %arg3[%get3A_34, %get3A_35] : memref<256x1024xf32, #tpu.memory_space<vmem>>, vector<256x1024xf32>
      %get3A_37 = arith.constant 0 : index
      %get3A_38 = arith.constant 0 : index
      %get3A_39 = arith.constant 0 : index
      %get3A_40 = vector.load %arg7[%get3A_37, %get3A_38, %get3A_39] : memref<2x512x1024xf32, #tpu.memory_space<vmem>>, vector<1x512x1024xf32>
      %get3A_41 = vector.shape_cast %get3A_40 : vector<1x512x1024xf32> to vector<512x1024xf32>
      %get3A_42 = arith.constant 0 : index
      %get3A_43 = arith.constant 0 : index
      %get3A_44 = arith.constant 0 : index
      %get3A_45 = vector.load %arg8[%get3A_42, %get3A_43, %get3A_44] : memref<2x512x1024xf32, #tpu.memory_space<vmem>>, vector<1x512x1024xf32>
      %get3A_46 = vector.shape_cast %get3A_45 : vector<1x512x1024xf32> to vector<512x1024xf32>
      %get3A_47 = arith.constant 0 : index
      %get3A_48 = arith.constant 0 : index
      %get3A_49 = arith.constant 0 : index
      %get3A_50 = vector.load %arg9[%get3A_47, %get3A_48, %get3A_49] : memref<2x1024x512xf32, #tpu.memory_space<vmem>>, vector<1x1024x512xf32>
      %get3A_51 = vector.shape_cast %get3A_50 : vector<1x1024x512xf32> to vector<1024x512xf32>
      %dot_general3A = arith.constant dense<0.000000e+00> : vector<256x512xf32>
      %dot_general3A_52 = tpu.matmul %get3A_36, %get3A_41, %dot_general3A {dimension_numbers = #tpu.dot_dimension_numbers<[1], [1], [0], [0], [0, 0, 1, 0], [], []>, transpose_lhs_hint = false} : vector<256x1024xf32>, vector<512x1024xf32>, vector<256x512xf32> -> vector<256x512xf32>
      %dot_general3A_53 = arith.constant dense<0.000000e+00> : vector<256x512xf32>
      %dot_general3A_54 = tpu.matmul %get3A_36, %get3A_46, %dot_general3A_53 {dimension_numbers = #tpu.dot_dimension_numbers<[1], [1], [0], [0], [0, 0, 1, 0], [], []>, transpose_lhs_hint = false} : vector<256x1024xf32>, vector<512x1024xf32>, vector<256x512xf32> -> vector<256x512xf32>
      %logistic3A = arith.negf %dot_general3A_52 : vector<256x512xf32>
      %logistic3A_55 = math.exp %logistic3A : vector<256x512xf32>
      %logistic3A_56 = arith.constant 1.000000e+00 : f32
      %logistic3A_57 = vector.broadcast %logistic3A_56 : f32 to vector<256x512xf32>
      %logistic3A_58 = arith.addf %logistic3A_57, %logistic3A_55 : vector<256x512xf32>
      %logistic3A_59 = arith.divf %logistic3A_57, %logistic3A_58 : vector<256x512xf32>
      %mul3A_60 = arith.mulf %dot_general3A_52, %logistic3A_59 : vector<256x512xf32>
      %mul3A_61 = arith.mulf %mul3A_60, %dot_general3A_54 : vector<256x512xf32>
      %mul3A_62 = vector.broadcast %convert_element_type3A_12 : vector<256x1xf32> to vector<256x512xf32>
      %mul3A_63 = arith.mulf %mul3A_61, %mul3A_62 : vector<256x512xf32>
      %dot_general3A_64 = arith.constant dense<0.000000e+00> : vector<256x1024xf32>
      %dot_general3A_65 = tpu.matmul %mul3A_63, %get3A_51, %dot_general3A_64 {dimension_numbers = #tpu.dot_dimension_numbers<[1], [1], [0], [0], [0, 0, 1, 0], [], []>, transpose_lhs_hint = false} : vector<256x512xf32>, vector<1024x512xf32>, vector<256x1024xf32> -> vector<256x1024xf32>
      %get3A_66 = arith.constant 1 : index
      %get3A_67 = arith.constant 0 : index
      %get3A_68 = arith.constant 0 : index
      %get3A_69 = vector.load %arg7[%get3A_66, %get3A_67, %get3A_68] : memref<2x512x1024xf32, #tpu.memory_space<vmem>>, vector<1x512x1024xf32>
      %get3A_70 = vector.shape_cast %get3A_69 : vector<1x512x1024xf32> to vector<512x1024xf32>
      %get3A_71 = arith.constant 1 : index
      %get3A_72 = arith.constant 0 : index
      %get3A_73 = arith.constant 0 : index
      %get3A_74 = vector.load %arg8[%get3A_71, %get3A_72, %get3A_73] : memref<2x512x1024xf32, #tpu.memory_space<vmem>>, vector<1x512x1024xf32>
      %get3A_75 = vector.shape_cast %get3A_74 : vector<1x512x1024xf32> to vector<512x1024xf32>
      %get3A_76 = arith.constant 1 : index
      %get3A_77 = arith.constant 0 : index
      %get3A_78 = arith.constant 0 : index
      %get3A_79 = vector.load %arg9[%get3A_76, %get3A_77, %get3A_78] : memref<2x1024x512xf32, #tpu.memory_space<vmem>>, vector<1x1024x512xf32>
      %get3A_80 = vector.shape_cast %get3A_79 : vector<1x1024x512xf32> to vector<1024x512xf32>
      %dot_general3A_81 = arith.constant dense<0.000000e+00> : vector<256x512xf32>
      %dot_general3A_82 = tpu.matmul %get3A_36, %get3A_70, %dot_general3A_81 {dimension_numbers = #tpu.dot_dimension_numbers<[1], [1], [0], [0], [0, 0, 1, 0], [], []>, transpose_lhs_hint = false} : vector<256x1024xf32>, vector<512x1024xf32>, vector<256x512xf32> -> vector<256x512xf32>
      %dot_general3A_83 = arith.constant dense<0.000000e+00> : vector<256x512xf32>
      %dot_general3A_84 = tpu.matmul %get3A_36, %get3A_75, %dot_general3A_83 {dimension_numbers = #tpu.dot_dimension_numbers<[1], [1], [0], [0], [0, 0, 1, 0], [], []>, transpose_lhs_hint = false} : vector<256x1024xf32>, vector<512x1024xf32>, vector<256x512xf32> -> vector<256x512xf32>
      %logistic3A_85 = arith.negf %dot_general3A_82 : vector<256x512xf32>
      %logistic3A_86 = math.exp %logistic3A_85 : vector<256x512xf32>
      %logistic3A_87 = arith.constant 1.000000e+00 : f32
      %logistic3A_88 = vector.broadcast %logistic3A_87 : f32 to vector<256x512xf32>
      %logistic3A_89 = arith.addf %logistic3A_88, %logistic3A_86 : vector<256x512xf32>
      %logistic3A_90 = arith.divf %logistic3A_88, %logistic3A_89 : vector<256x512xf32>
      %mul3A_91 = arith.mulf %dot_general3A_82, %logistic3A_90 : vector<256x512xf32>
      %mul3A_92 = arith.mulf %mul3A_91, %dot_general3A_84 : vector<256x512xf32>
      %mul3A_93 = vector.broadcast %convert_element_type3A_12 : vector<256x1xf32> to vector<256x512xf32>
      %mul3A_94 = arith.mulf %mul3A_92, %mul3A_93 : vector<256x512xf32>
      %dot_general3A_95 = arith.constant dense<0.000000e+00> : vector<256x1024xf32>
      %dot_general3A_96 = tpu.matmul %mul3A_94, %get3A_80, %dot_general3A_95 {dimension_numbers = #tpu.dot_dimension_numbers<[1], [1], [0], [0], [0, 0, 1, 0], [], []>, transpose_lhs_hint = false} : vector<256x512xf32>, vector<1024x512xf32>, vector<256x1024xf32> -> vector<256x1024xf32>
      %add3A_97 = arith.addf %dot_general3A_65, %dot_general3A_96 : vector<256x1024xf32>
      %swap3A = arith.constant 0 : index
      %swap3A_98 = arith.constant 0 : index
      %swap3A_99 = vector.load %arg10[%swap3A, %swap3A_98] : memref<256x1024xf32, #tpu.memory_space<vmem>>, vector<256x1024xf32>
      tpu.vector_store %arg10[%swap3A, %swap3A_98], %add3A_97 {strides = array<i32>} : memref<256x1024xf32, #tpu.memory_space<vmem>>, vector<256x1024xf32>,
    } else {
    }
    return
  }
  func.func @transform_0(%arg0: i32, %arg1: memref<128x8xi32, #tpu.memory_space<smem>>) -> (i32, i32) {
    %get3A = arith.index_cast %arg0 : i32 to index
    %get3A_0 = arith.constant 0 : index
    %get3A_1 = memref.load %arg1[%get3A, %get3A_0] : memref<128x8xi32, #tpu.memory_space<smem>>
    %c0_i32 = arith.constant 0 : i32
    %c0_i32_2 = arith.constant 0 : i32
    return %get3A_1, %c0_i32 : i32, i32
  }
  func.func @transform_1(%arg0: i32, %arg1: memref<128x8xi32, #tpu.memory_space<smem>>) -> (i32, i32) {
    %get3A = arith.index_cast %arg0 : i32 to index
    %get3A_0 = arith.constant 1 : index
    %get3A_1 = memref.load %arg1[%get3A, %get3A_0] : memref<128x8xi32, #tpu.memory_space<smem>>
    %c0_i32 = arith.constant 0 : i32
    %c0_i32_2 = arith.constant 0 : i32
    return %get3A_1, %c0_i32 : i32, i32
  }
  func.func @transform_2(%arg0: i32, %arg1: memref<128x8xi32, #tpu.memory_space<smem>>) -> (i32, i32, i32) {
    %get3A = arith.index_cast %arg0 : i32 to index
    %get3A_0 = arith.constant 3 : index
    %get3A_1 = memref.load %arg1[%get3A, %get3A_0] : memref<128x8xi32, #tpu.memory_space<smem>>
    %c0_i32 = arith.constant 0 : i32
    %c0_i32_2 = arith.constant 0 : i32
    %c0_i32_3 = arith.constant 0 : i32
    return %get3A_1, %c0_i32, %c0_i32_2 : i32, i32, i32
  }
  func.func @transform_3(%arg0: i32, %arg1: memref<128x8xi32, #tpu.memory_space<smem>>) -> (i32, i32, i32) {
    %get3A = arith.index_cast %arg0 : i32 to index
    %get3A_0 = arith.constant 3 : index
    %get3A_1 = memref.load %arg1[%get3A, %get3A_0] : memref<128x8xi32, #tpu.memory_space<smem>>
    %c0_i32 = arith.constant 0 : i32
    %c0_i32_2 = arith.constant 0 : i32
    %c0_i32_3 = arith.constant 0 : i32
    return %get3A_1, %c0_i32, %c0_i32_2 : i32, i32, i32
  }
  func.func @transform_4(%arg0: i32, %arg1: memref<128x8xi32, #tpu.memory_space<smem>>) -> (i32, i32, i32) {
    %get3A = arith.index_cast %arg0 : i32 to index
    %get3A_0 = arith.constant 3 : index
    %get3A_1 = memref.load %arg1[%get3A, %get3A_0] : memref<128x8xi32, #tpu.memory_space<smem>>
    %c0_i32 = arith.constant 0 : i32
    %c0_i32_2 = arith.constant 0 : i32
    %c0_i32_3 = arith.constant 0 : i32
    return %get3A_1, %c0_i32, %c0_i32_2 : i32, i32, i32
  }
  func.func @transform_5(%arg0: i32, %arg1: memref<128x8xi32, #tpu.memory_space<smem>>) -> (i32, i32, i32) {
    %c0_i32 = arith.constant 0 : i32
    %c0_i32_0 = arith.constant 0 : i32
    %c0_i32_1 = arith.constant 0 : i32
    %c0_i32_2 = arith.constant 0 : i32
    return %c0_i32, %c0_i32_0, %c0_i32_1 : i32, i32, i32
  }
  func.func @transform_6(%arg0: i32, %arg1: memref<128x8xi32, #tpu.memory_space<smem>>) -> (i32, i32, i32) {
    %c0_i32 = arith.constant 0 : i32
    %c0_i32_0 = arith.constant 0 : i32
    %c0_i32_1 = arith.constant 0 : i32
    %c0_i32_2 = arith.constant 0 : i32
    return %c0_i32, %c0_i32_0, %c0_i32_1 : i32, i32, i32
  }
  func.func @transform_7(%arg0: i32, %arg1: memref<128x8xi32, #tpu.memory_space<smem>>) -> (i32, i32, i32) {
    %c0_i32 = arith.constant 0 : i32
    %c0_i32_0 = arith.constant 0 : i32
    %c0_i32_1 = arith.constant 0 : i32
    %c0_i32_2 = arith.constant 0 : i32
    return %c0_i32, %c0_i32_0, %c0_i32_1 : i32, i32, i32
  }
  func.func @transform_8(%arg0: i32, %arg1: memref<128x8xi32, #tpu.memory_space<smem>>) -> (i32, i32) {
    %get3A = arith.index_cast %arg0 : i32 to index
    %get3A_0 = arith.constant 2 : index
    %get3A_1 = memref.load %arg1[%get3A, %get3A_0] : memref<128x8xi32, #tpu.memory_space<smem>>
    %c0_i32 = arith.constant 0 : i32
    %c0_i32_2 = arith.constant 0 : i32
    return %get3A_1, %c0_i32 : i32, i32
  }
}

</mosaic_0001>

<sc_bundles>
// kernel: gather_offload_async_start.1
scs
__scs_entry_jumppad:
0x0: {  	(pc) =	sbr.rel $0x88, $3  }
0x1: {  	(tag) =	ssettag $0x0;
	lr =	simm.s32 $0x1  }
0x2: {  	[smem:$0x3F99] =	sst lr;
	_ =	strace $0xD0000000  }
0x3: {  	_ = 	snop  }
0x4: {  	_ = 	snop  }
0x5: {  	_ = 	snop  }
0x6: {  	_ = 	snop  }
0x7: {  	_ = 	snop  }
__scs_overlays_trampoline_lowered:
0x8: {  	[smem:$0x3FA8] =	sst s0  }
0x9: {  	[smem:$0x3FA9] =	sst s1  }
0xa: {  	[smem:$0x3FAA] =	sst s2  }
0xb: {  	[smem:$0x3FAB] =	sst s3  }
0xc: {  	[smem:$0x3FAC] =	sst s4  }
0xd: {  	[smem:$0x3FAD] =	sst s5  }
0xe: {  	[smem:$0x3FAE] =	sst s6  }
0xf: {  	[smem:$0x3FAF] =	sst s7  }
0x10: {  	[smem:$0x3FB0] =	sst s8  }
0x11: {  	[smem:$0x3FB1] =	sst s9;
	s0 =	simm.s32 @!p0 $0x0  }
0x12: {  	s1 =	sld [smem:$0x3F97];
	s0 =	simm.s32 @p0 $0x1  }
0x13: {  	[smem:$0x3FB2] =	sst s0;
	s0 =	simm.s32 @!p1 $0x0  }
0x14: {  	s2 =	sld [smem:$0x3F96];
	s0 =	simm.s32 @p1 $0x1  }
0x15: {  	[smem:$0x3FB3] =	sst s0;
	s0 =	simm.s32 @!p2 $0x0  }
0x16: {  	s3 =	sld [smem:$0x3FDB];
	s0 =	simm.s32 @p2 $0x1  }
0x17: {  	s4 =	simm.s32 $0x1BF5;
	[smem:$0x3FB5] =	sst s0  }
0x18: {  	s0 =	sld [smem:$0x3F98];
	_ =	swait.ge [sflag:s4], $0x0  }
0x19: {  	s7 =	sld [smem:$0x3F99]  }
0x1a: {  	s8 =	sadd.s32 $0xFFFFE003, lr  }
0x1b: {  	s9 =	sadd.s32 $0xFFFFFEF7, lr;
	s5 =	simm.s32 $0xFFFFFFFF;
	p2 =	slt.u32 s8, $0xFFFFF086  }
0x1c: {  	p1 =	slt.u32 s9, $0xF7A;
	s5 =	simm.s32 @!p2 $0x0  }
0x1d: {  	s5 =	simm.s32 @p1 $0x1;
	p0 =	seq.s32 s7, s2  }
0x1e: {  	s7 =	smul.u32 @!p0 $0xF7A, s2;
	p2 =	seq.s32 @!p0 s5, $0x0  }
0x1f: {  	s9 =	smul.u32 $0xF7A, s1;
	s8 =	simm.s32 @!p0 $0x1BF5;
	p2 =	por !p2, p0  }
0x20: {  	[sflag:s8] =	ssyncset.s32 @!p0 $0xFFFFF086;
	s6 =	sadd.s32 @!p0 s3, s7;
	s7 =	simm.s32 @!p0 $0x108  }
0x21: {  	s3 =	sadd.s32 s3, s9;
	s6 =	sadd.s32 @!p0 $0x88, s6;
	s7 =	simm.s32 @p2 $0x1082  }
0x22: {  	[simem:s7], [sflag:s8] =	dma.local @!p0 [hbm:s6], $0xF7A  }
0x23: {  	s9 =	sor.u32 $0xD0000000, s2;
	s6 =	simm.s32 $0x108;
	_ =	swait.ge @!p0 [sflag:s8], $0x0  }
0x24: {  	s3 =	sadd.s32 $0x88, s3;
	s6 =	simm.s32 @!p1 $0x1082;
	[sflag:s4] =	ssyncset.s32 $0xFFFFF086  }
0x25: {  	[simem:s6], [sflag:s4] =	dma.local [hbm:s3], $0xF7A  }
0x26: {  	[smem:$0x3F99] =	sst s1;
	(tag) =	ssettag s2;
	_ =	strace s9  }
0x27: {  	s1 =	sld [smem:$0x3FA9]  }
0x28: {  	s2 =	sld [smem:$0x3FAA]  }
0x29: {  	s4 =	sld [smem:$0x3FAC]  }
0x2a: {  	p0 =	seq.s32 s5, $0x0;
	s5 =	sld [smem:$0x3FAD]  }
0x2b: {  	s6 =	sld [smem:$0x3FAE]  }
0x2c: {  	s7 =	sld [smem:$0x3FAF]  }
0x2d: {  	s3 =	simm.s32 $0x108;
	s8 =	sld [smem:$0x3FB0]  }
0x2e: {  	s3 =	simm.s32 @!p0 $0x1082;
	s9 =	sld [smem:$0x3FB1]  }
0x2f: {  	lr =	sadd.s32 s0, s3;
	s0 =	sld [smem:$0x3FA8]  }
0x30: {  	s3 =	sld [smem:$0x3FAB]  }
0x31: {  	[smem:$0x3FB4] =	sst s10  }
0x32: {  	s10 =	sld [smem:$0x3FB2];
	_ =	sdelay $0x3  }
0x33: {  	p0 =	seq.s32 s10, $0x1;
	s10 =	sld [smem:$0x3FB4];
	_ =	sdelay $0x3  }
0x34: {  	[smem:$0x3FB4] =	sst s10  }
0x35: {  	s10 =	sld [smem:$0x3FB3];
	_ =	sdelay $0x3  }
0x36: {  	p1 =	seq.s32 s10, $0x1;
	s10 =	sld [smem:$0x3FB4];
	_ =	sdelay $0x3  }
0x37: {  	[smem:$0x3FB4] =	sst s10  }
0x38: {  	s10 =	sld [smem:$0x3FB5]  }
0x39: {  	_ = 	snop;
	(pc) =	sbr.ind lr, $3  }
0x3a: {  	_ = 	snop  }
0x3b: {  	_ = 	snop  }
0x3c: {  	p2 =	seq.s32 s10, $0x1;
	s10 =	sld [smem:$0x3FB4]  }
0x3d: {  	_ =	shalt  }
0x3e: {  	_ =	shalt  }
0x3f: {  	_ =	shalt  }
0x40: {  	_ =	shalt  }
0x41: {  	_ =	shalt  }
0x42: {  	_ =	shalt  }
0x43: {  	_ =	shalt  }
0x44: {  	_ =	shalt  }
0x45: {  	_ =	shalt  }
0x46: {  	_ =	shalt  }
0x47: {  	_ =	shalt  }
0x48: {  	_ =	shalt  }
0x49: {  	_ =	shalt  }
0x4a: {  	_ =	shalt  }
0x4b: {  	_ =	shalt  }
0x4c: {  	_ =	shalt  }
0x4d: {  	_ =	shalt  }
0x4e: {  	_ =	shalt  }
0x4f: {  	_ =	shalt  }
0x50: {  	_ =	shalt  }
0x51: {  	_ =	shalt  }
0x52: {  	_ =	shalt  }
0x53: {  	_ =	shalt  }
0x54: {  	_ =	shalt  }
0x55: {  	_ =	shalt  }
0x56: {  	_ =	shalt  }
0x57: {  	_ =	shalt  }
0x58: {  	_ =	shalt  }
0x59: {  	_ =	shalt  }
0x5a: {  	_ =	shalt  }
0x5b: {  	_ =	shalt  }
0x5c: {  	_ =	shalt  }
0x5d: {  	_ =	shalt  }
0x5e: {  	_ =	shalt  }
0x5f: {  	_ =	shalt  }
0x60: {  	_ =	shalt  }
0x61: {  	_ =	shalt  }
0x62: {  	_ =	shalt  }
0x63: {  	_ =	shalt  }
0x64: {  	_ =	shalt  }
0x65: {  	_ =	shalt  }
0x66: {  	_ =	shalt  }
0x67: {  	_ =	shalt  }
0x68: {  	_ =	shalt  }
0x69: {  	_ =	shalt  }
0x6a: {  	_ =	shalt  }
0x6b: {  	_ =	shalt  }
0x6c: {  	_ =	shalt  }
0x6d: {  	_ =	shalt  }
0x6e: {  	_ =	shalt  }
0x6f: {  	_ =	shalt  }
0x70: {  	_ =	shalt  }
0x71: {  	_ =	shalt  }
0x72: {  	_ =	shalt  }
0x73: {  	_ =	shalt  }
0x74: {  	_ =	shalt  }
0x75: {  	_ =	shalt  }
0x76: {  	_ =	shalt  }
0x77: {  	_ =	shalt  }
0x78: {  	_ =	shalt  }
0x79: {  	_ =	shalt  }
0x7a: {  	_ =	shalt  }
0x7b: {  	_ =	shalt  }
0x7c: {  	_ =	shalt  }
0x7d: {  	_ =	shalt  }
0x7e: {  	_ =	shalt  }
0x7f: {  	_ =	shalt  }
0x80: {  	_ =	shalt  }
0x81: {  	_ =	shalt  }
0x82: {  	_ =	shalt  }
0x83: {  	_ =	shalt  }
0x84: {  	_ =	shalt  }
0x85: {  	_ =	shalt  }
0x86: {  	_ =	shalt  }
0x87: {  	_ =	shalt  }
.Lfunc_end0:
.L_simem_size_0:
called_computation.1_lowered:
.L_overlay_start_0:
0x88: {  	s2 =	sld [smem:$0x3FD9]  }
0x89: {  	s3 =	sld [smem:$0x3FFE];
	_ =	sdelay $0x1  }
0x8a: {  	s1 =	srdreg.scid  }
0x8b: {  	s0 =	sand.u32 $0x1, s1  }
0x8c: {  	s16 =	sshll.u32 s0, $0xA;
	s2 =	sadd.s32 s3, s2  }
0x8d: {  	s2 =	sadd.s32 s2, s16  }
0x8e: {  	[smem:$0x3FC0] =	sst s2  }
0x8f: {  	_ = 	snop  }
0x90: {  	(tm) =	ssettm $0x1  }
0x91: {  	s17 =	sld [smem:$0x3FFB];
	_ =	sdelay $0x3  }
0x92: {  	_ =	strace s17  }
0x93: {  	s2 =	sld [smem:$0x3FFC];
	_ =	sdelay $0x3  }
0x94: {  	_ =	strace s2  }
0x95: {  	s2 =	sld [smem:$0x3FFD];
	_ =	sdelay $0x3  }
0x96: {  	_ =	strace s2  }
0x97: {  	_ =	strace $0x8FFFFFFF  }
0x98: {  	s18 =	sld [smem:$0x3FDB];
	_ =	sdelay $0x1  }
0x99: {  	s19 =	simm.s32 $_scs_section_size  }
0x9a: {  	s4 =	simm.s32 $_size__tile_overlayer_lowered;
	s5 =	simm.s32 $_tile_overlayer_lowered  }
0x9b: {  	s22 =	simm.s32 $0x1BFF;
	s21 =	sshll.u32 s5, $0x1;
	s2 =	sadd.s32 s19, s18  }
0x9c: {  	s6 =	simm.s32 $0x0;
	s20 =	sshll.u32 s4, $0x1;
	s4 =	sadd.s32 s21, s2  }
0x9d: {  	[timem:s6], [sflag:s22] =	dma.local [hbm:s4], s20  }
0x9e: {  	_ =	swait.ge [sflag:s22], s20  }
0x9f: {  	s3 =	ssub.s32 $0x0, s20;
	[sflag:s22] =	ssyncset.done $0x0  }
0xa0: {  	[sflag:s22] =	ssyncadd.s32 s3;
	_ =	sdelay $0x1  }
0xa1: {  	s23 =	simm.s32 $0x1B8B  }
0xa2: {  	_ =	swait.ge [sflag:s23], $0x1  }
0xa3: {  	[sflag:s23] =	ssyncset.done $0x0  }
0xa4: {  	s25 =	simm.s32 $0x1B8E;
	s24 =	sld [smem:$0x3FFE];
	[sflag:s23] =	ssyncadd.s32 $0xFFFFFFFF  }
0xa5: {  	s26 =	simm.s32 $execute0_lowered;
	[smem:$0x3FD2] =	sst s25  }
0xa6: {  	s4 =	sshll.u32 s26, $0x1;
	_ =	strace $0x80000049;
	[dreg:$0x1] =	wrdreg $0xFFFFFFFF  }
0xa7: {  	s28 =	simm.s32 $_size_execute0_lowered;
	s2 =	sadd.s32 s2, s4;
	[dreg:$0x0] =	wrdreg $0x0  }
0xa8: {  	s4 =	sshll.u32 s28, $0x1;
	[dreg:$0x2] =	wrdreg s2  }
0xa9: {  	[dreg:$0x3] =	wrdreg s4  }
0xaa: {  	[dreg:$0x4] =	wrdreg $0xC0  }
0xab: {  	_ =	task [dreg:s6], $0x5FFFF  }
0xac: {  	[dreg:$0x1] =	wrdreg $0xFFFFFFFF  }
0xad: {  	[dreg:$0x0] =	wrdreg $0x60  }
0xae: {  	[dreg:$0x2] =	wrdreg s24  }
0xaf: {  	[dreg:$0x3] =	wrdreg $0xA  }
0xb0: {  	_ =	task.clear_ibuf [dreg:s6], $0x4FFFF;
	_ =	strace $0x90000049  }
0xb1: {  	s29 =	simm.s32 $0xA;
	_ =	strace $0x8000004B  }
0xb2: {  	_ =	swait.ge [sflag:s29], $0x1  }
0xb3: {  	[sflag:s29] =	ssyncadd.s32 $0xFFFFFFFF  }
0xb4: {  	_ =	strace $0x9000004B  }
0xb5: {  	_ =	sfence  }
0xb6: {  	s30 =	sld [smem:$0x0];
	_ =	sdelay $0x2  }
0xb7: {  	s31 =	sshll.u32 s1, $0xD;
	s1 =	sshrl.u32 s1, $0x2  }
0xb8: {  	s3 =	sand.u32 $0x4000, s31;
	s1 =	sadd.s32 s1, s30  }
0xb9: {  	s0 =	sor.u32 s3, s0;
	s1 =	sshll.u32 s1, $0x11  }
0xba: {  	s0 =	sor.u32 s1, s0  }
0xbb: {  	s0 =	sadd.s32 $0x8F2B, s0  }
0xbc: {  	[sflag:s0] =	ssyncadd.remote.s32 $0x1  }
0xbd: {  	_ =	sfence.sel $0xFFFF  }
0xbe: {  	[dreg:$0x0] =	wrdreg $0xFFFFFFFF;
	(pc) =	sbr.abs _section_cstart, $3  }
0xbf: {  	[dreg:$0x1] =	wrdreg $0xFFFFFFFF  }
0xc0: {  	_ =	task.clear_ibuf [dreg:s6], $0x2FFFF;
	_ =	strace $0x9FFFFFFF  }
0xc1: {  	(tm) =	ssettm $0x7FFFFFFF  }
tec
execute0_lowered:
.L_overlay_start_1:
0x0: {  	(tag) =	ssettag $0x1  }
0x1: {  	s7 =	rddreg [dreg:$0x0]  }
0x2: {  	s0 =	rddreg [dreg:$0x1];
	_ =	strace $0x8000004A  }
0x3: {  	s1 =	srdreg.scid;
	s4 =	simm.s32 $0x1;
	s9 =	simm.s32 $0x3  }
0x4: {  	s11 =	simm.s32 $0x0;
	p0 =	por $0x0, $0x0;
	s5 =	sshll.u32 s1, $0x4  }
.Ltmp0:
0x5: {  	s1 =	stileid.u32;
	s5 =	sand.u32 $0x10, s5;
	(pc) =	sbr.rel .LBB2_1-.Ltmp0, $4  }
0x6: {  	s2 =	sadd.s32 $0x111E00, s7;
	s3 =	sadd.s32 $0x111A00, s7;
	s6 =	sor.u32 s1, s5  }
0x7: {  	[sflag:s4] =	ssyncpa.u1 $0x0;
	s5 =	simm.s32 $0x2;
	s6 =	sshll.u32 s6, $0x7  }
0x8: {  	s7 =	sadd.s32 $0x11A00, s7;
	[sflag:s5] =	ssyncpa.u1 $0x0;
	s8 =	sadd.s32 $0x80, s6  }
0x9: {  	vm0 =	vmmov $0xff;
	vm1 =	vcmask $0x3F20;
	[sflag:s9] =	ssyncpa.u1 $0x0;
	s10 =	smov.u32 s6;
	s9 =	simm.s32 $0x0  }
.LBB2_9:
0xa: {  	p1 =	slt.u32 s9, $0x2;
	s11 =	sadd.s32 $0x20, s10  }
0xb: {  	s13 =	smov.u32 s6;
	s9 =	sadd.s32 $0x1, s9;
	p2 =	slt.s32 s11, s8  }
0xc: {  	s13 =	smov.u32 @p2 s11;
	p2 =	sne.s32 s9, $0x6  }
.Ltmp1:
0xd: {  	_ = 	snop;
	(pc) =	sbr.rel @!p2 .LBB2_10-.Ltmp1, $4  }
0xe: {  	s12 =	simm.s32 @!p1 $0x3  }
0xf: {  	_ =	swait.ge @!p1 [sflag:s12], $0x8000  }
0x10: {  	p0 =	por !p0, !p0;
	[sflag:s12] =	ssyncset.done @!p1 $0x0  }
0x11: {  	s11 =	smov.u32 s10;
	s10 =	smov.u32 s13;
	[sflag:s12] =	ssyncadd.s32 @!p1 $0xFFFF8000  }
.LBB2_1:
0x12: {  	p1 =	sgt.u32 s9, $0x3  }
0x13: {  	s12 =	sxor.u32 @!p1 $0xFFFFFFFF, s9  }
0x14: {  	s13 =	sshrl.u32 @!p1 s10, $0x3;
	s12 =	sshll.u32 @!p1 s12, $0x5  }
0x15: {  	s14 =	sand.u32 @!p1 $0x7, s10;
	s13 =	sadd.s32 @!p1 s3, s13;
	s12 =	sand.u32 @!p1 $0x20, s12  }
0x16: {  	[tilespmem:s12], [sflag:$0x2] =	stream.linear.gather @!p1 [hbm4b:s13+s14], $0x20, $0x38;
	[tilespmem:$0x10040] =	vst v63  }
0x17: {  	p1 =	seq.s32 s9, $0x0  }
0x18: {  	p2 =	seq.s32 @!p1 s9, $0x5  }
0x19: {  	p1 =	por p1, p2  }
.Ltmp2:
0x1a: {  	_ = 	snop;
	(pc) =	sbr.rel @p1 .LBB2_9-.Ltmp2, $1  }
0x1b: {  	_ =	sdelay $0x3  }
0x1c: {  	s12 =	simm.s32 $0x1  }
0x1d: {  	_ =	swait.ge [sflag:s5], $0x20;
	s13 =	sand.u32 $0x1, s9;
	s12 =	simm.s32 @!p0 $0x0  }
0x1e: {  	s15 =	simm.s32 $0x0;
	p2 =	por $0x1, $0x1;
	s12 =	sshll.u32 s12, $0x11  }
0x1f: {  	[sflag:s5] =	ssyncset.done $0x0;
	s13 =	sshll.u32 s13, $0x5;
	s14 =	sshrl.u32 s12, $0x2  }
0x20: {  	[sflag:s5] =	ssyncadd.s32 $0xFFFFFFE0;
	s12 =	sor.u32 $0x40, s14;
	s14 =	sadd.s32 $0x40, s14  }
.LBB2_3:
0x21: {  	s16 =	sshll.u32 s15, $0x4  }
0x22: {  	s16 =	sand.u32 $0x3FFFFFF0, s16  }
0x23: {  	s16 =	sadd.s32 s16, s13  }
0x24: {  	v0 =	vld.msk [tilespmem:s16+$0x0 ss:$0x1], $0xffff;
	_ =	sdelay $0x4  }
0x25: {  	vm2 =	vgt.s32 v0, $0x0  }
0x26: {  	v0 =	vnsel vm2, $0x0, v0  }
0x27: {  	v0 =	vmin.u32 v0, $0x2FFF  }
0x28: {  	v1 =	vshll.u32 v0, $0x7;
	v0 =	vshll.u32 v0, $0x4  }
0x29: {  	v1 =	vand.u32 $0x1FFC00, v1;
	v0 =	vand.u32 $0x70, v0  }
0x2a: {  	v0 =	vor.u32 v0, v1  }
0x2b: {  	s31 =	sshll.u32 s15, $0x10  }
0x2c: {  	s15 =	sshra.s32 s31, $0x2  }
0x2d: {  	s15 =	sadd.s32 s15, s14  }
0x2e: {  	s17 =	sadd.s32 $0x0, s15  }
0x2f: {  	[tilespmem:s17], [sflag:$0x1] =	stream.indirect_vreg.gather [hbm:s2], $0x80, v0, vm0, $0x38;
	[tilespmem:$0x10040] =	vst v63  }
0x30: {  	p1 =	por p2, p2;
	s16 =	simm.s32 $0x1000;
	v1 =	vadd.s32 $0x80, v0;
	s17 =	sadd.s32 $0x2000, s17  }
.LBB2_4:
0x31: {  	[tilespmem:s17], [sflag:$0x1] =	stream.indirect_vreg.gather [hbm:s2], $0x80, v0, vm1, $0x38;
	[tilespmem:$0x10040] =	vst v63  }
0x32: {  	v0 =	vmov v1;
	s17 =	smov.u32 s16;
	p2 =	sne.s32 s16, $0x7000  }
.Ltmp3:
0x33: {  	s16 =	sadd.s32 $0x1000, s16;
	(pc) =	sbr.rel @p2 .LBB2_4-.Ltmp3, $4  }
0x34: {  	s17 =	sshra.s32 s17, $0x2  }
0x35: {  	s17 =	sadd.s32 s17, s15  }
0x36: {  	[tilespmem:s17], [sflag:$0x1] =	stream.indirect_vreg.gather [hbm:s2], $0x80, v1, vm0, $0x38;
	[tilespmem:$0x10040] =	vst v63  }
0x37: {  	s17 =	sadd.s32 $0x2000, s17;
	v1 =	vadd.s32 $0x80, v1  }
0x38: {  	_ = 	snop  }
.Ltmp4:
0x39: {  	_ = 	snop;
	(pc) =	sbr.rel @p1 .LBB2_3-.Ltmp4, $3  }
0x3a: {  	_ =	sdelay $0x1  }
0x3b: {  	[tilespmem:s17], [sflag:$0x1] =	stream.indirect_vreg.gather [hbm:s2], $0x80, v0, vm1, $0x38;
	[tilespmem:$0x10040] =	vst v63  }
0x3c: {  	s15 =	simm.s32 $0x1;
	p2 =	por $0x0, $0x0  }
0x3d: {  	s13 =	sshll.u32 s11, $0x7  }
0x3e: {  	s31 =	sshll.u32 s11, $0x4;
	s13 =	sand.u32 $0xFFFFFC00, s13  }
0x3f: {  	_ =	swait.ge [sflag:s4], $0x8000;
	s11 =	sand.u32 $0x70, s31;
	s13 =	sadd.s32 s13, s7  }
0x40: {  	s14 =	sadd.s32 $0x2000, s12;
	[sflag:s4] =	ssyncset.done $0x0;
	s11 =	sadd.s32 s11, s13  }
0x41: {  	[sflag:s4] =	ssyncadd.s32 $0xFFFF8000;
	s13 =	simm.s32 $0x400;
	s15 =	sadd.s32 $0x0, s11  }
.LBB2_7:
0x42: {  	[hbm:s15] =	stream.linear.scatter [tilespmem:s12], [sflag:$0x3], $0x2000, $0x38;
	[tilespmem:$0x10040] =	vst v63  }
0x43: {  	s15 =	smov.u32 s13;
	s12 =	smov.u32 s14;
	p1 =	sne.s32 s13, $0xC00  }
.Ltmp5:
0x44: {  	s13 =	sadd.s32 $0x400, s13;
	(pc) =	sbr.rel @p1 .LBB2_7-.Ltmp5, $2  }
0x45: {  	_ =	sdelay $0x2  }
0x46: {  	s14 =	sadd.s32 $0x2000, s14;
	s15 =	sadd.s32 s15, s11  }
.Ltmp6:
0x47: {  	(pc) =	sbr.rel .LBB2_9-.Ltmp6, $2  }
0x48: {  	_ =	sdelay $0x2  }
0x49: {  	[hbm:s15] =	stream.linear.scatter [tilespmem:s12], [sflag:$0x3], $0x2000, $0x38;
	[tilespmem:$0x10040] =	vst v63  }
.LBB2_10:
0x4a: {  	_ =	sfence.sel $0x180000  }
0x4b: {  	s2 =	simm.s32 $0x2;
	[bflag:$0x0] =	sbarrier.arrive $0xFFFF  }
0x4c: {  	s30 =	simm.s32 $0x3;
	[sflag:s2] =	ssyncpa.u1 $0x1  }
0x4d: {  	s31 =	simm.s32 $0x1;
	[sflag:s30] =	ssyncpa.u1 $0x1  }
0x4e: {  	[sflag:s31] =	ssyncpa.u1 $0x1  }
0x4f: {  	p0 =	sne.s32 s1, $0x0;
	_ =	strace $0x9000004A  }
0x50: {  	s0 =	sadd.s32 @!p0 $0x100000, s0;
	[bflag:$0x2] =	sbarrier.arrive $0xFFFF  }
0x51: {  	[sflag:s0] =	ssyncadd.tile.s32 @!p0 $0x1;
	_ =	shalt  }
.Lfunc_end2:
_tile_overlayer_lowered:
.L_overlay_start_2:
0x52: {  	(tag) =	ssettag $0x2  }
0x53: {  	s0 =	rddreg [dreg:$0x0];
	s2 =	stileid.u32  }
0x54: {  	s1 =	rddreg [dreg:$0x1];
	p0 =	sne.s32 s2, $0x0  }
0x55: {  	s3 =	rddreg [dreg:$0x2];
	[bflag:$0x3] =	sbarrier.arrive $0xFFFF;
	s2 =	simm.s32 @!p0 $0x1C01  }
0x56: {  	[timem:s3], [sflag:s2] =	dma.local @!p0 [hbm:s0], s1  }
0x57: {  	s0 =	simm.s32 @!p0 $0x1  }
0x58: {  	_ =	swait.ge @!p0 [sflag:s0], s1  }
0x59: {  	s1 =	ssub.s32 @!p0 $0x0, s1;
	[sflag:s0] =	ssyncset.done @!p0 $0x0  }
0x5a: {  	[sflag:s0] =	ssyncadd.s32 @!p0 s1  }
0x5b: {  	[bflag:$0x3] =	sbarrier.arrive $0xFFFF  }
0x5c: {  	_ =	shalt  }

// kernel: gather_offload_async_start
scs
__scs_entry_jumppad:
0x0: {  	(pc) =	sbr.rel $0x88, $3  }
0x1: {  	(tag) =	ssettag $0x0;
	lr =	simm.s32 $0x1  }
0x2: {  	[smem:$0x3F99] =	sst lr;
	_ =	strace $0xD0000000  }
0x3: {  	_ = 	snop  }
0x4: {  	_ = 	snop  }
0x5: {  	_ = 	snop  }
0x6: {  	_ = 	snop  }
0x7: {  	_ = 	snop  }
__scs_overlays_trampoline_lowered:
0x8: {  	[smem:$0x3FA8] =	sst s0  }
0x9: {  	[smem:$0x3FA9] =	sst s1  }
0xa: {  	[smem:$0x3FAA] =	sst s2  }
0xb: {  	[smem:$0x3FAB] =	sst s3  }
0xc: {  	[smem:$0x3FAC] =	sst s4  }
0xd: {  	[smem:$0x3FAD] =	sst s5  }
0xe: {  	[smem:$0x3FAE] =	sst s6  }
0xf: {  	[smem:$0x3FAF] =	sst s7  }
0x10: {  	[smem:$0x3FB0] =	sst s8  }
0x11: {  	[smem:$0x3FB1] =	sst s9;
	s0 =	simm.s32 @!p0 $0x0  }
0x12: {  	s1 =	sld [smem:$0x3F97];
	s0 =	simm.s32 @p0 $0x1  }
0x13: {  	[smem:$0x3FB2] =	sst s0;
	s0 =	simm.s32 @!p1 $0x0  }
0x14: {  	s2 =	sld [smem:$0x3F96];
	s0 =	simm.s32 @p1 $0x1  }
0x15: {  	[smem:$0x3FB3] =	sst s0;
	s0 =	simm.s32 @!p2 $0x0  }
0x16: {  	s3 =	sld [smem:$0x3FDB];
	s0 =	simm.s32 @p2 $0x1  }
0x17: {  	s4 =	simm.s32 $0x1BF5;
	[smem:$0x3FB5] =	sst s0  }
0x18: {  	s0 =	sld [smem:$0x3F98];
	_ =	swait.ge [sflag:s4], $0x0  }
0x19: {  	s7 =	sld [smem:$0x3F99]  }
0x1a: {  	s8 =	sadd.s32 $0xFFFFE003, lr  }
0x1b: {  	s9 =	sadd.s32 $0xFFFFFEF7, lr;
	s5 =	simm.s32 $0xFFFFFFFF;
	p2 =	slt.u32 s8, $0xFFFFF086  }
0x1c: {  	p1 =	slt.u32 s9, $0xF7A;
	s5 =	simm.s32 @!p2 $0x0  }
0x1d: {  	s5 =	simm.s32 @p1 $0x1;
	p0 =	seq.s32 s7, s2  }
0x1e: {  	s7 =	smul.u32 @!p0 $0xF7A, s2;
	p2 =	seq.s32 @!p0 s5, $0x0  }
0x1f: {  	s9 =	smul.u32 $0xF7A, s1;
	s8 =	simm.s32 @!p0 $0x1BF5;
	p2 =	por !p2, p0  }
0x20: {  	[sflag:s8] =	ssyncset.s32 @!p0 $0xFFFFF086;
	s6 =	sadd.s32 @!p0 s3, s7;
	s7 =	simm.s32 @!p0 $0x108  }
0x21: {  	s3 =	sadd.s32 s3, s9;
	s6 =	sadd.s32 @!p0 $0x88, s6;
	s7 =	simm.s32 @p2 $0x1082  }
0x22: {  	[simem:s7], [sflag:s8] =	dma.local @!p0 [hbm:s6], $0xF7A  }
0x23: {  	s9 =	sor.u32 $0xD0000000, s2;
	s6 =	simm.s32 $0x108;
	_ =	swait.ge @!p0 [sflag:s8], $0x0  }
0x24: {  	s3 =	sadd.s32 $0x88, s3;
	s6 =	simm.s32 @!p1 $0x1082;
	[sflag:s4] =	ssyncset.s32 $0xFFFFF086  }
0x25: {  	[simem:s6], [sflag:s4] =	dma.local [hbm:s3], $0xF7A  }
0x26: {  	[smem:$0x3F99] =	sst s1;
	(tag) =	ssettag s2;
	_ =	strace s9  }
0x27: {  	s1 =	sld [smem:$0x3FA9]  }
0x28: {  	s2 =	sld [smem:$0x3FAA]  }
0x29: {  	s4 =	sld [smem:$0x3FAC]  }
0x2a: {  	p0 =	seq.s32 s5, $0x0;
	s5 =	sld [smem:$0x3FAD]  }
0x2b: {  	s6 =	sld [smem:$0x3FAE]  }
0x2c: {  	s7 =	sld [smem:$0x3FAF]  }
0x2d: {  	s3 =	simm.s32 $0x108;
	s8 =	sld [smem:$0x3FB0]  }
0x2e: {  	s3 =	simm.s32 @!p0 $0x1082;
	s9 =	sld [smem:$0x3FB1]  }
0x2f: {  	lr =	sadd.s32 s0, s3;
	s0 =	sld [smem:$0x3FA8]  }
0x30: {  	s3 =	sld [smem:$0x3FAB]  }
0x31: {  	[smem:$0x3FB4] =	sst s10  }
0x32: {  	s10 =	sld [smem:$0x3FB2];
	_ =	sdelay $0x3  }
0x33: {  	p0 =	seq.s32 s10, $0x1;
	s10 =	sld [smem:$0x3FB4];
	_ =	sdelay $0x3  }
0x34: {  	[smem:$0x3FB4] =	sst s10  }
0x35: {  	s10 =	sld [smem:$0x3FB3];
	_ =	sdelay $0x3  }
0x36: {  	p1 =	seq.s32 s10, $0x1;
	s10 =	sld [smem:$0x3FB4];
	_ =	sdelay $0x3  }
0x37: {  	[smem:$0x3FB4] =	sst s10  }
0x38: {  	s10 =	sld [smem:$0x3FB5]  }
0x39: {  	_ = 	snop;
	(pc) =	sbr.ind lr, $3  }
0x3a: {  	_ = 	snop  }
0x3b: {  	_ = 	snop  }
0x3c: {  	p2 =	seq.s32 s10, $0x1;
	s10 =	sld [smem:$0x3FB4]  }
0x3d: {  	_ =	shalt  }
0x3e: {  	_ =	shalt  }
0x3f: {  	_ =	shalt  }
0x40: {  	_ =	shalt  }
0x41: {  	_ =	shalt  }
0x42: {  	_ =	shalt  }
0x43: {  	_ =	shalt  }
0x44: {  	_ =	shalt  }
0x45: {  	_ =	shalt  }
0x46: {  	_ =	shalt  }
0x47: {  	_ =	shalt  }
0x48: {  	_ =	shalt  }
0x49: {  	_ =	shalt  }
0x4a: {  	_ =	shalt  }
0x4b: {  	_ =	shalt  }
0x4c: {  	_ =	shalt  }
0x4d: {  	_ =	shalt  }
0x4e: {  	_ =	shalt  }
0x4f: {  	_ =	shalt  }
0x50: {  	_ =	shalt  }
0x51: {  	_ =	shalt  }
0x52: {  	_ =	shalt  }
0x53: {  	_ =	shalt  }
0x54: {  	_ =	shalt  }
0x55: {  	_ =	shalt  }
0x56: {  	_ =	shalt  }
0x57: {  	_ =	shalt  }
0x58: {  	_ =	shalt  }
0x59: {  	_ =	shalt  }
0x5a: {  	_ =	shalt  }
0x5b: {  	_ =	shalt  }
0x5c: {  	_ =	shalt  }
0x5d: {  	_ =	shalt  }
0x5e: {  	_ =	shalt  }
0x5f: {  	_ =	shalt  }
0x60: {  	_ =	shalt  }
0x61: {  	_ =	shalt  }
0x62: {  	_ =	shalt  }
0x63: {  	_ =	shalt  }
0x64: {  	_ =	shalt  }
0x65: {  	_ =	shalt  }
0x66: {  	_ =	shalt  }
0x67: {  	_ =	shalt  }
0x68: {  	_ =	shalt  }
0x69: {  	_ =	shalt  }
0x6a: {  	_ =	shalt  }
0x6b: {  	_ =	shalt  }
0x6c: {  	_ =	shalt  }
0x6d: {  	_ =	shalt  }
0x6e: {  	_ =	shalt  }
0x6f: {  	_ =	shalt  }
0x70: {  	_ =	shalt  }
0x71: {  	_ =	shalt  }
0x72: {  	_ =	shalt  }
0x73: {  	_ =	shalt  }
0x74: {  	_ =	shalt  }
0x75: {  	_ =	shalt  }
0x76: {  	_ =	shalt  }
0x77: {  	_ =	shalt  }
0x78: {  	_ =	shalt  }
0x79: {  	_ =	shalt  }
0x7a: {  	_ =	shalt  }
0x7b: {  	_ =	shalt  }
0x7c: {  	_ =	shalt  }
0x7d: {  	_ =	shalt  }
0x7e: {  	_ =	shalt  }
0x7f: {  	_ =	shalt  }
0x80: {  	_ =	shalt  }
0x81: {  	_ =	shalt  }
0x82: {  	_ =	shalt  }
0x83: {  	_ =	shalt  }
0x84: {  	_ =	shalt  }
0x85: {  	_ =	shalt  }
0x86: {  	_ =	shalt  }
0x87: {  	_ =	shalt  }
.Lfunc_end0:
.L_simem_size_0:
called_computation_lowered:
.L_overlay_start_0:
0x88: {  	s2 =	sld [smem:$0x3FD9]  }
0x89: {  	s3 =	sld [smem:$0x3FFE];
	_ =	sdelay $0x1  }
0x8a: {  	s1 =	srdreg.scid  }
0x8b: {  	s0 =	sand.u32 $0x1, s1  }
0x8c: {  	s17 =	sshll.u32 s0, $0xA;
	s2 =	sadd.s32 s3, s2  }
0x8d: {  	s2 =	sadd.s32 s2, s17  }
0x8e: {  	[smem:$0x3FC0] =	sst s2  }
0x8f: {  	_ = 	snop  }
0x90: {  	s18 =	sld [smem:$0x3FD0];
	(tm) =	ssettm $0x1  }
0x91: {  	s19 =	sld [smem:$0x3FFB];
	_ =	sdelay $0x3  }
0x92: {  	_ =	strace s19  }
0x93: {  	s2 =	sld [smem:$0x3FFC];
	_ =	sdelay $0x3  }
0x94: {  	_ =	strace s2  }
0x95: {  	s2 =	sld [smem:$0x3FFD];
	_ =	sdelay $0x3  }
0x96: {  	_ =	strace s2  }
0x97: {  	_ =	strace $0x8FFFFFFF  }
0x98: {  	s20 =	sld [smem:$0x3FDB];
	_ =	sdelay $0x1  }
0x99: {  	s4 =	simm.s32 $_scs_section_size  }
0x9a: {  	s5 =	simm.s32 $_size__tile_overlayer_lowered;
	s6 =	simm.s32 $_tile_overlayer_lowered  }
0x9b: {  	s7 =	simm.s32 $0x1BFF;
	s21 =	sshll.u32 s6, $0x1;
	s4 =	sadd.s32 s4, s20  }
0x9c: {  	s22 =	simm.s32 $0x0;
	s5 =	sshll.u32 s5, $0x1;
	s6 =	sadd.s32 s21, s4  }
0x9d: {  	[timem:s22], [sflag:s7] =	dma.local [hbm:s6], s5  }
0x9e: {  	_ =	swait.ge [sflag:s7], s5  }
0x9f: {  	s5 =	ssub.s32 $0x0, s5;
	[sflag:s7] =	ssyncset.done $0x0  }
0xa0: {  	[sflag:s7] =	ssyncadd.s32 s5;
	_ =	sdelay $0x1  }
0xa1: {  	s23 =	simm.s32 $0x1B8B  }
0xa2: {  	_ =	swait.ge [sflag:s23], $0x1  }
0xa3: {  	[sflag:s23] =	ssyncset.done $0x0  }
0xa4: {  	[sflag:s23] =	ssyncadd.s32 $0xFFFFFFFF  }
0xa5: {  	s5 =	sld [smem:$0x0]  }
0xa6: {  	s6 =	sand.u32 $0xFFFFFFFE, s1  }
0xa7: {  	p0 =	sne.s32 s1, s6  }
0xa8: {  	s6 =	sshll.u32 @p0 s6, $0xE  }
0xa9: {  	s6 =	sadd.s32 @p0 $0x11B8D, s6;
	s7 =	sshll.u32 @p0 s5, $0x11  }
0xaa: {  	s6 =	sor.u32 @p0 s7, s6  }
0xab: {  	[sflag:s6] =	ssyncadd.remote.s32 @p0 $0x1;
	_ =	sdelay $0x1  }
0xac: {  	s6 =	simm.s32 @p0 $0x1B8D  }
0xad: {  	_ =	swait.eq @p0 [sflag:s6], $0x1  }
0xae: {  	[sflag:s6] =	ssyncadd.s32 @p0 $0xFFFFFFFF  }
0xaf: {  	s7 =	sshll.u32 @!p0 s1, $0xE  }
0xb0: {  	s7 =	sor.u32 @!p0 $0x4000, s7;
	s6 =	simm.s32 @!p0 $0x1B8D  }
0xb1: {  	s5 =	sshll.u32 @!p0 s5, $0x11;
	s7 =	sadd.s32 @!p0 $0x11B8D, s7;
	_ =	swait.eq @!p0 [sflag:s6], $0x1  }
0xb2: {  	s5 =	sor.u32 @!p0 s5, s7;
	[sflag:s6] =	ssyncadd.s32 @!p0 $0xFFFFFFFF  }
0xb3: {  	s25 =	simm.s32 $0x1B8E;
	s24 =	sld [smem:$0x3FFE];
	[sflag:s5] =	ssyncadd.remote.s32 @!p0 $0x1  }
0xb4: {  	s26 =	simm.s32 $execute0_lowered;
	[smem:$0x3FD2] =	sst s25  }
0xb5: {  	s6 =	sshll.u32 s26, $0x1;
	_ =	strace $0x8000004C;
	[dreg:$0x1] =	wrdreg $0xFFFFFFFF  }
0xb6: {  	s28 =	simm.s32 $_size_execute0_lowered;
	s4 =	sadd.s32 s4, s6;
	[dreg:$0x0] =	wrdreg $0x0  }
0xb7: {  	s6 =	sshll.u32 s28, $0x1;
	[dreg:$0x2] =	wrdreg s4  }
0xb8: {  	[dreg:$0x3] =	wrdreg s6  }
0xb9: {  	[dreg:$0x4] =	wrdreg $0xC0  }
0xba: {  	_ =	task [dreg:s22], $0x5FFFF  }
0xbb: {  	[dreg:$0x1] =	wrdreg $0xFFFFFFFF  }
0xbc: {  	[dreg:$0x0] =	wrdreg $0x60  }
0xbd: {  	[dreg:$0x2] =	wrdreg s24  }
0xbe: {  	[dreg:$0x3] =	wrdreg s18  }
0xbf: {  	[dreg:$0x4] =	wrdreg $0x9  }
0xc0: {  	_ =	task.clear_ibuf [dreg:s22], $0x5FFFF;
	_ =	strace $0x9000004C  }
0xc1: {  	s29 =	simm.s32 $0x9;
	_ =	strace $0x8000004E  }
0xc2: {  	_ =	swait.ge [sflag:s29], $0x1  }
0xc3: {  	[sflag:s29] =	ssyncadd.s32 $0xFFFFFFFF  }
0xc4: {  	_ =	strace $0x9000004E  }
0xc5: {  	_ =	sfence  }
0xc6: {  	s30 =	sld [smem:$0x0];
	_ =	sdelay $0x2  }
0xc7: {  	s31 =	sshll.u32 s1, $0xD;
	s1 =	sshrl.u32 s1, $0x2  }
0xc8: {  	s4 =	sand.u32 $0x4000, s31;
	s1 =	sadd.s32 s1, s30  }
0xc9: {  	s0 =	sor.u32 s4, s0;
	s1 =	sshll.u32 s1, $0x11  }
0xca: {  	s0 =	sor.u32 s1, s0  }
0xcb: {  	s0 =	sadd.s32 $0x8F2B, s0  }
0xcc: {  	[sflag:s0] =	ssyncadd.remote.s32 $0x1  }
0xcd: {  	_ =	sfence.sel $0xFFFF  }
0xce: {  	[dreg:$0x0] =	wrdreg $0xFFFFFFFF;
	(pc) =	sbr.abs _section_cstart, $3  }
0xcf: {  	[dreg:$0x1] =	wrdreg $0xFFFFFFFF  }
0xd0: {  	_ =	task.clear_ibuf [dreg:s22], $0x2FFFF;
	_ =	strace $0x9FFFFFFF  }
0xd1: {  	(tm) =	ssettm $0x7FFFFFFF  }
tec
execute0_lowered:
.L_overlay_start_1:
0x0: {  	(tag) =	ssettag $0x1  }
0x1: {  	s7 =	rddreg [dreg:$0x0]  }
0x2: {  	s2 =	rddreg [dreg:$0x1]  }
0x3: {  	s0 =	rddreg [dreg:$0x2]  }
0x4: {  	s1 =	srdreg.scid;
	_ =	strace $0x8000004D;
	s4 =	simm.s32 $0x1  }
0x5: {  	s9 =	simm.s32 $0x3;
	s11 =	simm.s32 $0x0;
	s5 =	sshll.u32 s1, $0x4  }
.Ltmp0:
0x6: {  	s1 =	stileid.u32;
	s5 =	sand.u32 $0x10, s5;
	(pc) =	sbr.rel .LBB2_1-.Ltmp0, $4  }
0x7: {  	p0 =	por $0x0, $0x0;
	s3 =	sadd.s32 $0x111E00, s7;
	s6 =	sor.u32 s1, s5  }
0x8: {  	[sflag:s4] =	ssyncpa.u1 $0x0;
	s5 =	simm.s32 $0x2;
	s6 =	sshll.u32 s6, $0x7  }
0x9: {  	s7 =	sadd.s32 $0x111C00, s7;
	[sflag:s5] =	ssyncpa.u1 $0x0;
	s8 =	sadd.s32 $0x80, s6  }
0xa: {  	vm0 =	vmmov $0xff;
	vm1 =	vcmask $0x3F20;
	[sflag:s9] =	ssyncpa.u1 $0x0;
	s10 =	smov.u32 s6;
	s9 =	simm.s32 $0x0  }
.LBB2_9:
0xb: {  	p1 =	slt.u32 s9, $0x2;
	s11 =	sadd.s32 $0x20, s10  }
0xc: {  	s13 =	smov.u32 s6;
	s9 =	sadd.s32 $0x1, s9;
	p2 =	slt.s32 s11, s8  }
0xd: {  	s13 =	smov.u32 @p2 s11;
	p2 =	sne.s32 s9, $0x6  }
.Ltmp1:
0xe: {  	_ = 	snop;
	(pc) =	sbr.rel @!p2 .LBB2_10-.Ltmp1, $4  }
0xf: {  	s12 =	simm.s32 @!p1 $0x3  }
0x10: {  	_ =	swait.ge @!p1 [sflag:s12], $0x8000  }
0x11: {  	p0 =	por !p0, !p0;
	[sflag:s12] =	ssyncset.done @!p1 $0x0  }
0x12: {  	s11 =	smov.u32 s10;
	s10 =	smov.u32 s13;
	[sflag:s12] =	ssyncadd.s32 @!p1 $0xFFFF8000  }
.LBB2_1:
0x13: {  	p1 =	sgt.u32 s9, $0x3  }
0x14: {  	s12 =	sxor.u32 @!p1 $0xFFFFFFFF, s9  }
0x15: {  	s13 =	sshrl.u32 @!p1 s10, $0x3;
	s12 =	sshll.u32 @!p1 s12, $0x5  }
0x16: {  	s14 =	sand.u32 @!p1 $0x7, s10;
	s13 =	sadd.s32 @!p1 s7, s13;
	s12 =	sand.u32 @!p1 $0x20, s12  }
0x17: {  	[tilespmem:s12], [sflag:$0x2] =	stream.linear.gather @!p1 [hbm4b:s13+s14], $0x20, $0x38;
	[tilespmem:$0x10040] =	vst v63  }
0x18: {  	p1 =	seq.s32 s9, $0x0  }
0x19: {  	p2 =	seq.s32 @!p1 s9, $0x5  }
0x1a: {  	p1 =	por p1, p2  }
.Ltmp2:
0x1b: {  	_ = 	snop;
	(pc) =	sbr.rel @p1 .LBB2_9-.Ltmp2, $1  }
0x1c: {  	_ =	sdelay $0x3  }
0x1d: {  	s12 =	simm.s32 $0x1  }
0x1e: {  	_ =	swait.ge [sflag:s5], $0x20;
	s13 =	sand.u32 $0x1, s9;
	s12 =	simm.s32 @!p0 $0x0  }
0x1f: {  	s15 =	simm.s32 $0x0;
	p2 =	por $0x1, $0x1;
	s12 =	sshll.u32 s12, $0x11  }
0x20: {  	[sflag:s5] =	ssyncset.done $0x0;
	s13 =	sshll.u32 s13, $0x5;
	s14 =	sshrl.u32 s12, $0x2  }
0x21: {  	[sflag:s5] =	ssyncadd.s32 $0xFFFFFFE0;
	s12 =	sor.u32 $0x40, s14;
	s14 =	sadd.s32 $0x40, s14  }
.LBB2_3:
0x22: {  	s16 =	sshll.u32 s15, $0x4  }
0x23: {  	s16 =	sand.u32 $0x3FFFFFF0, s16  }
0x24: {  	s16 =	sadd.s32 s16, s13  }
0x25: {  	v0 =	vld.msk [tilespmem:s16+$0x0 ss:$0x1], $0xffff;
	_ =	sdelay $0x4  }
0x26: {  	vm2 =	vgt.s32 v0, $0x0  }
0x27: {  	v0 =	vnsel vm2, $0x0, v0  }
0x28: {  	v0 =	vmin.u32 v0, $0x2FFF  }
0x29: {  	v1 =	vshll.u32 v0, $0x7;
	v0 =	vshll.u32 v0, $0x4  }
0x2a: {  	v1 =	vand.u32 $0x1FFC00, v1;
	v0 =	vand.u32 $0x70, v0  }
0x2b: {  	v0 =	vor.u32 v0, v1  }
0x2c: {  	s31 =	sshll.u32 s15, $0x10  }
0x2d: {  	s15 =	sshra.s32 s31, $0x2  }
0x2e: {  	s15 =	sadd.s32 s15, s14  }
0x2f: {  	s17 =	sadd.s32 $0x0, s15  }
0x30: {  	[tilespmem:s17], [sflag:$0x1] =	stream.indirect_vreg.gather [hbm:s3], $0x80, v0, vm0, $0x38;
	[tilespmem:$0x10040] =	vst v63  }
0x31: {  	p1 =	por p2, p2;
	s16 =	simm.s32 $0x1000;
	v1 =	vadd.s32 $0x80, v0;
	s17 =	sadd.s32 $0x2000, s17  }
.LBB2_4:
0x32: {  	[tilespmem:s17], [sflag:$0x1] =	stream.indirect_vreg.gather [hbm:s3], $0x80, v0, vm1, $0x38;
	[tilespmem:$0x10040] =	vst v63  }
0x33: {  	v0 =	vmov v1;
	s17 =	smov.u32 s16;
	p2 =	sne.s32 s16, $0x7000  }
.Ltmp3:
0x34: {  	s16 =	sadd.s32 $0x1000, s16;
	(pc) =	sbr.rel @p2 .LBB2_4-.Ltmp3, $4  }
0x35: {  	s17 =	sshra.s32 s17, $0x2  }
0x36: {  	s17 =	sadd.s32 s17, s15  }
0x37: {  	[tilespmem:s17], [sflag:$0x1] =	stream.indirect_vreg.gather [hbm:s3], $0x80, v1, vm0, $0x38;
	[tilespmem:$0x10040] =	vst v63  }
0x38: {  	s17 =	sadd.s32 $0x2000, s17;
	v1 =	vadd.s32 $0x80, v1  }
0x39: {  	_ = 	snop  }
.Ltmp4:
0x3a: {  	_ = 	snop;
	(pc) =	sbr.rel @p1 .LBB2_3-.Ltmp4, $3  }
0x3b: {  	_ =	sdelay $0x1  }
0x3c: {  	[tilespmem:s17], [sflag:$0x1] =	stream.indirect_vreg.gather [hbm:s3], $0x80, v0, vm1, $0x38;
	[tilespmem:$0x10040] =	vst v63  }
0x3d: {  	s15 =	simm.s32 $0x1;
	p2 =	por $0x0, $0x0  }
0x3e: {  	s13 =	sshll.u32 s11, $0x7  }
0x3f: {  	s31 =	sshll.u32 s11, $0x4;
	s13 =	sand.u32 $0xFFFFFC00, s13  }
0x40: {  	_ =	swait.ge [sflag:s4], $0x8000;
	s11 =	sand.u32 $0x70, s31;
	s13 =	sadd.s32 s13, s2  }
0x41: {  	s14 =	sadd.s32 $0x2000, s12;
	[sflag:s4] =	ssyncset.done $0x0;
	s11 =	sadd.s32 s11, s13  }
0x42: {  	[sflag:s4] =	ssyncadd.s32 $0xFFFF8000;
	s13 =	simm.s32 $0x400;
	s15 =	sadd.s32 $0x0, s11  }
.LBB2_7:
0x43: {  	[hbm:s15] =	stream.linear.scatter [tilespmem:s12], [sflag:$0x3], $0x2000, $0x38;
	[tilespmem:$0x10040] =	vst v63  }
0x44: {  	s15 =	smov.u32 s13;
	s12 =	smov.u32 s14;
	p1 =	sne.s32 s13, $0xC00  }
.Ltmp5:
0x45: {  	s13 =	sadd.s32 $0x400, s13;
	(pc) =	sbr.rel @p1 .LBB2_7-.Ltmp5, $2  }
0x46: {  	_ =	sdelay $0x2  }
0x47: {  	s14 =	sadd.s32 $0x2000, s14;
	s15 =	sadd.s32 s15, s11  }
.Ltmp6:
0x48: {  	(pc) =	sbr.rel .LBB2_9-.Ltmp6, $2  }
0x49: {  	_ =	sdelay $0x2  }
0x4a: {  	[hbm:s15] =	stream.linear.scatter [tilespmem:s12], [sflag:$0x3], $0x2000, $0x38;
	[tilespmem:$0x10040] =	vst v63  }
.LBB2_10:
0x4b: {  	_ =	sfence.sel $0x180000  }
0x4c: {  	s2 =	simm.s32 $0x2;
	[bflag:$0x0] =	sbarrier.arrive $0xFFFF  }
0x4d: {  	s30 =	simm.s32 $0x3;
	[sflag:s2] =	ssyncpa.u1 $0x1  }
0x4e: {  	s31 =	simm.s32 $0x1;
	[sflag:s30] =	ssyncpa.u1 $0x1  }
0x4f: {  	[sflag:s31] =	ssyncpa.u1 $0x1  }
0x50: {  	p0 =	sne.s32 s1, $0x0;
	_ =	strace $0x9000004D  }
0x51: {  	s0 =	sadd.s32 @!p0 $0x100000, s0;
	[bflag:$0x2] =	sbarrier.arrive $0xFFFF  }
0x52: {  	[sflag:s0] =	ssyncadd.tile.s32 @!p0 $0x1;
	_ =	shalt  }
.Lfunc_end2:
_tile_overlayer_lowered:
.L_overlay_start_2:
0x53: {  	(tag) =	ssettag $0x2  }
0x54: {  	s0 =	rddreg [dreg:$0x0];
	s2 =	stileid.u32  }
0x55: {  	s1 =	rddreg [dreg:$0x1];
	p0 =	sne.s32 s2, $0x0  }
0x56: {  	s3 =	rddreg [dreg:$0x2];
	[bflag:$0x3] =	sbarrier.arrive $0xFFFF;
	s2 =	simm.s32 @!p0 $0x1C01  }
0x57: {  	[timem:s3], [sflag:s2] =	dma.local @!p0 [hbm:s0], s1  }
0x58: {  	s0 =	simm.s32 @!p0 $0x1  }
0x59: {  	_ =	swait.ge @!p0 [sflag:s0], s1  }
0x5a: {  	s1 =	ssub.s32 @!p0 $0x0, s1;
	[sflag:s0] =	ssyncset.done @!p0 $0x0  }
0x5b: {  	[sflag:s0] =	ssyncadd.s32 @!p0 s1  }
0x5c: {  	[bflag:$0x3] =	sbarrier.arrive $0xFFFF  }
0x5d: {  	_ =	shalt  }

// kernel: kernel.5.cloned.1.call-start
scs
__scs_entry_jumppad:
0x0: {  	(pc) =	sbr.rel $0x88, $3  }
0x1: {  	(tag) =	ssettag $0x0;
	lr =	simm.s32 $0x1  }
0x2: {  	[smem:$0x3F99] =	sst lr;
	_ =	strace $0xD0000000  }
0x3: {  	_ = 	snop  }
0x4: {  	_ = 	snop  }
0x5: {  	_ = 	snop  }
0x6: {  	_ = 	snop  }
0x7: {  	_ = 	snop  }
__scs_overlays_trampoline_lowered:
0x8: {  	[smem:$0x3FA8] =	sst s0  }
0x9: {  	[smem:$0x3FA9] =	sst s1  }
0xa: {  	[smem:$0x3FAA] =	sst s2  }
0xb: {  	[smem:$0x3FAB] =	sst s3  }
0xc: {  	[smem:$0x3FAC] =	sst s4  }
0xd: {  	[smem:$0x3FAD] =	sst s5  }
0xe: {  	[smem:$0x3FAE] =	sst s6  }
0xf: {  	[smem:$0x3FAF] =	sst s7  }
0x10: {  	[smem:$0x3FB0] =	sst s8  }
0x11: {  	[smem:$0x3FB1] =	sst s9;
	s0 =	simm.s32 @!p0 $0x0  }
0x12: {  	s1 =	sld [smem:$0x3F97];
	s0 =	simm.s32 @p0 $0x1  }
0x13: {  	[smem:$0x3FB2] =	sst s0;
	s0 =	simm.s32 @!p1 $0x0  }
0x14: {  	s2 =	sld [smem:$0x3F96];
	s0 =	simm.s32 @p1 $0x1  }
0x15: {  	[smem:$0x3FB3] =	sst s0;
	s0 =	simm.s32 @!p2 $0x0  }
0x16: {  	s3 =	sld [smem:$0x3FDB];
	s0 =	simm.s32 @p2 $0x1  }
0x17: {  	s4 =	simm.s32 $0x1BF5;
	[smem:$0x3FB5] =	sst s0  }
0x18: {  	s0 =	sld [smem:$0x3F98];
	_ =	swait.ge [sflag:s4], $0x0  }
0x19: {  	s7 =	sld [smem:$0x3F99]  }
0x1a: {  	s8 =	sadd.s32 $0xFFFFE003, lr  }
0x1b: {  	s9 =	sadd.s32 $0xFFFFFEF7, lr;
	s5 =	simm.s32 $0xFFFFFFFF;
	p2 =	slt.u32 s8, $0xFFFFF086  }
0x1c: {  	p1 =	slt.u32 s9, $0xF7A;
	s5 =	simm.s32 @!p2 $0x0  }
0x1d: {  	s5 =	simm.s32 @p1 $0x1;
	p0 =	seq.s32 s7, s2  }
0x1e: {  	s7 =	smul.u32 @!p0 $0xF7A, s2;
	p2 =	seq.s32 @!p0 s5, $0x0  }
0x1f: {  	s9 =	smul.u32 $0xF7A, s1;
	s8 =	simm.s32 @!p0 $0x1BF5;
	p2 =	por !p2, p0  }
0x20: {  	[sflag:s8] =	ssyncset.s32 @!p0 $0xFFFFF086;
	s6 =	sadd.s32 @!p0 s3, s7;
	s7 =	simm.s32 @!p0 $0x108  }
0x21: {  	s3 =	sadd.s32 s3, s9;
	s6 =	sadd.s32 @!p0 $0x88, s6;
	s7 =	simm.s32 @p2 $0x1082  }
0x22: {  	[simem:s7], [sflag:s8] =	dma.local @!p0 [hbm:s6], $0xF7A  }
0x23: {  	s9 =	sor.u32 $0xD0000000, s2;
	s6 =	simm.s32 $0x108;
	_ =	swait.ge @!p0 [sflag:s8], $0x0  }
0x24: {  	s3 =	sadd.s32 $0x88, s3;
	s6 =	simm.s32 @!p1 $0x1082;
	[sflag:s4] =	ssyncset.s32 $0xFFFFF086  }
0x25: {  	[simem:s6], [sflag:s4] =	dma.local [hbm:s3], $0xF7A  }
0x26: {  	[smem:$0x3F99] =	sst s1;
	(tag) =	ssettag s2;
	_ =	strace s9  }
0x27: {  	s1 =	sld [smem:$0x3FA9]  }
0x28: {  	s2 =	sld [smem:$0x3FAA]  }
0x29: {  	s4 =	sld [smem:$0x3FAC]  }
0x2a: {  	p0 =	seq.s32 s5, $0x0;
	s5 =	sld [smem:$0x3FAD]  }
0x2b: {  	s6 =	sld [smem:$0x3FAE]  }
0x2c: {  	s7 =	sld [smem:$0x3FAF]  }
0x2d: {  	s3 =	simm.s32 $0x108;
	s8 =	sld [smem:$0x3FB0]  }
0x2e: {  	s3 =	simm.s32 @!p0 $0x1082;
	s9 =	sld [smem:$0x3FB1]  }
0x2f: {  	lr =	sadd.s32 s0, s3;
	s0 =	sld [smem:$0x3FA8]  }
0x30: {  	s3 =	sld [smem:$0x3FAB]  }
0x31: {  	[smem:$0x3FB4] =	sst s10  }
0x32: {  	s10 =	sld [smem:$0x3FB2];
	_ =	sdelay $0x3  }
0x33: {  	p0 =	seq.s32 s10, $0x1;
	s10 =	sld [smem:$0x3FB4];
	_ =	sdelay $0x3  }
0x34: {  	[smem:$0x3FB4] =	sst s10  }
0x35: {  	s10 =	sld [smem:$0x3FB3];
	_ =	sdelay $0x3  }
0x36: {  	p1 =	seq.s32 s10, $0x1;
	s10 =	sld [smem:$0x3FB4];
	_ =	sdelay $0x3  }
0x37: {  	[smem:$0x3FB4] =	sst s10  }
0x38: {  	s10 =	sld [smem:$0x3FB5]  }
0x39: {  	_ = 	snop;
	(pc) =	sbr.ind lr, $3  }
0x3a: {  	_ = 	snop  }
0x3b: {  	_ = 	snop  }
0x3c: {  	p2 =	seq.s32 s10, $0x1;
	s10 =	sld [smem:$0x3FB4]  }
0x3d: {  	_ =	shalt  }
0x3e: {  	_ =	shalt  }
0x3f: {  	_ =	shalt  }
0x40: {  	_ =	shalt  }
0x41: {  	_ =	shalt  }
0x42: {  	_ =	shalt  }
0x43: {  	_ =	shalt  }
0x44: {  	_ =	shalt  }
0x45: {  	_ =	shalt  }
0x46: {  	_ =	shalt  }
0x47: {  	_ =	shalt  }
0x48: {  	_ =	shalt  }
0x49: {  	_ =	shalt  }
0x4a: {  	_ =	shalt  }
0x4b: {  	_ =	shalt  }
0x4c: {  	_ =	shalt  }
0x4d: {  	_ =	shalt  }
0x4e: {  	_ =	shalt  }
0x4f: {  	_ =	shalt  }
0x50: {  	_ =	shalt  }
0x51: {  	_ =	shalt  }
0x52: {  	_ =	shalt  }
0x53: {  	_ =	shalt  }
0x54: {  	_ =	shalt  }
0x55: {  	_ =	shalt  }
0x56: {  	_ =	shalt  }
0x57: {  	_ =	shalt  }
0x58: {  	_ =	shalt  }
0x59: {  	_ =	shalt  }
0x5a: {  	_ =	shalt  }
0x5b: {  	_ =	shalt  }
0x5c: {  	_ =	shalt  }
0x5d: {  	_ =	shalt  }
0x5e: {  	_ =	shalt  }
0x5f: {  	_ =	shalt  }
0x60: {  	_ =	shalt  }
0x61: {  	_ =	shalt  }
0x62: {  	_ =	shalt  }
0x63: {  	_ =	shalt  }
0x64: {  	_ =	shalt  }
0x65: {  	_ =	shalt  }
0x66: {  	_ =	shalt  }
0x67: {  	_ =	shalt  }
0x68: {  	_ =	shalt  }
0x69: {  	_ =	shalt  }
0x6a: {  	_ =	shalt  }
0x6b: {  	_ =	shalt  }
0x6c: {  	_ =	shalt  }
0x6d: {  	_ =	shalt  }
0x6e: {  	_ =	shalt  }
0x6f: {  	_ =	shalt  }
0x70: {  	_ =	shalt  }
0x71: {  	_ =	shalt  }
0x72: {  	_ =	shalt  }
0x73: {  	_ =	shalt  }
0x74: {  	_ =	shalt  }
0x75: {  	_ =	shalt  }
0x76: {  	_ =	shalt  }
0x77: {  	_ =	shalt  }
0x78: {  	_ =	shalt  }
0x79: {  	_ =	shalt  }
0x7a: {  	_ =	shalt  }
0x7b: {  	_ =	shalt  }
0x7c: {  	_ =	shalt  }
0x7d: {  	_ =	shalt  }
0x7e: {  	_ =	shalt  }
0x7f: {  	_ =	shalt  }
0x80: {  	_ =	shalt  }
0x81: {  	_ =	shalt  }
0x82: {  	_ =	shalt  }
0x83: {  	_ =	shalt  }
0x84: {  	_ =	shalt  }
0x85: {  	_ =	shalt  }
0x86: {  	_ =	shalt  }
0x87: {  	_ =	shalt  }
.Lfunc_end0:
.L_simem_size_0:
called_computation.2_lowered:
.L_overlay_start_0:
0x88: {  	s2 =	sld [smem:$0x3FD9]  }
0x89: {  	s3 =	sld [smem:$0x3FFE];
	_ =	sdelay $0x1  }
0x8a: {  	s1 =	srdreg.scid  }
0x8b: {  	s0 =	sand.u32 $0x1, s1  }
0x8c: {  	s17 =	sshll.u32 s0, $0xA;
	s2 =	sadd.s32 s3, s2  }
0x8d: {  	s2 =	sadd.s32 s2, s17  }
0x8e: {  	[smem:$0x3FC0] =	sst s2  }
0x8f: {  	_ = 	snop  }
0x90: {  	s2 =	sld [smem:$0x3FC9];
	(tm) =	ssettm $0x1  }
0x91: {  	s18 =	sld [smem:$0x3FFB];
	_ =	sdelay $0x3  }
0x92: {  	_ =	strace s18  }
0x93: {  	s3 =	sld [smem:$0x3FFC];
	_ =	sdelay $0x3  }
0x94: {  	_ =	strace s3  }
0x95: {  	s3 =	sld [smem:$0x3FFD];
	_ =	sdelay $0x3  }
0x96: {  	_ =	strace s3  }
0x97: {  	_ =	strace $0x8FFFFFFF  }
0x98: {  	s19 =	sld [smem:$0x3FDB];
	_ =	sdelay $0x1  }
0x99: {  	s4 =	simm.s32 $_scs_section_size  }
0x9a: {  	s5 =	simm.s32 $_size__tile_overlayer_lowered;
	s6 =	simm.s32 $_tile_overlayer_lowered  }
0x9b: {  	s22 =	simm.s32 $0x1BFF;
	s21 =	sshll.u32 s6, $0x1;
	s3 =	sadd.s32 s4, s19  }
0x9c: {  	s7 =	simm.s32 $0x0;
	s20 =	sshll.u32 s5, $0x1;
	s5 =	sadd.s32 s21, s3  }
0x9d: {  	[timem:s7], [sflag:s22] =	dma.local [hbm:s5], s20  }
0x9e: {  	_ =	swait.ge [sflag:s22], s20  }
0x9f: {  	s4 =	ssub.s32 $0x0, s20;
	[sflag:s22] =	ssyncset.done $0x0  }
0xa0: {  	[sflag:s22] =	ssyncadd.s32 s4;
	_ =	sdelay $0x1  }
0xa1: {  	s23 =	simm.s32 $0x1B8B  }
0xa2: {  	_ =	swait.ge [sflag:s23], $0x1  }
0xa3: {  	[sflag:s23] =	ssyncset.done $0x0  }
0xa4: {  	s25 =	simm.s32 $0x1B8E;
	s24 =	sld [smem:$0x3FFE];
	[sflag:s23] =	ssyncadd.s32 $0xFFFFFFFF  }
0xa5: {  	s26 =	simm.s32 $execute0_lowered;
	[smem:$0x3FD2] =	sst s25  }
0xa6: {  	s5 =	sshll.u32 s26, $0x1;
	_ =	strace $0x80000046;
	[dreg:$0x1] =	wrdreg $0xFFFFFFFF  }
0xa7: {  	s28 =	simm.s32 $_size_execute0_lowered;
	s3 =	sadd.s32 s3, s5;
	[dreg:$0x0] =	wrdreg $0x0  }
0xa8: {  	s5 =	sshll.u32 s28, $0x1;
	[dreg:$0x2] =	wrdreg s3  }
0xa9: {  	[dreg:$0x3] =	wrdreg s5  }
0xaa: {  	[dreg:$0x4] =	wrdreg $0xC0  }
0xab: {  	_ =	task [dreg:s7], $0x5FFFF  }
0xac: {  	[dreg:$0x1] =	wrdreg $0xFFFFFFFF  }
0xad: {  	[dreg:$0x0] =	wrdreg $0x60  }
0xae: {  	[dreg:$0x2] =	wrdreg s2  }
0xaf: {  	[dreg:$0x3] =	wrdreg s24  }
0xb0: {  	[dreg:$0x4] =	wrdreg $0x9  }
0xb1: {  	_ =	task.clear_ibuf [dreg:s7], $0x5FFFF;
	_ =	strace $0x90000046  }
0xb2: {  	s29 =	simm.s32 $0x9;
	_ =	strace $0x80000048  }
0xb3: {  	_ =	swait.ge [sflag:s29], $0x1  }
0xb4: {  	[sflag:s29] =	ssyncadd.s32 $0xFFFFFFFF  }
0xb5: {  	_ =	strace $0x90000048  }
0xb6: {  	_ =	sfence  }
0xb7: {  	s30 =	sld [smem:$0x0];
	_ =	sdelay $0x2  }
0xb8: {  	s31 =	sshll.u32 s1, $0xD;
	s1 =	sshrl.u32 s1, $0x2  }
0xb9: {  	s3 =	sand.u32 $0x4000, s31;
	s1 =	sadd.s32 s1, s30  }
0xba: {  	s0 =	sor.u32 s3, s0;
	s1 =	sshll.u32 s1, $0x11  }
0xbb: {  	s0 =	sor.u32 s1, s0  }
0xbc: {  	s0 =	sadd.s32 $0x8F2B, s0  }
0xbd: {  	[sflag:s0] =	ssyncadd.remote.s32 $0x1  }
0xbe: {  	_ =	sfence.sel $0xFFFF  }
0xbf: {  	[dreg:$0x0] =	wrdreg $0xFFFFFFFF;
	(pc) =	sbr.abs _section_cstart, $3  }
0xc0: {  	[dreg:$0x1] =	wrdreg $0xFFFFFFFF  }
0xc1: {  	_ =	task.clear_ibuf [dreg:s7], $0x2FFFF;
	_ =	strace $0x9FFFFFFF  }
0xc2: {  	(tm) =	ssettm $0x7FFFFFFF  }
0xc3: {  	_ =	shalt  }
tec
execute0_lowered:
.L_overlay_start_1:
0x0: {  	(tag) =	ssettag $0x1  }
0x1: {  	s0 =	rddreg [dreg:$0x0]  }
0x2: {  	s1 =	rddreg [dreg:$0x1];
	s2 =	simm.s32 $0x0;
	s3 =	srdreg.scid  }
0x3: {  	s4 =	stileid.u32;
	s31 =	simm.s32 $0x2;
	s30 =	simm.s32 $0x5000  }
0x4: {  	s29 =	simm.s32 $0x5800;
	[smem:$0x7FF] =	sst s2;
	s3 =	sand.u32 $0x1, s3  }
0x5: {  	s5 =	sadd.s32 $0x11800, s1;
	s4 =	sshll.u32 s4, $0x8;
	s7 =	sadd.s32 $0x11600, s1  }
0x6: {  	_ =	strace $0x80000047;
	s6 =	sshll.u32 s3, $0x7;
	s8 =	ssub.s32 $0x2, s3  }
0x7: {  	s3 =	sadd.s32 $0x11A00, s1;
	s4 =	sor.u32 s6, s4;
	s25 =	sshrl.u32 s8, $0x1  }
0x8: {  	s6 =	sadd.s32 $0x11D00, s1;
	s9 =	sshll.u32 s4, $0x7;
	s8 =	ssub.s32 s8, s25  }
0x9: {  	s28 =	sshrl.u32 s4, $0x3;
	s10 =	sor.u32 $0x20, s4;
	s26 =	sadd.s32 s0, s9  }
0xa: {  	s17 =	sor.u32 $0x40, s4;
	s11 =	sadd.s32 s5, s28;
	[dreg:$0x3] =	wrdreg s26  }
0xb: {  	s12 =	sadd.s32 s7, s28;
	s13 =	sshll.u32 s10, $0x7;
	[dreg:$0x4] =	wrdreg s11  }
0xc: {  	s15 =	sshrl.u32 s10, $0x3;
	[dreg:$0x5] =	wrdreg s12;
	s14 =	sadd.s32 s0, s13  }
0xd: {  	s4 =	sor.u32 $0x60, s4;
	s16 =	sadd.s32 s5, s15;
	[dreg:$0x6] =	wrdreg s14  }
0xe: {  	s19 =	sshll.u32 s17, $0x7;
	s18 =	sadd.s32 s7, s15;
	[dreg:$0x7] =	wrdreg s16  }
0xf: {  	s21 =	sshrl.u32 s17, $0x3;
	s20 =	sadd.s32 s0, s19;
	[dreg:$0x8] =	wrdreg s18  }
0x10: {  	s24 =	sshll.u32 s4, $0x7;
	s22 =	sadd.s32 s5, s21;
	[dreg:$0x9] =	wrdreg s20  }
0x11: {  	s25 =	sshrl.u32 s4, $0x3;
	s23 =	sadd.s32 s7, s21;
	[dreg:$0xa] =	wrdreg s22  }
0x12: {  	s4 =	sadd.s32 $0x11B00, s1;
	s0 =	sadd.s32 s0, s24;
	[dreg:$0xb] =	wrdreg s23  }
0x13: {  	v2 =	vlaneseq.u32;
	s26 =	sadd.s32 s5, s25;
	s5 =	sadd.s32 $0x11C00, s1;
	[dreg:$0xc] =	wrdreg s0  }
0x14: {  	vm0 =	vmmov $0xffff;
	v1 =	vshrl.u32 v2, $0x3;
	s28 =	sadd.s32 s7, s25;
	s13 =	simm.s32 $0x1;
	[dreg:$0xd] =	wrdreg s26  }
0x15: {  	v0 =	vand.u32 $0x7, v2;
	v2 =	vor.u32 $0x8, v2;
	v1 =	vmul.u32 $0x8, v1;
	[dreg:$0xe] =	wrdreg s28;
	s0 =	smax.u32 s8, $0x1;
	s23 =	simm.s32 $0x3  }
.LBB2_1:
0x16: {  	[dreg:$0xf] =	wrdreg s0  }
0x17: {  	s24 =	rddreg [dreg:$0x3]  }
0x18: {  	[tilespmem:s2], [sflag:$0x1] =	stream.linear.gather [hbm4b:s24+s2], $0x8000, $0x38;
	[tilespmem:$0x10200] =	vst v63  }
0x19: {  	s25 =	rddreg [dreg:$0x4];
	s22 =	simm.s32 $0x10000  }
0x1a: {  	[tilespmem:s22], [sflag:$0x1] =	stream.linear.gather [hbm4b:s25+s2], $0x20, $0x38;
	[tilespmem:$0x10200] =	vst v63  }
0x1b: {  	s8 =	rddreg [dreg:$0x5];
	s26 =	simm.s32 $0x10100  }
0x1c: {  	[tilespmem:s26], [sflag:$0x1] =	stream.linear.gather [hbm4b:s8+s2], $0x20, $0x38;
	[tilespmem:$0x10200] =	vst v63  }
0x1d: {  	s9 =	rddreg [dreg:$0x6];
	s11 =	simm.s32 $0x8000  }
0x1e: {  	[tilespmem:s11], [sflag:$0x2] =	stream.linear.gather [hbm4b:s9+s2], $0x8000, $0x38;
	[tilespmem:$0x10200] =	vst v63  }
0x1f: {  	s10 =	rddreg [dreg:$0x7];
	s14 =	simm.s32 $0x10080  }
0x20: {  	[tilespmem:s14], [sflag:$0x2] =	stream.linear.gather [hbm4b:s10+s2], $0x20, $0x38;
	[tilespmem:$0x10200] =	vst v63  }
0x21: {  	s12 =	rddreg [dreg:$0x8];
	s15 =	simm.s32 $0x10180  }
0x22: {  	[tilespmem:s15], [sflag:$0x2] =	stream.linear.gather [hbm4b:s12+s2], $0x20, $0x38;
	[tilespmem:$0x10200] =	vst v63  }
0x23: {  	_ =	swait.ge [sflag:s13], $0x8000  }
0x24: {  	[sflag:s13] =	ssyncset.done $0x0  }
0x25: {  	[sflag:s13] =	ssyncadd.s32 $0xFFFF8000  }
0x26: {  	_ =	swait.ge [sflag:s13], $0x20  }
0x27: {  	[sflag:s13] =	ssyncset.done $0x0  }
0x28: {  	[sflag:s13] =	ssyncadd.s32 $0xFFFFFFE0  }
0x29: {  	_ =	swait.ge [sflag:s13], $0x20  }
0x2a: {  	[sflag:s13] =	ssyncset.done $0x0  }
0x2b: {  	[sflag:s13] =	ssyncadd.s32 $0xFFFFFFE0  }
0x2c: {  	v3 =	vld [tilespmem:$0x10000];
	_ =	sdelay $0x4  }
0x2d: {  	v4 =	vshll.u32 v3, $0x3  }
0x2e: {  	v3 =	vand.u32 $0x7, v3;
	v4 =	vand.u32 $0xFFFFFFC0, v4  }
0x2f: {  	v3 =	vor.u32 v3, v4  }
0x30: {  	v4 =	vperm.xlane v3, v0;
	_ =	sdelay $0x1  }
0x31: {  	v4 =	vadd.s32 v1, v4;
	_ =	sdelay $0x4  }
0x32: {  	[hbm4b:s3+s2] =	stream.indirect_vreg.scatter [tilespmem:s2], [sflag:$0x3], $0x80, v4, vm0, $0xb8;
	[tilespmem:$0x10200] =	vst v63  }
0x33: {  	s16 =	simm.s32 $0x800;
	v3 =	vperm.xlane v3, v2  }
0x34: {  	[hbm4b:s4+s2] =	stream.indirect_vreg.scatter [tilespmem:s16], [sflag:$0x3], $0x80, v4, vm0, $0xb8;
	[tilespmem:$0x10200] =	vst v63  }
0x35: {  	s17 =	simm.s32 $0x1000;
	v3 =	vadd.s32 v1, v3  }
0x36: {  	[hbm4b:s5+s2] =	stream.indirect_vreg.scatter [tilespmem:s17], [sflag:$0x3], $0x80, v4, vm0, $0xb8;
	[tilespmem:$0x10200] =	vst v63  }
0x37: {  	s18 =	simm.s32 $0x1800  }
0x38: {  	[hbm4b:s6+s2] =	stream.indirect_vreg.scatter [tilespmem:s18], [sflag:$0x3], $0x80, v4, vm0, $0xb8;
	[tilespmem:$0x10200] =	vst v63  }
0x39: {  	s19 =	simm.s32 $0x2000  }
0x3a: {  	[hbm4b:s3+s2] =	stream.indirect_vreg.scatter [tilespmem:s19], [sflag:$0x3], $0x80, v3, vm0, $0xb8;
	[tilespmem:$0x10200] =	vst v63  }
0x3b: {  	s20 =	simm.s32 $0x2800  }
0x3c: {  	[hbm4b:s4+s2] =	stream.indirect_vreg.scatter [tilespmem:s20], [sflag:$0x3], $0x80, v3, vm0, $0xb8;
	[tilespmem:$0x10200] =	vst v63  }
0x3d: {  	s24 =	simm.s32 $0x3000  }
0x3e: {  	[hbm4b:s5+s2] =	stream.indirect_vreg.scatter [tilespmem:s24], [sflag:$0x3], $0x80, v3, vm0, $0xb8;
	[tilespmem:$0x10200] =	vst v63  }
0x3f: {  	s25 =	simm.s32 $0x3800  }
0x40: {  	[hbm4b:s6+s2] =	stream.indirect_vreg.scatter [tilespmem:s25], [sflag:$0x3], $0x80, v3, vm0, $0xb8;
	[tilespmem:$0x10200] =	vst v63  }
0x41: {  	v3 =	vld [tilespmem:$0x10010];
	_ =	sdelay $0x4  }
0x42: {  	v49 =	vshll.u32 v3, $0x3  }
0x43: {  	v3 =	vand.u32 $0x7, v3;
	v4 =	vand.u32 $0xFFFFFFC0, v49  }
0x44: {  	v3 =	vor.u32 v3, v4  }
0x45: {  	v4 =	vperm.xlane v3, v0;
	_ =	sdelay $0x1  }
0x46: {  	v4 =	vadd.s32 v1, v4;
	_ =	sdelay $0x3  }
0x47: {  	s7 =	simm.s32 $0x4000  }
0x48: {  	[hbm4b:s3+s2] =	stream.indirect_vreg.scatter [tilespmem:s7], [sflag:$0x3], $0x80, v4, vm0, $0xb8;
	[tilespmem:$0x10200] =	vst v63  }
0x49: {  	s12 =	simm.s32 $0x4800;
	v3 =	vperm.xlane v3, v2  }
0x4a: {  	[hbm4b:s4+s2] =	stream.indirect_vreg.scatter [tilespmem:s12], [sflag:$0x3], $0x80, v4, vm0, $0xb8;
	[tilespmem:$0x10200] =	vst v63  }
0x4b: {  	s14 =	simm.s32 $0x5000;
	v3 =	vadd.s32 v1, v3  }
0x4c: {  	[hbm4b:s5+s2] =	stream.indirect_vreg.scatter [tilespmem:s14], [sflag:$0x3], $0x80, v4, vm0, $0xb8;
	[tilespmem:$0x10200] =	vst v63  }
0x4d: {  	s18 =	simm.s32 $0x5800  }
0x4e: {  	[hbm4b:s6+s2] =	stream.indirect_vreg.scatter [tilespmem:s18], [sflag:$0x3], $0x80, v4, vm0, $0xb8;
	[tilespmem:$0x10200] =	vst v63  }
0x4f: {  	s19 =	simm.s32 $0x6000  }
0x50: {  	[hbm4b:s3+s2] =	stream.indirect_vreg.scatter [tilespmem:s19], [sflag:$0x3], $0x80, v3, vm0, $0xb8;
	[tilespmem:$0x10200] =	vst v63  }
0x51: {  	s20 =	simm.s32 $0x6800  }
0x52: {  	[hbm4b:s4+s2] =	stream.indirect_vreg.scatter [tilespmem:s20], [sflag:$0x3], $0x80, v3, vm0, $0xb8;
	[tilespmem:$0x10200] =	vst v63  }
0x53: {  	s24 =	simm.s32 $0x7000  }
0x54: {  	[hbm4b:s5+s2] =	stream.indirect_vreg.scatter [tilespmem:s24], [sflag:$0x3], $0x80, v3, vm0, $0xb8;
	[tilespmem:$0x10200] =	vst v63  }
0x55: {  	s25 =	simm.s32 $0x7800  }
0x56: {  	[hbm4b:s6+s2] =	stream.indirect_vreg.scatter [tilespmem:s25], [sflag:$0x3], $0x80, v3, vm0, $0xb8;
	[tilespmem:$0x10200] =	vst v63  }
0x57: {  	v3 =	vld [tilespmem:$0x10100];
	_ =	sdelay $0x4  }
0x58: {  	v50 =	vshll.u32 v3, $0x3  }
0x59: {  	v3 =	vand.u32 $0x7, v3;
	v4 =	vand.u32 $0xFFFFFFC0, v50  }
0x5a: {  	v3 =	vor.u32 v3, v4  }
0x5b: {  	v4 =	vperm.xlane v3, v0;
	_ =	sdelay $0x1  }
0x5c: {  	v4 =	vadd.s32 v1, v4;
	_ =	sdelay $0x4  }
0x5d: {  	[hbm4b:s3+s2] =	stream.indirect_vreg.scatter [tilespmem:s2], [sflag:$0x3], $0x80, v4, vm0, $0xb8;
	[tilespmem:$0x10200] =	vst v63  }
0x5e: {  	s21 =	simm.s32 $0x800;
	v3 =	vperm.xlane v3, v2  }
0x5f: {  	[hbm4b:s4+s2] =	stream.indirect_vreg.scatter [tilespmem:s21], [sflag:$0x3], $0x80, v4, vm0, $0xb8;
	[tilespmem:$0x10200] =	vst v63  }
0x60: {  	s1 =	simm.s32 $0x1000;
	v3 =	vadd.s32 v1, v3  }
0x61: {  	[hbm4b:s5+s2] =	stream.indirect_vreg.scatter [tilespmem:s1], [sflag:$0x3], $0x80, v4, vm0, $0xb8;
	[tilespmem:$0x10200] =	vst v63  }
0x62: {  	s8 =	simm.s32 $0x1800  }
0x63: {  	[hbm4b:s6+s2] =	stream.indirect_vreg.scatter [tilespmem:s8], [sflag:$0x3], $0x80, v4, vm0, $0xb8;
	[tilespmem:$0x10200] =	vst v63  }
0x64: {  	s9 =	simm.s32 $0x2000  }
0x65: {  	[hbm4b:s3+s2] =	stream.indirect_vreg.scatter [tilespmem:s9], [sflag:$0x3], $0x80, v3, vm0, $0xb8;
	[tilespmem:$0x10200] =	vst v63  }
0x66: {  	s10 =	simm.s32 $0x2800  }
0x67: {  	[hbm4b:s4+s2] =	stream.indirect_vreg.scatter [tilespmem:s10], [sflag:$0x3], $0x80, v3, vm0, $0xb8;
	[tilespmem:$0x10200] =	vst v63  }
0x68: {  	s11 =	simm.s32 $0x3000  }
0x69: {  	[hbm4b:s5+s2] =	stream.indirect_vreg.scatter [tilespmem:s11], [sflag:$0x3], $0x80, v3, vm0, $0xb8;
	[tilespmem:$0x10200] =	vst v63  }
0x6a: {  	s15 =	simm.s32 $0x3800  }
0x6b: {  	[hbm4b:s6+s2] =	stream.indirect_vreg.scatter [tilespmem:s15], [sflag:$0x3], $0x80, v3, vm0, $0xb8;
	[tilespmem:$0x10200] =	vst v63  }
0x6c: {  	v3 =	vld [tilespmem:$0x10110];
	_ =	sdelay $0x4  }
0x6d: {  	v51 =	vshll.u32 v3, $0x3  }
0x6e: {  	v3 =	vand.u32 $0x7, v3;
	v4 =	vand.u32 $0xFFFFFFC0, v51  }
0x6f: {  	v3 =	vor.u32 v3, v4  }
0x70: {  	v4 =	vperm.xlane v3, v0;
	_ =	sdelay $0x1  }
0x71: {  	v4 =	vadd.s32 v1, v4;
	_ =	sdelay $0x3  }
0x72: {  	s16 =	simm.s32 $0x4000  }
0x73: {  	[hbm4b:s3+s2] =	stream.indirect_vreg.scatter [tilespmem:s16], [sflag:$0x3], $0x80, v4, vm0, $0xb8;
	[tilespmem:$0x10200] =	vst v63  }
0x74: {  	s17 =	simm.s32 $0x4800;
	v3 =	vperm.xlane v3, v2  }
0x75: {  	[hbm4b:s4+s2] =	stream.indirect_vreg.scatter [tilespmem:s17], [sflag:$0x3], $0x80, v4, vm0, $0xb8;
	[tilespmem:$0x10200] =	vst v63  }
0x76: {  	s12 =	simm.s32 $0x5000;
	v3 =	vadd.s32 v1, v3  }
0x77: {  	[hbm4b:s5+s2] =	stream.indirect_vreg.scatter [tilespmem:s12], [sflag:$0x3], $0x80, v4, vm0, $0xb8;
	[tilespmem:$0x10200] =	vst v63  }
0x78: {  	s14 =	simm.s32 $0x5800  }
0x79: {  	[hbm4b:s6+s2] =	stream.indirect_vreg.scatter [tilespmem:s14], [sflag:$0x3], $0x80, v4, vm0, $0xb8;
	[tilespmem:$0x10200] =	vst v63  }
0x7a: {  	s18 =	simm.s32 $0x6000  }
0x7b: {  	[hbm4b:s3+s2] =	stream.indirect_vreg.scatter [tilespmem:s18], [sflag:$0x3], $0x80, v3, vm0, $0xb8;
	[tilespmem:$0x10200] =	vst v63  }
0x7c: {  	s19 =	simm.s32 $0x6800  }
0x7d: {  	[hbm4b:s4+s2] =	stream.indirect_vreg.scatter [tilespmem:s19], [sflag:$0x3], $0x80, v3, vm0, $0xb8;
	[tilespmem:$0x10200] =	vst v63  }
0x7e: {  	s20 =	simm.s32 $0x7000  }
0x7f: {  	[hbm4b:s5+s2] =	stream.indirect_vreg.scatter [tilespmem:s20], [sflag:$0x3], $0x80, v3, vm0, $0xb8;
	[tilespmem:$0x10200] =	vst v63  }
0x80: {  	s7 =	simm.s32 $0x7800  }
0x81: {  	[hbm4b:s6+s2] =	stream.indirect_vreg.scatter [tilespmem:s7], [sflag:$0x3], $0x80, v3, vm0, $0xb8;
	[tilespmem:$0x10200] =	vst v63  }
0x82: {  	_ =	swait.ge [sflag:s23], $0x8000  }
0x83: {  	[sflag:s23] =	ssyncset.done $0x0  }
0x84: {  	[sflag:s23] =	ssyncadd.s32 $0xFFFF8000  }
0x85: {  	_ =	swait.ge [sflag:s23], $0x8000  }
0x86: {  	[sflag:s23] =	ssyncset.done $0x0  }
0x87: {  	s19 =	rddreg [dreg:$0x9];
	[sflag:s23] =	ssyncadd.s32 $0xFFFF8000  }
0x88: {  	[tilespmem:s2], [sflag:$0x1] =	stream.linear.gather [hbm4b:s19+s2], $0x8000, $0x38;
	[tilespmem:$0x10200] =	vst v63  }
0x89: {  	s20 =	rddreg [dreg:$0xa]  }
0x8a: {  	[tilespmem:s22], [sflag:$0x1] =	stream.linear.gather [hbm4b:s20+s2], $0x20, $0x38;
	[tilespmem:$0x10200] =	vst v63  }
0x8b: {  	s21 =	rddreg [dreg:$0xb]  }
0x8c: {  	[tilespmem:s26], [sflag:$0x1] =	stream.linear.gather [hbm4b:s21+s2], $0x20, $0x38;
	[tilespmem:$0x10200] =	vst v63  }
0x8d: {  	_ =	swait.ge [sflag:s31], $0x8000  }
0x8e: {  	[sflag:s31] =	ssyncset.done $0x0  }
0x8f: {  	[sflag:s31] =	ssyncadd.s32 $0xFFFF8000  }
0x90: {  	_ =	swait.ge [sflag:s31], $0x20  }
0x91: {  	[sflag:s31] =	ssyncset.done $0x0  }
0x92: {  	[sflag:s31] =	ssyncadd.s32 $0xFFFFFFE0  }
0x93: {  	_ =	swait.ge [sflag:s31], $0x20  }
0x94: {  	[sflag:s31] =	ssyncset.done $0x0  }
0x95: {  	[sflag:s31] =	ssyncadd.s32 $0xFFFFFFE0  }
0x96: {  	v3 =	vld [tilespmem:$0x10080];
	_ =	sdelay $0x4  }
0x97: {  	v52 =	vshll.u32 v3, $0x3  }
0x98: {  	v3 =	vand.u32 $0x7, v3;
	v4 =	vand.u32 $0xFFFFFFC0, v52  }
0x99: {  	v3 =	vor.u32 v3, v4  }
0x9a: {  	v4 =	vperm.xlane v3, v0;
	_ =	sdelay $0x1  }
0x9b: {  	v4 =	vadd.s32 v1, v4;
	_ =	sdelay $0x3  }
0x9c: {  	s26 =	simm.s32 $0x8000  }
0x9d: {  	[hbm4b:s3+s2] =	stream.indirect_vreg.scatter [tilespmem:s26], [sflag:$0x4], $0x80, v4, vm0, $0xb8;
	[tilespmem:$0x10200] =	vst v63  }
0x9e: {  	s1 =	simm.s32 $0x8800;
	v3 =	vperm.xlane v3, v2  }
0x9f: {  	[hbm4b:s4+s2] =	stream.indirect_vreg.scatter [tilespmem:s1], [sflag:$0x4], $0x80, v4, vm0, $0xb8;
	[tilespmem:$0x10200] =	vst v63  }
0xa0: {  	s7 =	simm.s32 $0x9000;
	v3 =	vadd.s32 v1, v3  }
0xa1: {  	[hbm4b:s5+s2] =	stream.indirect_vreg.scatter [tilespmem:s7], [sflag:$0x4], $0x80, v4, vm0, $0xb8;
	[tilespmem:$0x10200] =	vst v63  }
0xa2: {  	s21 =	simm.s32 $0x9800  }
0xa3: {  	[hbm4b:s6+s2] =	stream.indirect_vreg.scatter [tilespmem:s21], [sflag:$0x4], $0x80, v4, vm0, $0xb8;
	[tilespmem:$0x10200] =	vst v63  }
0xa4: {  	s8 =	simm.s32 $0xA000  }
0xa5: {  	[hbm4b:s3+s2] =	stream.indirect_vreg.scatter [tilespmem:s8], [sflag:$0x4], $0x80, v3, vm0, $0xb8;
	[tilespmem:$0x10200] =	vst v63  }
0xa6: {  	s7 =	simm.s32 $0xA800  }
0xa7: {  	[hbm4b:s4+s2] =	stream.indirect_vreg.scatter [tilespmem:s7], [sflag:$0x4], $0x80, v3, vm0, $0xb8;
	[tilespmem:$0x10200] =	vst v63  }
0xa8: {  	s9 =	simm.s32 $0xB000  }
0xa9: {  	[hbm4b:s5+s2] =	stream.indirect_vreg.scatter [tilespmem:s9], [sflag:$0x4], $0x80, v3, vm0, $0xb8;
	[tilespmem:$0x10200] =	vst v63  }
0xaa: {  	s10 =	simm.s32 $0xB800  }
0xab: {  	[hbm4b:s6+s2] =	stream.indirect_vreg.scatter [tilespmem:s10], [sflag:$0x4], $0x80, v3, vm0, $0xb8;
	[tilespmem:$0x10200] =	vst v63  }
0xac: {  	v3 =	vld [tilespmem:$0x10090];
	_ =	sdelay $0x4  }
0xad: {  	v53 =	vshll.u32 v3, $0x3  }
0xae: {  	v3 =	vand.u32 $0x7, v3;
	v4 =	vand.u32 $0xFFFFFFC0, v53  }
0xaf: {  	v3 =	vor.u32 v3, v4  }
0xb0: {  	v4 =	vperm.xlane v3, v0;
	_ =	sdelay $0x1  }
0xb1: {  	v4 =	vadd.s32 v1, v4;
	_ =	sdelay $0x3  }
0xb2: {  	s11 =	simm.s32 $0xC000  }
0xb3: {  	[hbm4b:s3+s2] =	stream.indirect_vreg.scatter [tilespmem:s11], [sflag:$0x4], $0x80, v4, vm0, $0xb8;
	[tilespmem:$0x10200] =	vst v63  }
0xb4: {  	s22 =	simm.s32 $0xC800;
	v3 =	vperm.xlane v3, v2  }
0xb5: {  	[hbm4b:s4+s2] =	stream.indirect_vreg.scatter [tilespmem:s22], [sflag:$0x4], $0x80, v4, vm0, $0xb8;
	[tilespmem:$0x10200] =	vst v63  }
0xb6: {  	s14 =	simm.s32 $0xD000;
	v3 =	vadd.s32 v1, v3  }
0xb7: {  	[hbm4b:s5+s2] =	stream.indirect_vreg.scatter [tilespmem:s14], [sflag:$0x4], $0x80, v4, vm0, $0xb8;
	[tilespmem:$0x10200] =	vst v63  }
0xb8: {  	s15 =	simm.s32 $0xD800  }
0xb9: {  	[hbm4b:s6+s2] =	stream.indirect_vreg.scatter [tilespmem:s15], [sflag:$0x4], $0x80, v4, vm0, $0xb8;
	[tilespmem:$0x10200] =	vst v63  }
0xba: {  	s16 =	simm.s32 $0xE000  }
0xbb: {  	[hbm4b:s3+s2] =	stream.indirect_vreg.scatter [tilespmem:s16], [sflag:$0x4], $0x80, v3, vm0, $0xb8;
	[tilespmem:$0x10200] =	vst v63  }
0xbc: {  	s17 =	simm.s32 $0xE800  }
0xbd: {  	[hbm4b:s4+s2] =	stream.indirect_vreg.scatter [tilespmem:s17], [sflag:$0x4], $0x80, v3, vm0, $0xb8;
	[tilespmem:$0x10200] =	vst v63  }
0xbe: {  	s18 =	simm.s32 $0xF000  }
0xbf: {  	[hbm4b:s5+s2] =	stream.indirect_vreg.scatter [tilespmem:s18], [sflag:$0x4], $0x80, v3, vm0, $0xb8;
	[tilespmem:$0x10200] =	vst v63  }
0xc0: {  	s19 =	simm.s32 $0xF800  }
0xc1: {  	[hbm4b:s6+s2] =	stream.indirect_vreg.scatter [tilespmem:s19], [sflag:$0x4], $0x80, v3, vm0, $0xb8;
	[tilespmem:$0x10200] =	vst v63  }
0xc2: {  	v3 =	vld [tilespmem:$0x10180];
	_ =	sdelay $0x4  }
0xc3: {  	v54 =	vshll.u32 v3, $0x3  }
0xc4: {  	v3 =	vand.u32 $0x7, v3;
	v4 =	vand.u32 $0xFFFFFFC0, v54  }
0xc5: {  	v3 =	vor.u32 v3, v4  }
0xc6: {  	v4 =	vperm.xlane v3, v0;
	_ =	sdelay $0x1  }
0xc7: {  	v4 =	vadd.s32 v1, v4;
	_ =	sdelay $0x4  }
0xc8: {  	[hbm4b:s3+s2] =	stream.indirect_vreg.scatter [tilespmem:s26], [sflag:$0x4], $0x80, v4, vm0, $0xb8;
	[tilespmem:$0x10200] =	vst v63  }
0xc9: {  	s1 =	simm.s32 $0x8800;
	v3 =	vperm.xlane v3, v2  }
0xca: {  	[hbm4b:s4+s2] =	stream.indirect_vreg.scatter [tilespmem:s1], [sflag:$0x4], $0x80, v4, vm0, $0xb8;
	[tilespmem:$0x10200] =	vst v63  }
0xcb: {  	s20 =	simm.s32 $0x9000;
	v3 =	vadd.s32 v1, v3  }
0xcc: {  	[hbm4b:s5+s2] =	stream.indirect_vreg.scatter [tilespmem:s20], [sflag:$0x4], $0x80, v4, vm0, $0xb8;
	[tilespmem:$0x10200] =	vst v63  }
0xcd: {  	_ = 	snop  }
0xce: {  	[hbm4b:s6+s2] =	stream.indirect_vreg.scatter [tilespmem:s21], [sflag:$0x4], $0x80, v4, vm0, $0xb8;
	[tilespmem:$0x10200] =	vst v63  }
0xcf: {  	s0 =	simm.s32 $0xA000  }
0xd0: {  	[hbm4b:s3+s2] =	stream.indirect_vreg.scatter [tilespmem:s0], [sflag:$0x4], $0x80, v3, vm0, $0xb8;
	[tilespmem:$0x10200] =	vst v63  }
0xd1: {  	s7 =	simm.s32 $0xA800  }
0xd2: {  	[hbm4b:s4+s2] =	stream.indirect_vreg.scatter [tilespmem:s7], [sflag:$0x4], $0x80, v3, vm0, $0xb8;
	[tilespmem:$0x10200] =	vst v63  }
0xd3: {  	s8 =	simm.s32 $0xB000  }
0xd4: {  	[hbm4b:s5+s2] =	stream.indirect_vreg.scatter [tilespmem:s8], [sflag:$0x4], $0x80, v3, vm0, $0xb8;
	[tilespmem:$0x10200] =	vst v63  }
0xd5: {  	s9 =	simm.s32 $0xB800  }
0xd6: {  	[hbm4b:s6+s2] =	stream.indirect_vreg.scatter [tilespmem:s9], [sflag:$0x4], $0x80, v3, vm0, $0xb8;
	[tilespmem:$0x10200] =	vst v63  }
0xd7: {  	v3 =	vld [tilespmem:$0x10190];
	_ =	sdelay $0x4  }
0xd8: {  	v55 =	vshll.u32 v3, $0x3  }
0xd9: {  	v3 =	vand.u32 $0x7, v3;
	v4 =	vand.u32 $0xFFFFFFC0, v55  }
0xda: {  	v3 =	vor.u32 v3, v4  }
0xdb: {  	v4 =	vperm.xlane v3, v0;
	_ =	sdelay $0x1  }
0xdc: {  	v4 =	vadd.s32 v1, v4;
	_ =	sdelay $0x3  }
0xdd: {  	s12 =	simm.s32 $0xC000  }
0xde: {  	[hbm4b:s3+s2] =	stream.indirect_vreg.scatter [tilespmem:s12], [sflag:$0x4], $0x80, v4, vm0, $0xb8;
	[tilespmem:$0x10200] =	vst v63  }
0xdf: {  	s25 =	simm.s32 $0xC800;
	v3 =	vperm.xlane v3, v2  }
0xe0: {  	[hbm4b:s4+s2] =	stream.indirect_vreg.scatter [tilespmem:s25], [sflag:$0x4], $0x80, v4, vm0, $0xb8;
	[tilespmem:$0x10200] =	vst v63  }
0xe1: {  	v3 =	vadd.s32 v1, v3  }
0xe2: {  	[hbm4b:s5+s2] =	stream.indirect_vreg.scatter [tilespmem:s14], [sflag:$0x4], $0x80, v4, vm0, $0xb8;
	[tilespmem:$0x10200] =	vst v63  }
0xe3: {  	_ = 	snop  }
0xe4: {  	[hbm4b:s6+s2] =	stream.indirect_vreg.scatter [tilespmem:s15], [sflag:$0x4], $0x80, v4, vm0, $0xb8;
	[tilespmem:$0x10200] =	vst v63  }
0xe5: {  	_ = 	snop  }
0xe6: {  	[hbm4b:s3+s2] =	stream.indirect_vreg.scatter [tilespmem:s16], [sflag:$0x4], $0x80, v3, vm0, $0xb8;
	[tilespmem:$0x10200] =	vst v63  }
0xe7: {  	_ = 	snop  }
0xe8: {  	[hbm4b:s4+s2] =	stream.indirect_vreg.scatter [tilespmem:s17], [sflag:$0x4], $0x80, v3, vm0, $0xb8;
	[tilespmem:$0x10200] =	vst v63  }
0xe9: {  	_ = 	snop  }
0xea: {  	[hbm4b:s5+s2] =	stream.indirect_vreg.scatter [tilespmem:s18], [sflag:$0x4], $0x80, v3, vm0, $0xb8;
	[tilespmem:$0x10200] =	vst v63  }
0xeb: {  	s7 =	simm.s32 $0x4  }
0xec: {  	[hbm4b:s6+s2] =	stream.indirect_vreg.scatter [tilespmem:s19], [sflag:$0x4], $0x80, v3, vm0, $0xb8;
	[tilespmem:$0x10200] =	vst v63  }
0xed: {  	_ =	swait.ge [sflag:s7], $0x8000  }
0xee: {  	[sflag:s7] =	ssyncset.done $0x0  }
0xef: {  	[sflag:s7] =	ssyncadd.s32 $0xFFFF8000  }
0xf0: {  	_ =	swait.ge [sflag:s7], $0x8000  }
0xf1: {  	[sflag:s7] =	ssyncset.done $0x0  }
0xf2: {  	s26 =	simm.s32 $0x8000;
	s20 =	rddreg [dreg:$0xc];
	[sflag:s7] =	ssyncadd.s32 $0xFFFF8000  }
0xf3: {  	[tilespmem:s26], [sflag:$0x2] =	stream.linear.gather [hbm4b:s20+s2], $0x8000, $0x38;
	[tilespmem:$0x10200] =	vst v63  }
0xf4: {  	s0 =	simm.s32 $0x10080;
	s22 =	rddreg [dreg:$0xd]  }
0xf5: {  	[tilespmem:s0], [sflag:$0x2] =	stream.linear.gather [hbm4b:s22+s2], $0x20, $0x38;
	[tilespmem:$0x10200] =	vst v63  }
0xf6: {  	s28 =	simm.s32 $0x10180;
	s26 =	rddreg [dreg:$0xe]  }
0xf7: {  	[tilespmem:s28], [sflag:$0x2] =	stream.linear.gather [hbm4b:s26+s2], $0x20, $0x38;
	[tilespmem:$0x10200] =	vst v63  }
0xf8: {  	_ =	swait.ge [sflag:s13], $0x8000  }
0xf9: {  	[sflag:s13] =	ssyncset.done $0x0  }
0xfa: {  	[sflag:s13] =	ssyncadd.s32 $0xFFFF8000  }
0xfb: {  	_ =	swait.ge [sflag:s13], $0x20  }
0xfc: {  	[sflag:s13] =	ssyncset.done $0x0  }
0xfd: {  	[sflag:s13] =	ssyncadd.s32 $0xFFFFFFE0  }
0xfe: {  	_ =	swait.ge [sflag:s13], $0x20  }
0xff: {  	[sflag:s13] =	ssyncset.done $0x0  }
0x100: {  	[sflag:s13] =	ssyncadd.s32 $0xFFFFFFE0  }
0x101: {  	v3 =	vld [tilespmem:$0x10000];
	_ =	sdelay $0x4  }
0x102: {  	v56 =	vshll.u32 v3, $0x3  }
0x103: {  	v3 =	vand.u32 $0x7, v3;
	v4 =	vand.u32 $0xFFFFFFC0, v56  }
0x104: {  	v3 =	vor.u32 v3, v4  }
0x105: {  	v4 =	vperm.xlane v3, v0;
	_ =	sdelay $0x1  }
0x106: {  	v4 =	vadd.s32 v1, v4;
	_ =	sdelay $0x4  }
0x107: {  	[hbm4b:s3+s2] =	stream.indirect_vreg.scatter [tilespmem:s2], [sflag:$0x3], $0x80, v4, vm0, $0xb8;
	[tilespmem:$0x10200] =	vst v63  }
0x108: {  	s12 =	simm.s32 $0x800;
	v3 =	vperm.xlane v3, v2  }
0x109: {  	[hbm4b:s4+s2] =	stream.indirect_vreg.scatter [tilespmem:s12], [sflag:$0x3], $0x80, v4, vm0, $0xb8;
	[tilespmem:$0x10200] =	vst v63  }
0x10a: {  	s24 =	simm.s32 $0x1000;
	v3 =	vadd.s32 v1, v3  }
0x10b: {  	[hbm4b:s5+s2] =	stream.indirect_vreg.scatter [tilespmem:s24], [sflag:$0x3], $0x80, v4, vm0, $0xb8;
	[tilespmem:$0x10200] =	vst v63  }
0x10c: {  	s25 =	simm.s32 $0x1800  }
0x10d: {  	[hbm4b:s6+s2] =	stream.indirect_vreg.scatter [tilespmem:s25], [sflag:$0x3], $0x80, v4, vm0, $0xb8;
	[tilespmem:$0x10200] =	vst v63  }
0x10e: {  	s20 =	simm.s32 $0x2000  }
0x10f: {  	[hbm4b:s3+s2] =	stream.indirect_vreg.scatter [tilespmem:s20], [sflag:$0x3], $0x80, v3, vm0, $0xb8;
	[tilespmem:$0x10200] =	vst v63  }
0x110: {  	s0 =	simm.s32 $0x2800  }
0x111: {  	[hbm4b:s4+s2] =	stream.indirect_vreg.scatter [tilespmem:s0], [sflag:$0x3], $0x80, v3, vm0, $0xb8;
	[tilespmem:$0x10200] =	vst v63  }
0x112: {  	s1 =	simm.s32 $0x3000  }
0x113: {  	[hbm4b:s5+s2] =	stream.indirect_vreg.scatter [tilespmem:s1], [sflag:$0x3], $0x80, v3, vm0, $0xb8;
	[tilespmem:$0x10200] =	vst v63  }
0x114: {  	s22 =	simm.s32 $0x3800  }
0x115: {  	[hbm4b:s6+s2] =	stream.indirect_vreg.scatter [tilespmem:s22], [sflag:$0x3], $0x80, v3, vm0, $0xb8;
	[tilespmem:$0x10200] =	vst v63  }
0x116: {  	v3 =	vld [tilespmem:$0x10010];
	_ =	sdelay $0x4  }
0x117: {  	v57 =	vshll.u32 v3, $0x3  }
0x118: {  	v3 =	vand.u32 $0x7, v3;
	v4 =	vand.u32 $0xFFFFFFC0, v57  }
0x119: {  	v3 =	vor.u32 v3, v4  }
0x11a: {  	v4 =	vperm.xlane v3, v0;
	_ =	sdelay $0x1  }
0x11b: {  	v4 =	vadd.s32 v1, v4;
	_ =	sdelay $0x3  }
0x11c: {  	s26 =	simm.s32 $0x4000  }
0x11d: {  	[hbm4b:s3+s2] =	stream.indirect_vreg.scatter [tilespmem:s26], [sflag:$0x3], $0x80, v4, vm0, $0xb8;
	[tilespmem:$0x10200] =	vst v63  }
0x11e: {  	s28 =	simm.s32 $0x4800;
	v3 =	vperm.xlane v3, v2  }
0x11f: {  	[hbm4b:s4+s2] =	stream.indirect_vreg.scatter [tilespmem:s28], [sflag:$0x3], $0x80, v4, vm0, $0xb8;
	[tilespmem:$0x10200] =	vst v63  }
0x120: {  	v3 =	vadd.s32 v1, v3  }
0x121: {  	[hbm4b:s5+s2] =	stream.indirect_vreg.scatter [tilespmem:s30], [sflag:$0x3], $0x80, v4, vm0, $0xb8;
	[tilespmem:$0x10200] =	vst v63  }
0x122: {  	_ = 	snop  }
0x123: {  	[hbm4b:s6+s2] =	stream.indirect_vreg.scatter [tilespmem:s29], [sflag:$0x3], $0x80, v4, vm0, $0xb8;
	[tilespmem:$0x10200] =	vst v63  }
0x124: {  	s9 =	simm.s32 $0x6000  }
0x125: {  	[hbm4b:s3+s2] =	stream.indirect_vreg.scatter [tilespmem:s9], [sflag:$0x3], $0x80, v3, vm0, $0xb8;
	[tilespmem:$0x10200] =	vst v63  }
0x126: {  	s10 =	simm.s32 $0x6800  }
0x127: {  	[hbm4b:s4+s2] =	stream.indirect_vreg.scatter [tilespmem:s10], [sflag:$0x3], $0x80, v3, vm0, $0xb8;
	[tilespmem:$0x10200] =	vst v63  }
0x128: {  	s11 =	simm.s32 $0x7000  }
0x129: {  	[hbm4b:s5+s2] =	stream.indirect_vreg.scatter [tilespmem:s11], [sflag:$0x3], $0x80, v3, vm0, $0xb8;
	[tilespmem:$0x10200] =	vst v63  }
0x12a: {  	s8 =	simm.s32 $0x7800  }
0x12b: {  	[hbm4b:s6+s2] =	stream.indirect_vreg.scatter [tilespmem:s8], [sflag:$0x3], $0x80, v3, vm0, $0xb8;
	[tilespmem:$0x10200] =	vst v63  }
0x12c: {  	v3 =	vld [tilespmem:$0x10100];
	_ =	sdelay $0x4  }
0x12d: {  	v58 =	vshll.u32 v3, $0x3  }
0x12e: {  	v3 =	vand.u32 $0x7, v3;
	v4 =	vand.u32 $0xFFFFFFC0, v58  }
0x12f: {  	v3 =	vor.u32 v3, v4  }
0x130: {  	v4 =	vperm.xlane v3, v0;
	_ =	sdelay $0x1  }
0x131: {  	v4 =	vadd.s32 v1, v4;
	_ =	sdelay $0x4  }
0x132: {  	[hbm4b:s3+s2] =	stream.indirect_vreg.scatter [tilespmem:s2], [sflag:$0x3], $0x80, v4, vm0, $0xb8;
	[tilespmem:$0x10200] =	vst v63  }
0x133: {  	v3 =	vperm.xlane v3, v2  }
0x134: {  	[hbm4b:s4+s2] =	stream.indirect_vreg.scatter [tilespmem:s12], [sflag:$0x3], $0x80, v4, vm0, $0xb8;
	[tilespmem:$0x10200] =	vst v63  }
0x135: {  	v3 =	vadd.s32 v1, v3  }
0x136: {  	[hbm4b:s5+s2] =	stream.indirect_vreg.scatter [tilespmem:s24], [sflag:$0x3], $0x80, v4, vm0, $0xb8;
	[tilespmem:$0x10200] =	vst v63  }
0x137: {  	_ = 	snop  }
0x138: {  	[hbm4b:s6+s2] =	stream.indirect_vreg.scatter [tilespmem:s25], [sflag:$0x3], $0x80, v4, vm0, $0xb8;
	[tilespmem:$0x10200] =	vst v63  }
0x139: {  	_ = 	snop  }
0x13a: {  	[hbm4b:s3+s2] =	stream.indirect_vreg.scatter [tilespmem:s20], [sflag:$0x3], $0x80, v3, vm0, $0xb8;
	[tilespmem:$0x10200] =	vst v63  }
0x13b: {  	_ = 	snop  }
0x13c: {  	[hbm4b:s4+s2] =	stream.indirect_vreg.scatter [tilespmem:s0], [sflag:$0x3], $0x80, v3, vm0, $0xb8;
	[tilespmem:$0x10200] =	vst v63  }
0x13d: {  	_ = 	snop  }
0x13e: {  	[hbm4b:s5+s2] =	stream.indirect_vreg.scatter [tilespmem:s1], [sflag:$0x3], $0x80, v3, vm0, $0xb8;
	[tilespmem:$0x10200] =	vst v63  }
0x13f: {  	_ = 	snop  }
0x140: {  	[hbm4b:s6+s2] =	stream.indirect_vreg.scatter [tilespmem:s22], [sflag:$0x3], $0x80, v3, vm0, $0xb8;
	[tilespmem:$0x10200] =	vst v63  }
0x141: {  	v3 =	vld [tilespmem:$0x10110];
	_ =	sdelay $0x4  }
0x142: {  	v59 =	vshll.u32 v3, $0x3  }
0x143: {  	v3 =	vand.u32 $0x7, v3;
	v4 =	vand.u32 $0xFFFFFFC0, v59  }
0x144: {  	v3 =	vor.u32 v3, v4  }
0x145: {  	v4 =	vperm.xlane v3, v0;
	_ =	sdelay $0x1  }
0x146: {  	v4 =	vadd.s32 v1, v4;
	_ =	sdelay $0x4  }
0x147: {  	[hbm4b:s3+s2] =	stream.indirect_vreg.scatter [tilespmem:s26], [sflag:$0x3], $0x80, v4, vm0, $0xb8;
	[tilespmem:$0x10200] =	vst v63  }
0x148: {  	v3 =	vperm.xlane v3, v2  }
0x149: {  	[hbm4b:s4+s2] =	stream.indirect_vreg.scatter [tilespmem:s28], [sflag:$0x3], $0x80, v4, vm0, $0xb8;
	[tilespmem:$0x10200] =	vst v63  }
0x14a: {  	v3 =	vadd.s32 v1, v3  }
0x14b: {  	[hbm4b:s5+s2] =	stream.indirect_vreg.scatter [tilespmem:s30], [sflag:$0x3], $0x80, v4, vm0, $0xb8;
	[tilespmem:$0x10200] =	vst v63  }
0x14c: {  	_ = 	snop  }
0x14d: {  	[hbm4b:s6+s2] =	stream.indirect_vreg.scatter [tilespmem:s29], [sflag:$0x3], $0x80, v4, vm0, $0xb8;
	[tilespmem:$0x10200] =	vst v63  }
0x14e: {  	_ = 	snop  }
0x14f: {  	[hbm4b:s3+s2] =	stream.indirect_vreg.scatter [tilespmem:s9], [sflag:$0x3], $0x80, v3, vm0, $0xb8;
	[tilespmem:$0x10200] =	vst v63  }
0x150: {  	_ = 	snop  }
0x151: {  	[hbm4b:s4+s2] =	stream.indirect_vreg.scatter [tilespmem:s10], [sflag:$0x3], $0x80, v3, vm0, $0xb8;
	[tilespmem:$0x10200] =	vst v63  }
0x152: {  	_ = 	snop  }
0x153: {  	[hbm4b:s5+s2] =	stream.indirect_vreg.scatter [tilespmem:s11], [sflag:$0x3], $0x80, v3, vm0, $0xb8;
	[tilespmem:$0x10200] =	vst v63  }
0x154: {  	_ = 	snop  }
0x155: {  	[hbm4b:s6+s2] =	stream.indirect_vreg.scatter [tilespmem:s8], [sflag:$0x3], $0x80, v3, vm0, $0xb8;
	[tilespmem:$0x10200] =	vst v63  }
0x156: {  	_ =	swait.ge [sflag:s31], $0x8000  }
0x157: {  	[sflag:s31] =	ssyncset.done $0x0  }
0x158: {  	[sflag:s31] =	ssyncadd.s32 $0xFFFF8000  }
0x159: {  	_ =	swait.ge [sflag:s31], $0x20  }
0x15a: {  	[sflag:s31] =	ssyncset.done $0x0  }
0x15b: {  	[sflag:s31] =	ssyncadd.s32 $0xFFFFFFE0  }
0x15c: {  	_ =	swait.ge [sflag:s31], $0x20  }
0x15d: {  	[sflag:s31] =	ssyncset.done $0x0  }
0x15e: {  	[sflag:s31] =	ssyncadd.s32 $0xFFFFFFE0  }
0x15f: {  	v3 =	vld [tilespmem:$0x10080];
	_ =	sdelay $0x4  }
0x160: {  	v60 =	vshll.u32 v3, $0x3  }
0x161: {  	v3 =	vand.u32 $0x7, v3;
	v4 =	vand.u32 $0xFFFFFFC0, v60  }
0x162: {  	v3 =	vor.u32 v3, v4  }
0x163: {  	v4 =	vperm.xlane v3, v0;
	_ =	sdelay $0x1  }
0x164: {  	v4 =	vadd.s32 v1, v4;
	_ =	sdelay $0x3  }
0x165: {  	s1 =	simm.s32 $0x8000  }
0x166: {  	[hbm4b:s3+s2] =	stream.indirect_vreg.scatter [tilespmem:s1], [sflag:$0x4], $0x80, v4, vm0, $0xb8;
	[tilespmem:$0x10200] =	vst v63  }
0x167: {  	s8 =	simm.s32 $0x8800;
	v3 =	vperm.xlane v3, v2  }
0x168: {  	[hbm4b:s4+s2] =	stream.indirect_vreg.scatter [tilespmem:s8], [sflag:$0x4], $0x80, v4, vm0, $0xb8;
	[tilespmem:$0x10200] =	vst v63  }
0x169: {  	s9 =	simm.s32 $0x9000;
	v3 =	vadd.s32 v1, v3  }
0x16a: {  	[hbm4b:s5+s2] =	stream.indirect_vreg.scatter [tilespmem:s9], [sflag:$0x4], $0x80, v4, vm0, $0xb8;
	[tilespmem:$0x10200] =	vst v63  }
0x16b: {  	_ = 	snop  }
0x16c: {  	[hbm4b:s6+s2] =	stream.indirect_vreg.scatter [tilespmem:s21], [sflag:$0x4], $0x80, v4, vm0, $0xb8;
	[tilespmem:$0x10200] =	vst v63  }
0x16d: {  	s10 =	simm.s32 $0xA000  }
0x16e: {  	[hbm4b:s3+s2] =	stream.indirect_vreg.scatter [tilespmem:s10], [sflag:$0x4], $0x80, v3, vm0, $0xb8;
	[tilespmem:$0x10200] =	vst v63  }
0x16f: {  	s11 =	simm.s32 $0xA800  }
0x170: {  	[hbm4b:s4+s2] =	stream.indirect_vreg.scatter [tilespmem:s11], [sflag:$0x4], $0x80, v3, vm0, $0xb8;
	[tilespmem:$0x10200] =	vst v63  }
0x171: {  	s12 =	simm.s32 $0xB000  }
0x172: {  	[hbm4b:s5+s2] =	stream.indirect_vreg.scatter [tilespmem:s12], [sflag:$0x4], $0x80, v3, vm0, $0xb8;
	[tilespmem:$0x10200] =	vst v63  }
0x173: {  	s24 =	simm.s32 $0xB800  }
0x174: {  	[hbm4b:s6+s2] =	stream.indirect_vreg.scatter [tilespmem:s24], [sflag:$0x4], $0x80, v3, vm0, $0xb8;
	[tilespmem:$0x10200] =	vst v63  }
0x175: {  	v3 =	vld [tilespmem:$0x10090];
	_ =	sdelay $0x4  }
0x176: {  	v61 =	vshll.u32 v3, $0x3  }
0x177: {  	v3 =	vand.u32 $0x7, v3;
	v4 =	vand.u32 $0xFFFFFFC0, v61  }
0x178: {  	v3 =	vor.u32 v3, v4  }
0x179: {  	v4 =	vperm.xlane v3, v0;
	_ =	sdelay $0x1  }
0x17a: {  	v4 =	vadd.s32 v1, v4;
	_ =	sdelay $0x3  }
0x17b: {  	s25 =	simm.s32 $0xC000  }
0x17c: {  	[hbm4b:s3+s2] =	stream.indirect_vreg.scatter [tilespmem:s25], [sflag:$0x4], $0x80, v4, vm0, $0xb8;
	[tilespmem:$0x10200] =	vst v63  }
0x17d: {  	s26 =	simm.s32 $0xC800;
	v3 =	vperm.xlane v3, v2  }
0x17e: {  	[hbm4b:s4+s2] =	stream.indirect_vreg.scatter [tilespmem:s26], [sflag:$0x4], $0x80, v4, vm0, $0xb8;
	[tilespmem:$0x10200] =	vst v63  }
0x17f: {  	v3 =	vadd.s32 v1, v3  }
0x180: {  	[hbm4b:s5+s2] =	stream.indirect_vreg.scatter [tilespmem:s14], [sflag:$0x4], $0x80, v4, vm0, $0xb8;
	[tilespmem:$0x10200] =	vst v63  }
0x181: {  	_ = 	snop  }
0x182: {  	[hbm4b:s6+s2] =	stream.indirect_vreg.scatter [tilespmem:s15], [sflag:$0x4], $0x80, v4, vm0, $0xb8;
	[tilespmem:$0x10200] =	vst v63  }
0x183: {  	_ = 	snop  }
0x184: {  	[hbm4b:s3+s2] =	stream.indirect_vreg.scatter [tilespmem:s16], [sflag:$0x4], $0x80, v3, vm0, $0xb8;
	[tilespmem:$0x10200] =	vst v63  }
0x185: {  	_ = 	snop  }
0x186: {  	[hbm4b:s4+s2] =	stream.indirect_vreg.scatter [tilespmem:s17], [sflag:$0x4], $0x80, v3, vm0, $0xb8;
	[tilespmem:$0x10200] =	vst v63  }
0x187: {  	_ = 	snop  }
0x188: {  	[hbm4b:s5+s2] =	stream.indirect_vreg.scatter [tilespmem:s18], [sflag:$0x4], $0x80, v3, vm0, $0xb8;
	[tilespmem:$0x10200] =	vst v63  }
0x189: {  	_ = 	snop  }
0x18a: {  	[hbm4b:s6+s2] =	stream.indirect_vreg.scatter [tilespmem:s19], [sflag:$0x4], $0x80, v3, vm0, $0xb8;
	[tilespmem:$0x10200] =	vst v63  }
0x18b: {  	v3 =	vld [tilespmem:$0x10180];
	_ =	sdelay $0x4  }
0x18c: {  	v62 =	vshll.u32 v3, $0x3  }
0x18d: {  	v3 =	vand.u32 $0x7, v3;
	v4 =	vand.u32 $0xFFFFFFC0, v62  }
0x18e: {  	v3 =	vor.u32 v3, v4  }
0x18f: {  	v4 =	vperm.xlane v3, v0;
	_ =	sdelay $0x1  }
0x190: {  	v4 =	vadd.s32 v1, v4;
	_ =	sdelay $0x4  }
0x191: {  	[hbm4b:s3+s2] =	stream.indirect_vreg.scatter [tilespmem:s1], [sflag:$0x4], $0x80, v4, vm0, $0xb8;
	[tilespmem:$0x10200] =	vst v63  }
0x192: {  	v3 =	vperm.xlane v3, v2  }
0x193: {  	[hbm4b:s4+s2] =	stream.indirect_vreg.scatter [tilespmem:s8], [sflag:$0x4], $0x80, v4, vm0, $0xb8;
	[tilespmem:$0x10200] =	vst v63  }
0x194: {  	v3 =	vadd.s32 v1, v3  }
0x195: {  	[hbm4b:s5+s2] =	stream.indirect_vreg.scatter [tilespmem:s9], [sflag:$0x4], $0x80, v4, vm0, $0xb8;
	[tilespmem:$0x10200] =	vst v63  }
0x196: {  	_ = 	snop  }
0x197: {  	[hbm4b:s6+s2] =	stream.indirect_vreg.scatter [tilespmem:s21], [sflag:$0x4], $0x80, v4, vm0, $0xb8;
	[tilespmem:$0x10200] =	vst v63  }
0x198: {  	_ = 	snop  }
0x199: {  	[hbm4b:s3+s2] =	stream.indirect_vreg.scatter [tilespmem:s10], [sflag:$0x4], $0x80, v3, vm0, $0xb8;
	[tilespmem:$0x10200] =	vst v63  }
0x19a: {  	_ = 	snop  }
0x19b: {  	[hbm4b:s4+s2] =	stream.indirect_vreg.scatter [tilespmem:s11], [sflag:$0x4], $0x80, v3, vm0, $0xb8;
	[tilespmem:$0x10200] =	vst v63  }
0x19c: {  	_ = 	snop  }
0x19d: {  	[hbm4b:s5+s2] =	stream.indirect_vreg.scatter [tilespmem:s12], [sflag:$0x4], $0x80, v3, vm0, $0xb8;
	[tilespmem:$0x10200] =	vst v63  }
0x19e: {  	_ = 	snop  }
0x19f: {  	[hbm4b:s6+s2] =	stream.indirect_vreg.scatter [tilespmem:s24], [sflag:$0x4], $0x80, v3, vm0, $0xb8;
	[tilespmem:$0x10200] =	vst v63  }
0x1a0: {  	v3 =	vld [tilespmem:$0x10190];
	_ =	sdelay $0x4  }
0x1a1: {  	v63 =	vshll.u32 v3, $0x3  }
0x1a2: {  	v3 =	vand.u32 $0x7, v3;
	v4 =	vand.u32 $0xFFFFFFC0, v63  }
0x1a3: {  	v3 =	vor.u32 v3, v4  }
0x1a4: {  	v4 =	vperm.xlane v3, v0;
	_ =	sdelay $0x1  }
0x1a5: {  	v4 =	vadd.s32 v1, v4;
	_ =	sdelay $0x4  }
0x1a6: {  	[hbm4b:s3+s2] =	stream.indirect_vreg.scatter [tilespmem:s25], [sflag:$0x4], $0x80, v4, vm0, $0xb8;
	[tilespmem:$0x10200] =	vst v63  }
0x1a7: {  	v3 =	vperm.xlane v3, v2  }
0x1a8: {  	[hbm4b:s4+s2] =	stream.indirect_vreg.scatter [tilespmem:s26], [sflag:$0x4], $0x80, v4, vm0, $0xb8;
	[tilespmem:$0x10200] =	vst v63  }
0x1a9: {  	v3 =	vadd.s32 v1, v3  }
0x1aa: {  	[hbm4b:s5+s2] =	stream.indirect_vreg.scatter [tilespmem:s14], [sflag:$0x4], $0x80, v4, vm0, $0xb8;
	[tilespmem:$0x10200] =	vst v63  }
0x1ab: {  	_ = 	snop  }
0x1ac: {  	[hbm4b:s6+s2] =	stream.indirect_vreg.scatter [tilespmem:s15], [sflag:$0x4], $0x80, v4, vm0, $0xb8;
	[tilespmem:$0x10200] =	vst v63  }
0x1ad: {  	_ = 	snop  }
0x1ae: {  	[hbm4b:s3+s2] =	stream.indirect_vreg.scatter [tilespmem:s16], [sflag:$0x4], $0x80, v3, vm0, $0xb8;
	[tilespmem:$0x10200] =	vst v63  }
0x1af: {  	_ = 	snop  }
0x1b0: {  	[hbm4b:s4+s2] =	stream.indirect_vreg.scatter [tilespmem:s17], [sflag:$0x4], $0x80, v3, vm0, $0xb8;
	[tilespmem:$0x10200] =	vst v63  }
0x1b1: {  	_ = 	snop  }
0x1b2: {  	[hbm4b:s5+s2] =	stream.indirect_vreg.scatter [tilespmem:s18], [sflag:$0x4], $0x80, v3, vm0, $0xb8;
	[tilespmem:$0x10200] =	vst v63  }
0x1b3: {  	_ = 	snop  }
0x1b4: {  	[hbm4b:s6+s2] =	stream.indirect_vreg.scatter [tilespmem:s19], [sflag:$0x4], $0x80, v3, vm0, $0xb8;
	[tilespmem:$0x10200] =	vst v63  }
0x1b5: {  	s28 =	rddreg [dreg:$0xf];
	_ =	swait.ge [sflag:s23], $0x8000  }
0x1b6: {  	[sflag:s23] =	ssyncset.done $0x0  }
0x1b7: {  	[sflag:s23] =	ssyncadd.s32 $0xFFFF8000  }
0x1b8: {  	_ =	swait.ge [sflag:s23], $0x8000  }
0x1b9: {  	[sflag:s23] =	ssyncset.done $0x0  }
0x1ba: {  	[sflag:s23] =	ssyncadd.s32 $0xFFFF8000  }
0x1bb: {  	p0 =	sne.s32 s28, $0x1;
	_ =	swait.ge [sflag:s7], $0x8000  }
.Ltmp0:
0x1bc: {  	[sflag:s7] =	ssyncset.done $0x0;
	(pc) =	sbr.rel @p0 .LBB2_1-.Ltmp0, $4  }
0x1bd: {  	[sflag:s7] =	ssyncadd.s32 $0xFFFF8000  }
0x1be: {  	_ =	swait.ge [sflag:s7], $0x8000  }
0x1bf: {  	[sflag:s7] =	ssyncset.done $0x0  }
0x1c0: {  	s0 =	sadd.s32 $0xFFFFFFFF, s28;
	[sflag:s7] =	ssyncadd.s32 $0xFFFF8000  }
0x1c1: {  	_ =	sfence.sel $0x180000  }
0x1c2: {  	[bflag:$0x0] =	sbarrier.arrive $0xFFFF  }
0x1c3: {  	_ =	strace $0x90000047  }
0x1c4: {  	s0 =	stileid.u32;
	[bflag:$0x2] =	sbarrier.arrive $0xFFFF  }
0x1c5: {  	p0 =	sne.s32 s0, $0x0;
	s0 =	rddreg [dreg:$0x2]  }
0x1c6: {  	s0 =	sadd.s32 @!p0 $0x100000, s0  }
0x1c7: {  	[sflag:s0] =	ssyncadd.tile.s32 @!p0 $0x1;
	_ =	shalt  }
.Lfunc_end2:
_tile_overlayer_lowered:
.L_overlay_start_2:
0x1c8: {  	(tag) =	ssettag $0x2  }
0x1c9: {  	s0 =	rddreg [dreg:$0x0];
	s2 =	stileid.u32  }
0x1ca: {  	s1 =	rddreg [dreg:$0x1];
	p0 =	sne.s32 s2, $0x0  }
0x1cb: {  	s3 =	rddreg [dreg:$0x2];
	[bflag:$0x3] =	sbarrier.arrive $0xFFFF;
	s2 =	simm.s32 @!p0 $0x1C05  }
0x1cc: {  	[timem:s3], [sflag:s2] =	dma.local @!p0 [hbm:s0], s1  }
0x1cd: {  	s0 =	simm.s32 @!p0 $0x5  }
0x1ce: {  	_ =	swait.ge @!p0 [sflag:s0], s1  }
0x1cf: {  	s1 =	ssub.s32 @!p0 $0x0, s1;
	[sflag:s0] =	ssyncset.done @!p0 $0x0  }
0x1d0: {  	[sflag:s0] =	ssyncadd.s32 @!p0 s1  }
0x1d1: {  	[bflag:$0x3] =	sbarrier.arrive $0xFFFF  }
0x1d2: {  	_ =	shalt  }

</sc_bundles>
